<compile_context>
chip_gen: v7x
topology: tpu7x:2x2x1
jax: 0.10.2.dev20260603
libtpu: 0.0.44.dev20260713+nightly
codegen_flags: <defaults>
</compile_context>

<pallas_src>
import jax
import jax.numpy as jnp
from jax import lax
from jax.experimental import pallas as pl
from jax.experimental.pallas import tpu as pltpu
from jax.experimental.pallas import tpu_sc as plsc

B = 1024
SIZE = 26
D = 4096
NUM_LEVELS = 100
LANES = 16
NSUB = 16
NTILES = 32
COLS = D // NTILES
CHUNK = 4
NCHUNK = B // CHUNK
CVR = COLS // LANES


def _sc_kernel(x_ref, pos_ref, lev_ref, out_ref,
               lev_sh, w_v, psum_v, x_v, idx_v, rows_v, out_v, sem):
    cid = lax.axis_index("c")
    sid = lax.axis_index("s")
    col0 = (cid * NSUB + sid) * COLS

    pltpu.sync_copy(lev_ref.at[:, pl.ds(col0, COLS)],
                    lev_sh.at[pl.ds(sid * NUM_LEVELS, NUM_LEVELS), :])
    pltpu.sync_copy(pos_ref.at[:, pl.ds(col0, COLS)], w_v)
    pltpu.sync_copy(x_ref, x_v)
    plsc.subcore_barrier()

    for c in range(CVR):
        acc = jnp.zeros((LANES,), jnp.float32)
        for s in range(SIZE):
            acc = acc + w_v[s, pl.ds(c * LANES, LANES)]
        psum_v[pl.ds(c * LANES, LANES)] = acc

    def _flip(s, _):
        for c in range(CVR):
            p = w_v[s, pl.ds(c * LANES, LANES)]
            w_v[s, pl.ds(c * LANES, LANES)] = 1.0 - 2.0 * p
        return ()
    lax.fori_loop(0, SIZE, _flip, (), unroll=False)

    row0 = sid * NUM_LEVELS

    def _quant(i, _):
        v = x_v[pl.ds(i * LANES, LANES)] * float(NUM_LEVELS)
        vi = v.astype(jnp.int32)
        vi = jnp.minimum(jnp.maximum(vi, 0), NUM_LEVELS - 1) + row0
        idx_v[pl.ds(i * LANES, LANES)] = vi
        return ()
    lax.fori_loop(0, (B * SIZE) // LANES, _quant, (), unroll=False)

    def _chunk(g, _):
        idxc = idx_v.at[pl.ds(g * (CHUNK * SIZE), CHUNK * SIZE)]
        pltpu.async_copy(lev_sh.at[idxc], rows_v, sem).wait()

        for b in range(CHUNK):
            for c in range(CVR):
                out_v[b, pl.ds(c * LANES, LANES)] = psum_v[
                    pl.ds(c * LANES, LANES)]

        def _slot(s, _):
            for b in range(CHUNK):
                for c in range(CVR):
                    r = rows_v[b * SIZE + s, pl.ds(c * LANES, LANES)]
                    w = w_v[s, pl.ds(c * LANES, LANES)]
                    plsc.addupdate(out_v.at[b, pl.ds(c * LANES, LANES)],
                                   r * w)
            return ()
        lax.fori_loop(0, SIZE, _slot, (), unroll=False)

        pltpu.sync_copy(out_v,
                        out_ref.at[pl.ds(g * CHUNK, CHUNK),
                                   pl.ds(col0, COLS)])
        return ()
    lax.fori_loop(0, NCHUNK, _chunk, (), unroll=False)


@jax.jit
def kernel(x, position, levels):
    run = pl.kernel(
        _sc_kernel,
        mesh=plsc.VectorSubcoreMesh(core_axis_name="c", subcore_axis_name="s"),
        out_type=jax.ShapeDtypeStruct((B, D), jnp.float32),
        scratch_types=[
            pltpu.VMEM_SHARED((NSUB * NUM_LEVELS, COLS), jnp.float32),
            pltpu.VMEM((SIZE, COLS), jnp.float32),
            pltpu.VMEM((COLS,), jnp.float32),
            pltpu.VMEM((B * SIZE,), jnp.float32),
            pltpu.VMEM((B * SIZE,), jnp.int32),
            pltpu.VMEM((CHUNK * SIZE, COLS), jnp.float32),
            pltpu.VMEM((CHUNK, COLS), jnp.float32),
            pltpu.SemaphoreType.DMA,
        ],
    )
    return run(x.reshape(B * SIZE), position, levels)

# --- scband reference (transcript-rebuilt; emitter-appended) ---
"""Pipeline reference for scband-record-encoder-32023276158996 (READ-ONLY COPY).

The authoritative reference and input builder live on the scoring server;
editing this copy changes nothing except your own understanding.
"""

import jax, jax.numpy as jnp
import numpy as np

B = 1024
SIZE = 26
D = 4096
NUM_LEVELS = 100


def setup_inputs(seed: int = 0) -> dict:
    key = jax.random.key(seed)
    k1, k2, k3 = jax.random.split(key, 3)
    # continuous record values in [0, 1)
    x = jax.random.uniform(k1, (B, SIZE), dtype=jnp.float32)
    # BSC (binary spatter code) hypervectors represented as {0,1} floats
    position = jax.random.randint(k2, (SIZE, D), 0, 2).astype(jnp.float32)
    levels = jax.random.randint(k3, (NUM_LEVELS, D), 0, 2).astype(jnp.float32)
    return {"x": x, "position": position, "levels": levels}


def reference(x, position, levels):
    # ScatterCode / Level-style value encoding: quantize x into num_levels bins
    # and gather the corresponding level hypervector.
    L = levels.shape[0]
    idx = jnp.clip(jnp.floor(x * L), 0, L - 1).astype(jnp.int32)  # [B, SIZE]
    v = jnp.take(levels, idx, axis=0)  # [B, SIZE, D]
    # torchhd.bind for BSC is XOR; on {0,1} floats: a XOR b = a + b - 2ab
    p = position[None, :, :]  # [1, SIZE, D]
    bound = p + v - 2.0 * p * v  # [B, SIZE, D]
    # torchhd.multiset: bundle across the SIZE axis (bit counts; majority
    # thresholding omitted so the reference stays real-valued)
    out = jnp.sum(bound, axis=1)  # [B, D]
    return out

if __name__ == "__main__":
    import jax
    _d = setup_inputs()
    print(jax.jit(kernel)(*tuple(_d.values())))

</pallas_src>

<mosaic_0001>
#map = affine_map<(d0, d1) -> (0)>
#map1 = affine_map<(d0, d1) -> (0, 0)>
module attributes {stable_mosaic.version = 14 : i64} {
  func.func @_sc_kernel(%arg0: i32, %arg1: i32, %arg2: memref<26624xf32, #tpu.memory_space<hbm>>, %arg3: memref<26x4096xf32, #tpu.memory_space<hbm>>, %arg4: memref<100x4096xf32, #tpu.memory_space<hbm>>, %arg5: memref<1024x4096xf32, #tpu.memory_space<hbm>>, %arg6: memref<1600x128xf32, #tpu.memory_space<vmem_shared>>, %arg7: memref<26x128xf32, #tpu.memory_space<vmem>>, %arg8: memref<128xf32, #tpu.memory_space<vmem>>, %arg9: memref<26624xf32, #tpu.memory_space<vmem>>, %arg10: memref<26624xi32, #tpu.memory_space<vmem>>, %arg11: memref<104x128xf32, #tpu.memory_space<vmem>>, %arg12: memref<4x128xf32, #tpu.memory_space<vmem>>, %arg13: memref<!tpu.dma_semaphore, #tpu.memory_space<semaphore_mem>>) attributes {dimension_semantics = [#tpu.dimension_semantics<core_parallel>, #tpu.dimension_semantics<subcore_parallel>], iteration_bounds = array<i64: 2, 16>, scalar_prefetch = 0 : i64, scratch_operands = 8 : i64, tpu.core_type = #tpu.core_type<sc_vector_subcore>, window_params = [{transform_indices = #map}, {transform_indices = #map1}, {transform_indices = #map1}, {transform_indices = #map1}]} {
    %mul3A = arith.constant 16 : i32
    %mul3A_0 = arith.muli %arg0, %mul3A : i32
    %add3A = arith.addi %mul3A_0, %arg1 : i32
    %mul3A_1 = arith.constant 128 : i32
    %mul3A_2 = arith.muli %add3A, %mul3A_1 : i32
    %mul3A_3 = arith.constant 100 : i32
    %mul3A_4 = arith.muli %arg1, %mul3A_3 : i32
    "tpu.region"() ({
      %run_scoped3A = tpu.sem_alloc : memref<!tpu.dma_semaphore, #tpu.memory_space<semaphore_mem>>
      %dma_start3A = arith.constant 0 : i32
      %dma_start3A_1314 = tpu.memref_slice %arg6[%mul3A_4, %dma_start3A] : memref<1600x128xf32, #tpu.memory_space<vmem_shared>> -> memref<100x128xf32, #tpu.memory_space<vmem_shared>>
      %dma_start3A_1315 = arith.constant 0 : i32
      %dma_start3A_1316 = tpu.memref_slice %arg4[%dma_start3A_1315, %mul3A_2] : memref<100x4096xf32, #tpu.memory_space<hbm>> -> memref<100x128xf32, #tpu.memory_space<hbm>>
      tpu.enqueue_dma source(%dma_start3A_1316 : memref<100x128xf32, #tpu.memory_space<hbm>>) target(%dma_start3A_1314 : memref<100x128xf32, #tpu.memory_space<vmem_shared>>) target_semaphore(%run_scoped3A : memref<!tpu.dma_semaphore, #tpu.memory_space<semaphore_mem>>)
      %dma_wait3A = arith.constant 0 : i32
      %dma_wait3A_1317 = tpu.memref_slice %arg6[%mul3A_4, %dma_wait3A] : memref<1600x128xf32, #tpu.memory_space<vmem_shared>> -> memref<100x128xf32, #tpu.memory_space<vmem_shared>>
      %dma_wait3A_1318 = arith.constant 0 : i32
      %dma_wait3A_1319 = tpu.memref_slice %arg4[%dma_wait3A_1318, %mul3A_2] : memref<100x4096xf32, #tpu.memory_space<hbm>> -> memref<100x128xf32, #tpu.memory_space<hbm>>
      tpu.wait_dma2 semaphore(%run_scoped3A : memref<!tpu.dma_semaphore, #tpu.memory_space<semaphore_mem>>) src(%dma_wait3A_1319 : memref<100x128xf32, #tpu.memory_space<hbm>>) dst(%dma_wait3A_1317 : memref<100x128xf32, #tpu.memory_space<vmem_shared>>)
      tpu.yield
    }) : () -> ()
    "tpu.region"() ({
      %run_scoped3A = tpu.sem_alloc : memref<!tpu.dma_semaphore, #tpu.memory_space<semaphore_mem>>
      %dma_start3A = arith.constant 0 : i32
      %dma_start3A_1314 = tpu.memref_slice %arg3[%dma_start3A, %mul3A_2] : memref<26x4096xf32, #tpu.memory_space<hbm>> -> memref<26x128xf32, #tpu.memory_space<hbm>>
      %dma_start3A_1315 = arith.constant 0 : i32
      %dma_start3A_1316 = tpu.memref_slice %arg3[%dma_start3A_1315, %mul3A_2] : memref<26x4096xf32, #tpu.memory_space<hbm>> -> memref<26x128xf32, #tpu.memory_space<hbm>>
      tpu.enqueue_dma source(%dma_start3A_1316 : memref<26x128xf32, #tpu.memory_space<hbm>>) target(%arg7 : memref<26x128xf32, #tpu.memory_space<vmem>>) target_semaphore(%run_scoped3A : memref<!tpu.dma_semaphore, #tpu.memory_space<semaphore_mem>>)
      %dma_wait3A = arith.constant 0 : i32
      %dma_wait3A_1317 = tpu.memref_slice %arg3[%dma_wait3A, %mul3A_2] : memref<26x4096xf32, #tpu.memory_space<hbm>> -> memref<26x128xf32, #tpu.memory_space<hbm>>
      %dma_wait3A_1318 = arith.constant 0 : i32
      %dma_wait3A_1319 = tpu.memref_slice %arg3[%dma_wait3A_1318, %mul3A_2] : memref<26x4096xf32, #tpu.memory_space<hbm>> -> memref<26x128xf32, #tpu.memory_space<hbm>>
      tpu.wait_dma2 semaphore(%run_scoped3A : memref<!tpu.dma_semaphore, #tpu.memory_space<semaphore_mem>>) src(%dma_wait3A_1319 : memref<26x128xf32, #tpu.memory_space<hbm>>) dst(%arg7 : memref<26x128xf32, #tpu.memory_space<vmem>>)
      tpu.yield
    }) : () -> ()
    "tpu.region"() ({
      %run_scoped3A = tpu.sem_alloc : memref<!tpu.dma_semaphore, #tpu.memory_space<semaphore_mem>>
      tpu.enqueue_dma source(%arg2 : memref<26624xf32, #tpu.memory_space<hbm>>) target(%arg9 : memref<26624xf32, #tpu.memory_space<vmem>>) target_semaphore(%run_scoped3A : memref<!tpu.dma_semaphore, #tpu.memory_space<semaphore_mem>>)
      tpu.wait_dma2 semaphore(%run_scoped3A : memref<!tpu.dma_semaphore, #tpu.memory_space<semaphore_mem>>) src(%arg2 : memref<26624xf32, #tpu.memory_space<hbm>>) dst(%arg9 : memref<26624xf32, #tpu.memory_space<vmem>>)
      tpu.yield
    }) : () -> ()
    %barrier3A = arith.constant 0 : index
    tpu.barrier barrier_id(%barrier3A)
    %broadcast_in_dim3A = arith.constant 0.000000e+00 : f32
    %broadcast_in_dim3A_5 = vector.broadcast %broadcast_in_dim3A : f32 to vector<16xf32>
    %get3A = arith.constant 0 : i32
    %get3A_6 = arith.index_cast %get3A : i32 to index
    %get3A_7 = arith.constant 0 : index
    %get3A_8 = tpu.vector_load %arg7[%get3A_6, %get3A_7] {strides = array<i32>} : memref<26x128xf32, #tpu.memory_space<vmem>>, vector<1x16xf32>,
    %get3A_9 = vector.shape_cast %get3A_8 : vector<1x16xf32> to vector<16xf32>
    %add3A_10 = arith.addf %broadcast_in_dim3A_5, %get3A_9 : vector<16xf32>
    %get3A_11 = arith.constant 1 : i32
    %get3A_12 = arith.index_cast %get3A_11 : i32 to index
    %get3A_13 = arith.constant 0 : index
    %get3A_14 = tpu.vector_load %arg7[%get3A_12, %get3A_13] {strides = array<i32>} : memref<26x128xf32, #tpu.memory_space<vmem>>, vector<1x16xf32>,
    %get3A_15 = vector.shape_cast %get3A_14 : vector<1x16xf32> to vector<16xf32>
    %add3A_16 = arith.addf %add3A_10, %get3A_15 : vector<16xf32>
    %get3A_17 = arith.constant 2 : i32
    %get3A_18 = arith.index_cast %get3A_17 : i32 to index
    %get3A_19 = arith.constant 0 : index
    %get3A_20 = tpu.vector_load %arg7[%get3A_18, %get3A_19] {strides = array<i32>} : memref<26x128xf32, #tpu.memory_space<vmem>>, vector<1x16xf32>,
    %get3A_21 = vector.shape_cast %get3A_20 : vector<1x16xf32> to vector<16xf32>
    %add3A_22 = arith.addf %add3A_16, %get3A_21 : vector<16xf32>
    %get3A_23 = arith.constant 3 : i32
    %get3A_24 = arith.index_cast %get3A_23 : i32 to index
    %get3A_25 = arith.constant 0 : index
    %get3A_26 = tpu.vector_load %arg7[%get3A_24, %get3A_25] {strides = array<i32>} : memref<26x128xf32, #tpu.memory_space<vmem>>, vector<1x16xf32>,
    %get3A_27 = vector.shape_cast %get3A_26 : vector<1x16xf32> to vector<16xf32>
    %add3A_28 = arith.addf %add3A_22, %get3A_27 : vector<16xf32>
    %get3A_29 = arith.constant 4 : i32
    %get3A_30 = arith.index_cast %get3A_29 : i32 to index
    %get3A_31 = arith.constant 0 : index
    %get3A_32 = tpu.vector_load %arg7[%get3A_30, %get3A_31] {strides = array<i32>} : memref<26x128xf32, #tpu.memory_space<vmem>>, vector<1x16xf32>,
    %get3A_33 = vector.shape_cast %get3A_32 : vector<1x16xf32> to vector<16xf32>
    %add3A_34 = arith.addf %add3A_28, %get3A_33 : vector<16xf32>
    %get3A_35 = arith.constant 5 : i32
    %get3A_36 = arith.index_cast %get3A_35 : i32 to index
    %get3A_37 = arith.constant 0 : index
    %get3A_38 = tpu.vector_load %arg7[%get3A_36, %get3A_37] {strides = array<i32>} : memref<26x128xf32, #tpu.memory_space<vmem>>, vector<1x16xf32>,
    %get3A_39 = vector.shape_cast %get3A_38 : vector<1x16xf32> to vector<16xf32>
    %add3A_40 = arith.addf %add3A_34, %get3A_39 : vector<16xf32>
    %get3A_41 = arith.constant 6 : i32
    %get3A_42 = arith.index_cast %get3A_41 : i32 to index
    %get3A_43 = arith.constant 0 : index
    %get3A_44 = tpu.vector_load %arg7[%get3A_42, %get3A_43] {strides = array<i32>} : memref<26x128xf32, #tpu.memory_space<vmem>>, vector<1x16xf32>,
    %get3A_45 = vector.shape_cast %get3A_44 : vector<1x16xf32> to vector<16xf32>
    %add3A_46 = arith.addf %add3A_40, %get3A_45 : vector<16xf32>
    %get3A_47 = arith.constant 7 : i32
    %get3A_48 = arith.index_cast %get3A_47 : i32 to index
    %get3A_49 = arith.constant 0 : index
    %get3A_50 = tpu.vector_load %arg7[%get3A_48, %get3A_49] {strides = array<i32>} : memref<26x128xf32, #tpu.memory_space<vmem>>, vector<1x16xf32>,
    %get3A_51 = vector.shape_cast %get3A_50 : vector<1x16xf32> to vector<16xf32>
    %add3A_52 = arith.addf %add3A_46, %get3A_51 : vector<16xf32>
    %get3A_53 = arith.constant 8 : i32
    %get3A_54 = arith.index_cast %get3A_53 : i32 to index
    %get3A_55 = arith.constant 0 : index
    %get3A_56 = tpu.vector_load %arg7[%get3A_54, %get3A_55] {strides = array<i32>} : memref<26x128xf32, #tpu.memory_space<vmem>>, vector<1x16xf32>,
    %get3A_57 = vector.shape_cast %get3A_56 : vector<1x16xf32> to vector<16xf32>
    %add3A_58 = arith.addf %add3A_52, %get3A_57 : vector<16xf32>
    %get3A_59 = arith.constant 9 : i32
    %get3A_60 = arith.index_cast %get3A_59 : i32 to index
    %get3A_61 = arith.constant 0 : index
    %get3A_62 = tpu.vector_load %arg7[%get3A_60, %get3A_61] {strides = array<i32>} : memref<26x128xf32, #tpu.memory_space<vmem>>, vector<1x16xf32>,
    %get3A_63 = vector.shape_cast %get3A_62 : vector<1x16xf32> to vector<16xf32>
    %add3A_64 = arith.addf %add3A_58, %get3A_63 : vector<16xf32>
    %get3A_65 = arith.constant 10 : i32
    %get3A_66 = arith.index_cast %get3A_65 : i32 to index
    %get3A_67 = arith.constant 0 : index
    %get3A_68 = tpu.vector_load %arg7[%get3A_66, %get3A_67] {strides = array<i32>} : memref<26x128xf32, #tpu.memory_space<vmem>>, vector<1x16xf32>,
    %get3A_69 = vector.shape_cast %get3A_68 : vector<1x16xf32> to vector<16xf32>
    %add3A_70 = arith.addf %add3A_64, %get3A_69 : vector<16xf32>
    %get3A_71 = arith.constant 11 : i32
    %get3A_72 = arith.index_cast %get3A_71 : i32 to index
    %get3A_73 = arith.constant 0 : index
    %get3A_74 = tpu.vector_load %arg7[%get3A_72, %get3A_73] {strides = array<i32>} : memref<26x128xf32, #tpu.memory_space<vmem>>, vector<1x16xf32>,
    %get3A_75 = vector.shape_cast %get3A_74 : vector<1x16xf32> to vector<16xf32>
    %add3A_76 = arith.addf %add3A_70, %get3A_75 : vector<16xf32>
    %get3A_77 = arith.constant 12 : i32
    %get3A_78 = arith.index_cast %get3A_77 : i32 to index
    %get3A_79 = arith.constant 0 : index
    %get3A_80 = tpu.vector_load %arg7[%get3A_78, %get3A_79] {strides = array<i32>} : memref<26x128xf32, #tpu.memory_space<vmem>>, vector<1x16xf32>,
    %get3A_81 = vector.shape_cast %get3A_80 : vector<1x16xf32> to vector<16xf32>
    %add3A_82 = arith.addf %add3A_76, %get3A_81 : vector<16xf32>
    %get3A_83 = arith.constant 13 : i32
    %get3A_84 = arith.index_cast %get3A_83 : i32 to index
    %get3A_85 = arith.constant 0 : index
    %get3A_86 = tpu.vector_load %arg7[%get3A_84, %get3A_85] {strides = array<i32>} : memref<26x128xf32, #tpu.memory_space<vmem>>, vector<1x16xf32>,
    %get3A_87 = vector.shape_cast %get3A_86 : vector<1x16xf32> to vector<16xf32>
    %add3A_88 = arith.addf %add3A_82, %get3A_87 : vector<16xf32>
    %get3A_89 = arith.constant 14 : i32
    %get3A_90 = arith.index_cast %get3A_89 : i32 to index
    %get3A_91 = arith.constant 0 : index
    %get3A_92 = tpu.vector_load %arg7[%get3A_90, %get3A_91] {strides = array<i32>} : memref<26x128xf32, #tpu.memory_space<vmem>>, vector<1x16xf32>,
    %get3A_93 = vector.shape_cast %get3A_92 : vector<1x16xf32> to vector<16xf32>
    %add3A_94 = arith.addf %add3A_88, %get3A_93 : vector<16xf32>
    %get3A_95 = arith.constant 15 : i32
    %get3A_96 = arith.index_cast %get3A_95 : i32 to index
    %get3A_97 = arith.constant 0 : index
    %get3A_98 = tpu.vector_load %arg7[%get3A_96, %get3A_97] {strides = array<i32>} : memref<26x128xf32, #tpu.memory_space<vmem>>, vector<1x16xf32>,
    %get3A_99 = vector.shape_cast %get3A_98 : vector<1x16xf32> to vector<16xf32>
    %add3A_100 = arith.addf %add3A_94, %get3A_99 : vector<16xf32>
    %get3A_101 = arith.constant 16 : i32
    %get3A_102 = arith.index_cast %get3A_101 : i32 to index
    %get3A_103 = arith.constant 0 : index
    %get3A_104 = tpu.vector_load %arg7[%get3A_102, %get3A_103] {strides = array<i32>} : memref<26x128xf32, #tpu.memory_space<vmem>>, vector<1x16xf32>,
    %get3A_105 = vector.shape_cast %get3A_104 : vector<1x16xf32> to vector<16xf32>
    %add3A_106 = arith.addf %add3A_100, %get3A_105 : vector<16xf32>
    %get3A_107 = arith.constant 17 : i32
    %get3A_108 = arith.index_cast %get3A_107 : i32 to index
    %get3A_109 = arith.constant 0 : index
    %get3A_110 = tpu.vector_load %arg7[%get3A_108, %get3A_109] {strides = array<i32>} : memref<26x128xf32, #tpu.memory_space<vmem>>, vector<1x16xf32>,
    %get3A_111 = vector.shape_cast %get3A_110 : vector<1x16xf32> to vector<16xf32>
    %add3A_112 = arith.addf %add3A_106, %get3A_111 : vector<16xf32>
    %get3A_113 = arith.constant 18 : i32
    %get3A_114 = arith.index_cast %get3A_113 : i32 to index
    %get3A_115 = arith.constant 0 : index
    %get3A_116 = tpu.vector_load %arg7[%get3A_114, %get3A_115] {strides = array<i32>} : memref<26x128xf32, #tpu.memory_space<vmem>>, vector<1x16xf32>,
    %get3A_117 = vector.shape_cast %get3A_116 : vector<1x16xf32> to vector<16xf32>
    %add3A_118 = arith.addf %add3A_112, %get3A_117 : vector<16xf32>
    %get3A_119 = arith.constant 19 : i32
    %get3A_120 = arith.index_cast %get3A_119 : i32 to index
    %get3A_121 = arith.constant 0 : index
    %get3A_122 = tpu.vector_load %arg7[%get3A_120, %get3A_121] {strides = array<i32>} : memref<26x128xf32, #tpu.memory_space<vmem>>, vector<1x16xf32>,
    %get3A_123 = vector.shape_cast %get3A_122 : vector<1x16xf32> to vector<16xf32>
    %add3A_124 = arith.addf %add3A_118, %get3A_123 : vector<16xf32>
    %get3A_125 = arith.constant 20 : i32
    %get3A_126 = arith.index_cast %get3A_125 : i32 to index
    %get3A_127 = arith.constant 0 : index
    %get3A_128 = tpu.vector_load %arg7[%get3A_126, %get3A_127] {strides = array<i32>} : memref<26x128xf32, #tpu.memory_space<vmem>>, vector<1x16xf32>,
    %get3A_129 = vector.shape_cast %get3A_128 : vector<1x16xf32> to vector<16xf32>
    %add3A_130 = arith.addf %add3A_124, %get3A_129 : vector<16xf32>
    %get3A_131 = arith.constant 21 : i32
    %get3A_132 = arith.index_cast %get3A_131 : i32 to index
    %get3A_133 = arith.constant 0 : index
    %get3A_134 = tpu.vector_load %arg7[%get3A_132, %get3A_133] {strides = array<i32>} : memref<26x128xf32, #tpu.memory_space<vmem>>, vector<1x16xf32>,
    %get3A_135 = vector.shape_cast %get3A_134 : vector<1x16xf32> to vector<16xf32>
    %add3A_136 = arith.addf %add3A_130, %get3A_135 : vector<16xf32>
    %get3A_137 = arith.constant 22 : i32
    %get3A_138 = arith.index_cast %get3A_137 : i32 to index
    %get3A_139 = arith.constant 0 : index
    %get3A_140 = tpu.vector_load %arg7[%get3A_138, %get3A_139] {strides = array<i32>} : memref<26x128xf32, #tpu.memory_space<vmem>>, vector<1x16xf32>,
    %get3A_141 = vector.shape_cast %get3A_140 : vector<1x16xf32> to vector<16xf32>
    %add3A_142 = arith.addf %add3A_136, %get3A_141 : vector<16xf32>
    %get3A_143 = arith.constant 23 : i32
    %get3A_144 = arith.index_cast %get3A_143 : i32 to index
    %get3A_145 = arith.constant 0 : index
    %get3A_146 = tpu.vector_load %arg7[%get3A_144, %get3A_145] {strides = array<i32>} : memref<26x128xf32, #tpu.memory_space<vmem>>, vector<1x16xf32>,
    %get3A_147 = vector.shape_cast %get3A_146 : vector<1x16xf32> to vector<16xf32>
    %add3A_148 = arith.addf %add3A_142, %get3A_147 : vector<16xf32>
    %get3A_149 = arith.constant 24 : i32
    %get3A_150 = arith.index_cast %get3A_149 : i32 to index
    %get3A_151 = arith.constant 0 : index
    %get3A_152 = tpu.vector_load %arg7[%get3A_150, %get3A_151] {strides = array<i32>} : memref<26x128xf32, #tpu.memory_space<vmem>>, vector<1x16xf32>,
    %get3A_153 = vector.shape_cast %get3A_152 : vector<1x16xf32> to vector<16xf32>
    %add3A_154 = arith.addf %add3A_148, %get3A_153 : vector<16xf32>
    %get3A_155 = arith.constant 25 : i32
    %get3A_156 = arith.index_cast %get3A_155 : i32 to index
    %get3A_157 = arith.constant 0 : index
    %get3A_158 = tpu.vector_load %arg7[%get3A_156, %get3A_157] {strides = array<i32>} : memref<26x128xf32, #tpu.memory_space<vmem>>, vector<1x16xf32>,
    %get3A_159 = vector.shape_cast %get3A_158 : vector<1x16xf32> to vector<16xf32>
    %add3A_160 = arith.addf %add3A_154, %get3A_159 : vector<16xf32>
    %swap3A = arith.constant 0 : index
    %swap3A_161 = tpu.vector_load %arg8[%swap3A] {strides = array<i32>} : memref<128xf32, #tpu.memory_space<vmem>>, vector<16xf32>,
    %swap3A_162 = vector.shape_cast %swap3A_161 : vector<16xf32> to vector<16xf32>
    %swap3A_163 = vector.shape_cast %add3A_160 : vector<16xf32> to vector<16xf32>
    tpu.vector_store %arg8[%swap3A], %swap3A_163 {strides = array<i32>} : memref<128xf32, #tpu.memory_space<vmem>>, vector<16xf32>,
    %broadcast_in_dim3A_164 = arith.constant 0.000000e+00 : f32
    %broadcast_in_dim3A_165 = vector.broadcast %broadcast_in_dim3A_164 : f32 to vector<16xf32>
    %get3A_166 = arith.constant 0 : i32
    %get3A_167 = arith.index_cast %get3A_166 : i32 to index
    %get3A_168 = arith.constant 16 : index
    %get3A_169 = tpu.vector_load %arg7[%get3A_167, %get3A_168] {strides = array<i32>} : memref<26x128xf32, #tpu.memory_space<vmem>>, vector<1x16xf32>,
    %get3A_170 = vector.shape_cast %get3A_169 : vector<1x16xf32> to vector<16xf32>
    %add3A_171 = arith.addf %broadcast_in_dim3A_165, %get3A_170 : vector<16xf32>
    %get3A_172 = arith.constant 1 : i32
    %get3A_173 = arith.index_cast %get3A_172 : i32 to index
    %get3A_174 = arith.constant 16 : index
    %get3A_175 = tpu.vector_load %arg7[%get3A_173, %get3A_174] {strides = array<i32>} : memref<26x128xf32, #tpu.memory_space<vmem>>, vector<1x16xf32>,
    %get3A_176 = vector.shape_cast %get3A_175 : vector<1x16xf32> to vector<16xf32>
    %add3A_177 = arith.addf %add3A_171, %get3A_176 : vector<16xf32>
    %get3A_178 = arith.constant 2 : i32
    %get3A_179 = arith.index_cast %get3A_178 : i32 to index
    %get3A_180 = arith.constant 16 : index
    %get3A_181 = tpu.vector_load %arg7[%get3A_179, %get3A_180] {strides = array<i32>} : memref<26x128xf32, #tpu.memory_space<vmem>>, vector<1x16xf32>,
    %get3A_182 = vector.shape_cast %get3A_181 : vector<1x16xf32> to vector<16xf32>
    %add3A_183 = arith.addf %add3A_177, %get3A_182 : vector<16xf32>
    %get3A_184 = arith.constant 3 : i32
    %get3A_185 = arith.index_cast %get3A_184 : i32 to index
    %get3A_186 = arith.constant 16 : index
    %get3A_187 = tpu.vector_load %arg7[%get3A_185, %get3A_186] {strides = array<i32>} : memref<26x128xf32, #tpu.memory_space<vmem>>, vector<1x16xf32>,
    %get3A_188 = vector.shape_cast %get3A_187 : vector<1x16xf32> to vector<16xf32>
    %add3A_189 = arith.addf %add3A_183, %get3A_188 : vector<16xf32>
    %get3A_190 = arith.constant 4 : i32
    %get3A_191 = arith.index_cast %get3A_190 : i32 to index
    %get3A_192 = arith.constant 16 : index
    %get3A_193 = tpu.vector_load %arg7[%get3A_191, %get3A_192] {strides = array<i32>} : memref<26x128xf32, #tpu.memory_space<vmem>>, vector<1x16xf32>,
    %get3A_194 = vector.shape_cast %get3A_193 : vector<1x16xf32> to vector<16xf32>
    %add3A_195 = arith.addf %add3A_189, %get3A_194 : vector<16xf32>
    %get3A_196 = arith.constant 5 : i32
    %get3A_197 = arith.index_cast %get3A_196 : i32 to index
    %get3A_198 = arith.constant 16 : index
    %get3A_199 = tpu.vector_load %arg7[%get3A_197, %get3A_198] {strides = array<i32>} : memref<26x128xf32, #tpu.memory_space<vmem>>, vector<1x16xf32>,
    %get3A_200 = vector.shape_cast %get3A_199 : vector<1x16xf32> to vector<16xf32>
    %add3A_201 = arith.addf %add3A_195, %get3A_200 : vector<16xf32>
    %get3A_202 = arith.constant 6 : i32
    %get3A_203 = arith.index_cast %get3A_202 : i32 to index
    %get3A_204 = arith.constant 16 : index
    %get3A_205 = tpu.vector_load %arg7[%get3A_203, %get3A_204] {strides = array<i32>} : memref<26x128xf32, #tpu.memory_space<vmem>>, vector<1x16xf32>,
    %get3A_206 = vector.shape_cast %get3A_205 : vector<1x16xf32> to vector<16xf32>
    %add3A_207 = arith.addf %add3A_201, %get3A_206 : vector<16xf32>
    %get3A_208 = arith.constant 7 : i32
    %get3A_209 = arith.index_cast %get3A_208 : i32 to index
    %get3A_210 = arith.constant 16 : index
    %get3A_211 = tpu.vector_load %arg7[%get3A_209, %get3A_210] {strides = array<i32>} : memref<26x128xf32, #tpu.memory_space<vmem>>, vector<1x16xf32>,
    %get3A_212 = vector.shape_cast %get3A_211 : vector<1x16xf32> to vector<16xf32>
    %add3A_213 = arith.addf %add3A_207, %get3A_212 : vector<16xf32>
    %get3A_214 = arith.constant 8 : i32
    %get3A_215 = arith.index_cast %get3A_214 : i32 to index
    %get3A_216 = arith.constant 16 : index
    %get3A_217 = tpu.vector_load %arg7[%get3A_215, %get3A_216] {strides = array<i32>} : memref<26x128xf32, #tpu.memory_space<vmem>>, vector<1x16xf32>,
    %get3A_218 = vector.shape_cast %get3A_217 : vector<1x16xf32> to vector<16xf32>
    %add3A_219 = arith.addf %add3A_213, %get3A_218 : vector<16xf32>
    %get3A_220 = arith.constant 9 : i32
    %get3A_221 = arith.index_cast %get3A_220 : i32 to index
    %get3A_222 = arith.constant 16 : index
    %get3A_223 = tpu.vector_load %arg7[%get3A_221, %get3A_222] {strides = array<i32>} : memref<26x128xf32, #tpu.memory_space<vmem>>, vector<1x16xf32>,
    %get3A_224 = vector.shape_cast %get3A_223 : vector<1x16xf32> to vector<16xf32>
    %add3A_225 = arith.addf %add3A_219, %get3A_224 : vector<16xf32>
    %get3A_226 = arith.constant 10 : i32
    %get3A_227 = arith.index_cast %get3A_226 : i32 to index
    %get3A_228 = arith.constant 16 : index
    %get3A_229 = tpu.vector_load %arg7[%get3A_227, %get3A_228] {strides = array<i32>} : memref<26x128xf32, #tpu.memory_space<vmem>>, vector<1x16xf32>,
    %get3A_230 = vector.shape_cast %get3A_229 : vector<1x16xf32> to vector<16xf32>
    %add3A_231 = arith.addf %add3A_225, %get3A_230 : vector<16xf32>
    %get3A_232 = arith.constant 11 : i32
    %get3A_233 = arith.index_cast %get3A_232 : i32 to index
    %get3A_234 = arith.constant 16 : index
    %get3A_235 = tpu.vector_load %arg7[%get3A_233, %get3A_234] {strides = array<i32>} : memref<26x128xf32, #tpu.memory_space<vmem>>, vector<1x16xf32>,
    %get3A_236 = vector.shape_cast %get3A_235 : vector<1x16xf32> to vector<16xf32>
    %add3A_237 = arith.addf %add3A_231, %get3A_236 : vector<16xf32>
    %get3A_238 = arith.constant 12 : i32
    %get3A_239 = arith.index_cast %get3A_238 : i32 to index
    %get3A_240 = arith.constant 16 : index
    %get3A_241 = tpu.vector_load %arg7[%get3A_239, %get3A_240] {strides = array<i32>} : memref<26x128xf32, #tpu.memory_space<vmem>>, vector<1x16xf32>,
    %get3A_242 = vector.shape_cast %get3A_241 : vector<1x16xf32> to vector<16xf32>
    %add3A_243 = arith.addf %add3A_237, %get3A_242 : vector<16xf32>
    %get3A_244 = arith.constant 13 : i32
    %get3A_245 = arith.index_cast %get3A_244 : i32 to index
    %get3A_246 = arith.constant 16 : index
    %get3A_247 = tpu.vector_load %arg7[%get3A_245, %get3A_246] {strides = array<i32>} : memref<26x128xf32, #tpu.memory_space<vmem>>, vector<1x16xf32>,
    %get3A_248 = vector.shape_cast %get3A_247 : vector<1x16xf32> to vector<16xf32>
    %add3A_249 = arith.addf %add3A_243, %get3A_248 : vector<16xf32>
    %get3A_250 = arith.constant 14 : i32
    %get3A_251 = arith.index_cast %get3A_250 : i32 to index
    %get3A_252 = arith.constant 16 : index
    %get3A_253 = tpu.vector_load %arg7[%get3A_251, %get3A_252] {strides = array<i32>} : memref<26x128xf32, #tpu.memory_space<vmem>>, vector<1x16xf32>,
    %get3A_254 = vector.shape_cast %get3A_253 : vector<1x16xf32> to vector<16xf32>
    %add3A_255 = arith.addf %add3A_249, %get3A_254 : vector<16xf32>
    %get3A_256 = arith.constant 15 : i32
    %get3A_257 = arith.index_cast %get3A_256 : i32 to index
    %get3A_258 = arith.constant 16 : index
    %get3A_259 = tpu.vector_load %arg7[%get3A_257, %get3A_258] {strides = array<i32>} : memref<26x128xf32, #tpu.memory_space<vmem>>, vector<1x16xf32>,
    %get3A_260 = vector.shape_cast %get3A_259 : vector<1x16xf32> to vector<16xf32>
    %add3A_261 = arith.addf %add3A_255, %get3A_260 : vector<16xf32>
    %get3A_262 = arith.constant 16 : i32
    %get3A_263 = arith.index_cast %get3A_262 : i32 to index
    %get3A_264 = arith.constant 16 : index
    %get3A_265 = tpu.vector_load %arg7[%get3A_263, %get3A_264] {strides = array<i32>} : memref<26x128xf32, #tpu.memory_space<vmem>>, vector<1x16xf32>,
    %get3A_266 = vector.shape_cast %get3A_265 : vector<1x16xf32> to vector<16xf32>
    %add3A_267 = arith.addf %add3A_261, %get3A_266 : vector<16xf32>
    %get3A_268 = arith.constant 17 : i32
    %get3A_269 = arith.index_cast %get3A_268 : i32 to index
    %get3A_270 = arith.constant 16 : index
    %get3A_271 = tpu.vector_load %arg7[%get3A_269, %get3A_270] {strides = array<i32>} : memref<26x128xf32, #tpu.memory_space<vmem>>, vector<1x16xf32>,
    %get3A_272 = vector.shape_cast %get3A_271 : vector<1x16xf32> to vector<16xf32>
    %add3A_273 = arith.addf %add3A_267, %get3A_272 : vector<16xf32>
    %get3A_274 = arith.constant 18 : i32
    %get3A_275 = arith.index_cast %get3A_274 : i32 to index
    %get3A_276 = arith.constant 16 : index
    %get3A_277 = tpu.vector_load %arg7[%get3A_275, %get3A_276] {strides = array<i32>} : memref<26x128xf32, #tpu.memory_space<vmem>>, vector<1x16xf32>,
    %get3A_278 = vector.shape_cast %get3A_277 : vector<1x16xf32> to vector<16xf32>
    %add3A_279 = arith.addf %add3A_273, %get3A_278 : vector<16xf32>
    %get3A_280 = arith.constant 19 : i32
    %get3A_281 = arith.index_cast %get3A_280 : i32 to index
    %get3A_282 = arith.constant 16 : index
    %get3A_283 = tpu.vector_load %arg7[%get3A_281, %get3A_282] {strides = array<i32>} : memref<26x128xf32, #tpu.memory_space<vmem>>, vector<1x16xf32>,
    %get3A_284 = vector.shape_cast %get3A_283 : vector<1x16xf32> to vector<16xf32>
    %add3A_285 = arith.addf %add3A_279, %get3A_284 : vector<16xf32>
    %get3A_286 = arith.constant 20 : i32
    %get3A_287 = arith.index_cast %get3A_286 : i32 to index
    %get3A_288 = arith.constant 16 : index
    %get3A_289 = tpu.vector_load %arg7[%get3A_287, %get3A_288] {strides = array<i32>} : memref<26x128xf32, #tpu.memory_space<vmem>>, vector<1x16xf32>,
    %get3A_290 = vector.shape_cast %get3A_289 : vector<1x16xf32> to vector<16xf32>
    %add3A_291 = arith.addf %add3A_285, %get3A_290 : vector<16xf32>
    %get3A_292 = arith.constant 21 : i32
    %get3A_293 = arith.index_cast %get3A_292 : i32 to index
    %get3A_294 = arith.constant 16 : index
    %get3A_295 = tpu.vector_load %arg7[%get3A_293, %get3A_294] {strides = array<i32>} : memref<26x128xf32, #tpu.memory_space<vmem>>, vector<1x16xf32>,
    %get3A_296 = vector.shape_cast %get3A_295 : vector<1x16xf32> to vector<16xf32>
    %add3A_297 = arith.addf %add3A_291, %get3A_296 : vector<16xf32>
    %get3A_298 = arith.constant 22 : i32
    %get3A_299 = arith.index_cast %get3A_298 : i32 to index
    %get3A_300 = arith.constant 16 : index
    %get3A_301 = tpu.vector_load %arg7[%get3A_299, %get3A_300] {strides = array<i32>} : memref<26x128xf32, #tpu.memory_space<vmem>>, vector<1x16xf32>,
    %get3A_302 = vector.shape_cast %get3A_301 : vector<1x16xf32> to vector<16xf32>
    %add3A_303 = arith.addf %add3A_297, %get3A_302 : vector<16xf32>
    %get3A_304 = arith.constant 23 : i32
    %get3A_305 = arith.index_cast %get3A_304 : i32 to index
    %get3A_306 = arith.constant 16 : index
    %get3A_307 = tpu.vector_load %arg7[%get3A_305, %get3A_306] {strides = array<i32>} : memref<26x128xf32, #tpu.memory_space<vmem>>, vector<1x16xf32>,
    %get3A_308 = vector.shape_cast %get3A_307 : vector<1x16xf32> to vector<16xf32>
    %add3A_309 = arith.addf %add3A_303, %get3A_308 : vector<16xf32>
    %get3A_310 = arith.constant 24 : i32
    %get3A_311 = arith.index_cast %get3A_310 : i32 to index
    %get3A_312 = arith.constant 16 : index
    %get3A_313 = tpu.vector_load %arg7[%get3A_311, %get3A_312] {strides = array<i32>} : memref<26x128xf32, #tpu.memory_space<vmem>>, vector<1x16xf32>,
    %get3A_314 = vector.shape_cast %get3A_313 : vector<1x16xf32> to vector<16xf32>
    %add3A_315 = arith.addf %add3A_309, %get3A_314 : vector<16xf32>
    %get3A_316 = arith.constant 25 : i32
    %get3A_317 = arith.index_cast %get3A_316 : i32 to index
    %get3A_318 = arith.constant 16 : index
    %get3A_319 = tpu.vector_load %arg7[%get3A_317, %get3A_318] {strides = array<i32>} : memref<26x128xf32, #tpu.memory_space<vmem>>, vector<1x16xf32>,
    %get3A_320 = vector.shape_cast %get3A_319 : vector<1x16xf32> to vector<16xf32>
    %add3A_321 = arith.addf %add3A_315, %get3A_320 : vector<16xf32>
    %swap3A_322 = arith.constant 16 : index
    %swap3A_323 = tpu.vector_load %arg8[%swap3A_322] {strides = array<i32>} : memref<128xf32, #tpu.memory_space<vmem>>, vector<16xf32>,
    %swap3A_324 = vector.shape_cast %swap3A_323 : vector<16xf32> to vector<16xf32>
    %swap3A_325 = vector.shape_cast %add3A_321 : vector<16xf32> to vector<16xf32>
    tpu.vector_store %arg8[%swap3A_322], %swap3A_325 {strides = array<i32>} : memref<128xf32, #tpu.memory_space<vmem>>, vector<16xf32>,
    %broadcast_in_dim3A_326 = arith.constant 0.000000e+00 : f32
    %broadcast_in_dim3A_327 = vector.broadcast %broadcast_in_dim3A_326 : f32 to vector<16xf32>
    %get3A_328 = arith.constant 0 : i32
    %get3A_329 = arith.index_cast %get3A_328 : i32 to index
    %get3A_330 = arith.constant 32 : index
    %get3A_331 = tpu.vector_load %arg7[%get3A_329, %get3A_330] {strides = array<i32>} : memref<26x128xf32, #tpu.memory_space<vmem>>, vector<1x16xf32>,
    %get3A_332 = vector.shape_cast %get3A_331 : vector<1x16xf32> to vector<16xf32>
    %add3A_333 = arith.addf %broadcast_in_dim3A_327, %get3A_332 : vector<16xf32>
    %get3A_334 = arith.constant 1 : i32
    %get3A_335 = arith.index_cast %get3A_334 : i32 to index
    %get3A_336 = arith.constant 32 : index
    %get3A_337 = tpu.vector_load %arg7[%get3A_335, %get3A_336] {strides = array<i32>} : memref<26x128xf32, #tpu.memory_space<vmem>>, vector<1x16xf32>,
    %get3A_338 = vector.shape_cast %get3A_337 : vector<1x16xf32> to vector<16xf32>
    %add3A_339 = arith.addf %add3A_333, %get3A_338 : vector<16xf32>
    %get3A_340 = arith.constant 2 : i32
    %get3A_341 = arith.index_cast %get3A_340 : i32 to index
    %get3A_342 = arith.constant 32 : index
    %get3A_343 = tpu.vector_load %arg7[%get3A_341, %get3A_342] {strides = array<i32>} : memref<26x128xf32, #tpu.memory_space<vmem>>, vector<1x16xf32>,
    %get3A_344 = vector.shape_cast %get3A_343 : vector<1x16xf32> to vector<16xf32>
    %add3A_345 = arith.addf %add3A_339, %get3A_344 : vector<16xf32>
    %get3A_346 = arith.constant 3 : i32
    %get3A_347 = arith.index_cast %get3A_346 : i32 to index
    %get3A_348 = arith.constant 32 : index
    %get3A_349 = tpu.vector_load %arg7[%get3A_347, %get3A_348] {strides = array<i32>} : memref<26x128xf32, #tpu.memory_space<vmem>>, vector<1x16xf32>,
    %get3A_350 = vector.shape_cast %get3A_349 : vector<1x16xf32> to vector<16xf32>
    %add3A_351 = arith.addf %add3A_345, %get3A_350 : vector<16xf32>
    %get3A_352 = arith.constant 4 : i32
    %get3A_353 = arith.index_cast %get3A_352 : i32 to index
    %get3A_354 = arith.constant 32 : index
    %get3A_355 = tpu.vector_load %arg7[%get3A_353, %get3A_354] {strides = array<i32>} : memref<26x128xf32, #tpu.memory_space<vmem>>, vector<1x16xf32>,
    %get3A_356 = vector.shape_cast %get3A_355 : vector<1x16xf32> to vector<16xf32>
    %add3A_357 = arith.addf %add3A_351, %get3A_356 : vector<16xf32>
    %get3A_358 = arith.constant 5 : i32
    %get3A_359 = arith.index_cast %get3A_358 : i32 to index
    %get3A_360 = arith.constant 32 : index
    %get3A_361 = tpu.vector_load %arg7[%get3A_359, %get3A_360] {strides = array<i32>} : memref<26x128xf32, #tpu.memory_space<vmem>>, vector<1x16xf32>,
    %get3A_362 = vector.shape_cast %get3A_361 : vector<1x16xf32> to vector<16xf32>
    %add3A_363 = arith.addf %add3A_357, %get3A_362 : vector<16xf32>
    %get3A_364 = arith.constant 6 : i32
    %get3A_365 = arith.index_cast %get3A_364 : i32 to index
    %get3A_366 = arith.constant 32 : index
    %get3A_367 = tpu.vector_load %arg7[%get3A_365, %get3A_366] {strides = array<i32>} : memref<26x128xf32, #tpu.memory_space<vmem>>, vector<1x16xf32>,
    %get3A_368 = vector.shape_cast %get3A_367 : vector<1x16xf32> to vector<16xf32>
    %add3A_369 = arith.addf %add3A_363, %get3A_368 : vector<16xf32>
    %get3A_370 = arith.constant 7 : i32
    %get3A_371 = arith.index_cast %get3A_370 : i32 to index
    %get3A_372 = arith.constant 32 : index
    %get3A_373 = tpu.vector_load %arg7[%get3A_371, %get3A_372] {strides = array<i32>} : memref<26x128xf32, #tpu.memory_space<vmem>>, vector<1x16xf32>,
    %get3A_374 = vector.shape_cast %get3A_373 : vector<1x16xf32> to vector<16xf32>
    %add3A_375 = arith.addf %add3A_369, %get3A_374 : vector<16xf32>
    %get3A_376 = arith.constant 8 : i32
    %get3A_377 = arith.index_cast %get3A_376 : i32 to index
    %get3A_378 = arith.constant 32 : index
    %get3A_379 = tpu.vector_load %arg7[%get3A_377, %get3A_378] {strides = array<i32>} : memref<26x128xf32, #tpu.memory_space<vmem>>, vector<1x16xf32>,
    %get3A_380 = vector.shape_cast %get3A_379 : vector<1x16xf32> to vector<16xf32>
    %add3A_381 = arith.addf %add3A_375, %get3A_380 : vector<16xf32>
    %get3A_382 = arith.constant 9 : i32
    %get3A_383 = arith.index_cast %get3A_382 : i32 to index
    %get3A_384 = arith.constant 32 : index
    %get3A_385 = tpu.vector_load %arg7[%get3A_383, %get3A_384] {strides = array<i32>} : memref<26x128xf32, #tpu.memory_space<vmem>>, vector<1x16xf32>,
    %get3A_386 = vector.shape_cast %get3A_385 : vector<1x16xf32> to vector<16xf32>
    %add3A_387 = arith.addf %add3A_381, %get3A_386 : vector<16xf32>
    %get3A_388 = arith.constant 10 : i32
    %get3A_389 = arith.index_cast %get3A_388 : i32 to index
    %get3A_390 = arith.constant 32 : index
    %get3A_391 = tpu.vector_load %arg7[%get3A_389, %get3A_390] {strides = array<i32>} : memref<26x128xf32, #tpu.memory_space<vmem>>, vector<1x16xf32>,
    %get3A_392 = vector.shape_cast %get3A_391 : vector<1x16xf32> to vector<16xf32>
    %add3A_393 = arith.addf %add3A_387, %get3A_392 : vector<16xf32>
    %get3A_394 = arith.constant 11 : i32
    %get3A_395 = arith.index_cast %get3A_394 : i32 to index
    %get3A_396 = arith.constant 32 : index
    %get3A_397 = tpu.vector_load %arg7[%get3A_395, %get3A_396] {strides = array<i32>} : memref<26x128xf32, #tpu.memory_space<vmem>>, vector<1x16xf32>,
    %get3A_398 = vector.shape_cast %get3A_397 : vector<1x16xf32> to vector<16xf32>
    %add3A_399 = arith.addf %add3A_393, %get3A_398 : vector<16xf32>
    %get3A_400 = arith.constant 12 : i32
    %get3A_401 = arith.index_cast %get3A_400 : i32 to index
    %get3A_402 = arith.constant 32 : index
    %get3A_403 = tpu.vector_load %arg7[%get3A_401, %get3A_402] {strides = array<i32>} : memref<26x128xf32, #tpu.memory_space<vmem>>, vector<1x16xf32>,
    %get3A_404 = vector.shape_cast %get3A_403 : vector<1x16xf32> to vector<16xf32>
    %add3A_405 = arith.addf %add3A_399, %get3A_404 : vector<16xf32>
    %get3A_406 = arith.constant 13 : i32
    %get3A_407 = arith.index_cast %get3A_406 : i32 to index
    %get3A_408 = arith.constant 32 : index
    %get3A_409 = tpu.vector_load %arg7[%get3A_407, %get3A_408] {strides = array<i32>} : memref<26x128xf32, #tpu.memory_space<vmem>>, vector<1x16xf32>,
    %get3A_410 = vector.shape_cast %get3A_409 : vector<1x16xf32> to vector<16xf32>
    %add3A_411 = arith.addf %add3A_405, %get3A_410 : vector<16xf32>
    %get3A_412 = arith.constant 14 : i32
    %get3A_413 = arith.index_cast %get3A_412 : i32 to index
    %get3A_414 = arith.constant 32 : index
    %get3A_415 = tpu.vector_load %arg7[%get3A_413, %get3A_414] {strides = array<i32>} : memref<26x128xf32, #tpu.memory_space<vmem>>, vector<1x16xf32>,
    %get3A_416 = vector.shape_cast %get3A_415 : vector<1x16xf32> to vector<16xf32>
    %add3A_417 = arith.addf %add3A_411, %get3A_416 : vector<16xf32>
    %get3A_418 = arith.constant 15 : i32
    %get3A_419 = arith.index_cast %get3A_418 : i32 to index
    %get3A_420 = arith.constant 32 : index
    %get3A_421 = tpu.vector_load %arg7[%get3A_419, %get3A_420] {strides = array<i32>} : memref<26x128xf32, #tpu.memory_space<vmem>>, vector<1x16xf32>,
    %get3A_422 = vector.shape_cast %get3A_421 : vector<1x16xf32> to vector<16xf32>
    %add3A_423 = arith.addf %add3A_417, %get3A_422 : vector<16xf32>
    %get3A_424 = arith.constant 16 : i32
    %get3A_425 = arith.index_cast %get3A_424 : i32 to index
    %get3A_426 = arith.constant 32 : index
    %get3A_427 = tpu.vector_load %arg7[%get3A_425, %get3A_426] {strides = array<i32>} : memref<26x128xf32, #tpu.memory_space<vmem>>, vector<1x16xf32>,
    %get3A_428 = vector.shape_cast %get3A_427 : vector<1x16xf32> to vector<16xf32>
    %add3A_429 = arith.addf %add3A_423, %get3A_428 : vector<16xf32>
    %get3A_430 = arith.constant 17 : i32
    %get3A_431 = arith.index_cast %get3A_430 : i32 to index
    %get3A_432 = arith.constant 32 : index
    %get3A_433 = tpu.vector_load %arg7[%get3A_431, %get3A_432] {strides = array<i32>} : memref<26x128xf32, #tpu.memory_space<vmem>>, vector<1x16xf32>,
    %get3A_434 = vector.shape_cast %get3A_433 : vector<1x16xf32> to vector<16xf32>
    %add3A_435 = arith.addf %add3A_429, %get3A_434 : vector<16xf32>
    %get3A_436 = arith.constant 18 : i32
    %get3A_437 = arith.index_cast %get3A_436 : i32 to index
    %get3A_438 = arith.constant 32 : index
    %get3A_439 = tpu.vector_load %arg7[%get3A_437, %get3A_438] {strides = array<i32>} : memref<26x128xf32, #tpu.memory_space<vmem>>, vector<1x16xf32>,
    %get3A_440 = vector.shape_cast %get3A_439 : vector<1x16xf32> to vector<16xf32>
    %add3A_441 = arith.addf %add3A_435, %get3A_440 : vector<16xf32>
    %get3A_442 = arith.constant 19 : i32
    %get3A_443 = arith.index_cast %get3A_442 : i32 to index
    %get3A_444 = arith.constant 32 : index
    %get3A_445 = tpu.vector_load %arg7[%get3A_443, %get3A_444] {strides = array<i32>} : memref<26x128xf32, #tpu.memory_space<vmem>>, vector<1x16xf32>,
    %get3A_446 = vector.shape_cast %get3A_445 : vector<1x16xf32> to vector<16xf32>
    %add3A_447 = arith.addf %add3A_441, %get3A_446 : vector<16xf32>
    %get3A_448 = arith.constant 20 : i32
    %get3A_449 = arith.index_cast %get3A_448 : i32 to index
    %get3A_450 = arith.constant 32 : index
    %get3A_451 = tpu.vector_load %arg7[%get3A_449, %get3A_450] {strides = array<i32>} : memref<26x128xf32, #tpu.memory_space<vmem>>, vector<1x16xf32>,
    %get3A_452 = vector.shape_cast %get3A_451 : vector<1x16xf32> to vector<16xf32>
    %add3A_453 = arith.addf %add3A_447, %get3A_452 : vector<16xf32>
    %get3A_454 = arith.constant 21 : i32
    %get3A_455 = arith.index_cast %get3A_454 : i32 to index
    %get3A_456 = arith.constant 32 : index
    %get3A_457 = tpu.vector_load %arg7[%get3A_455, %get3A_456] {strides = array<i32>} : memref<26x128xf32, #tpu.memory_space<vmem>>, vector<1x16xf32>,
    %get3A_458 = vector.shape_cast %get3A_457 : vector<1x16xf32> to vector<16xf32>
    %add3A_459 = arith.addf %add3A_453, %get3A_458 : vector<16xf32>
    %get3A_460 = arith.constant 22 : i32
    %get3A_461 = arith.index_cast %get3A_460 : i32 to index
    %get3A_462 = arith.constant 32 : index
    %get3A_463 = tpu.vector_load %arg7[%get3A_461, %get3A_462] {strides = array<i32>} : memref<26x128xf32, #tpu.memory_space<vmem>>, vector<1x16xf32>,
    %get3A_464 = vector.shape_cast %get3A_463 : vector<1x16xf32> to vector<16xf32>
    %add3A_465 = arith.addf %add3A_459, %get3A_464 : vector<16xf32>
    %get3A_466 = arith.constant 23 : i32
    %get3A_467 = arith.index_cast %get3A_466 : i32 to index
    %get3A_468 = arith.constant 32 : index
    %get3A_469 = tpu.vector_load %arg7[%get3A_467, %get3A_468] {strides = array<i32>} : memref<26x128xf32, #tpu.memory_space<vmem>>, vector<1x16xf32>,
    %get3A_470 = vector.shape_cast %get3A_469 : vector<1x16xf32> to vector<16xf32>
    %add3A_471 = arith.addf %add3A_465, %get3A_470 : vector<16xf32>
    %get3A_472 = arith.constant 24 : i32
    %get3A_473 = arith.index_cast %get3A_472 : i32 to index
    %get3A_474 = arith.constant 32 : index
    %get3A_475 = tpu.vector_load %arg7[%get3A_473, %get3A_474] {strides = array<i32>} : memref<26x128xf32, #tpu.memory_space<vmem>>, vector<1x16xf32>,
    %get3A_476 = vector.shape_cast %get3A_475 : vector<1x16xf32> to vector<16xf32>
    %add3A_477 = arith.addf %add3A_471, %get3A_476 : vector<16xf32>
    %get3A_478 = arith.constant 25 : i32
    %get3A_479 = arith.index_cast %get3A_478 : i32 to index
    %get3A_480 = arith.constant 32 : index
    %get3A_481 = tpu.vector_load %arg7[%get3A_479, %get3A_480] {strides = array<i32>} : memref<26x128xf32, #tpu.memory_space<vmem>>, vector<1x16xf32>,
    %get3A_482 = vector.shape_cast %get3A_481 : vector<1x16xf32> to vector<16xf32>
    %add3A_483 = arith.addf %add3A_477, %get3A_482 : vector<16xf32>
    %swap3A_484 = arith.constant 32 : index
    %swap3A_485 = tpu.vector_load %arg8[%swap3A_484] {strides = array<i32>} : memref<128xf32, #tpu.memory_space<vmem>>, vector<16xf32>,
    %swap3A_486 = vector.shape_cast %swap3A_485 : vector<16xf32> to vector<16xf32>
    %swap3A_487 = vector.shape_cast %add3A_483 : vector<16xf32> to vector<16xf32>
    tpu.vector_store %arg8[%swap3A_484], %swap3A_487 {strides = array<i32>} : memref<128xf32, #tpu.memory_space<vmem>>, vector<16xf32>,
    %broadcast_in_dim3A_488 = arith.constant 0.000000e+00 : f32
    %broadcast_in_dim3A_489 = vector.broadcast %broadcast_in_dim3A_488 : f32 to vector<16xf32>
    %get3A_490 = arith.constant 0 : i32
    %get3A_491 = arith.index_cast %get3A_490 : i32 to index
    %get3A_492 = arith.constant 48 : index
    %get3A_493 = tpu.vector_load %arg7[%get3A_491, %get3A_492] {strides = array<i32>} : memref<26x128xf32, #tpu.memory_space<vmem>>, vector<1x16xf32>,
    %get3A_494 = vector.shape_cast %get3A_493 : vector<1x16xf32> to vector<16xf32>
    %add3A_495 = arith.addf %broadcast_in_dim3A_489, %get3A_494 : vector<16xf32>
    %get3A_496 = arith.constant 1 : i32
    %get3A_497 = arith.index_cast %get3A_496 : i32 to index
    %get3A_498 = arith.constant 48 : index
    %get3A_499 = tpu.vector_load %arg7[%get3A_497, %get3A_498] {strides = array<i32>} : memref<26x128xf32, #tpu.memory_space<vmem>>, vector<1x16xf32>,
    %get3A_500 = vector.shape_cast %get3A_499 : vector<1x16xf32> to vector<16xf32>
    %add3A_501 = arith.addf %add3A_495, %get3A_500 : vector<16xf32>
    %get3A_502 = arith.constant 2 : i32
    %get3A_503 = arith.index_cast %get3A_502 : i32 to index
    %get3A_504 = arith.constant 48 : index
    %get3A_505 = tpu.vector_load %arg7[%get3A_503, %get3A_504] {strides = array<i32>} : memref<26x128xf32, #tpu.memory_space<vmem>>, vector<1x16xf32>,
    %get3A_506 = vector.shape_cast %get3A_505 : vector<1x16xf32> to vector<16xf32>
    %add3A_507 = arith.addf %add3A_501, %get3A_506 : vector<16xf32>
    %get3A_508 = arith.constant 3 : i32
    %get3A_509 = arith.index_cast %get3A_508 : i32 to index
    %get3A_510 = arith.constant 48 : index
    %get3A_511 = tpu.vector_load %arg7[%get3A_509, %get3A_510] {strides = array<i32>} : memref<26x128xf32, #tpu.memory_space<vmem>>, vector<1x16xf32>,
    %get3A_512 = vector.shape_cast %get3A_511 : vector<1x16xf32> to vector<16xf32>
    %add3A_513 = arith.addf %add3A_507, %get3A_512 : vector<16xf32>
    %get3A_514 = arith.constant 4 : i32
    %get3A_515 = arith.index_cast %get3A_514 : i32 to index
    %get3A_516 = arith.constant 48 : index
    %get3A_517 = tpu.vector_load %arg7[%get3A_515, %get3A_516] {strides = array<i32>} : memref<26x128xf32, #tpu.memory_space<vmem>>, vector<1x16xf32>,
    %get3A_518 = vector.shape_cast %get3A_517 : vector<1x16xf32> to vector<16xf32>
    %add3A_519 = arith.addf %add3A_513, %get3A_518 : vector<16xf32>
    %get3A_520 = arith.constant 5 : i32
    %get3A_521 = arith.index_cast %get3A_520 : i32 to index
    %get3A_522 = arith.constant 48 : index
    %get3A_523 = tpu.vector_load %arg7[%get3A_521, %get3A_522] {strides = array<i32>} : memref<26x128xf32, #tpu.memory_space<vmem>>, vector<1x16xf32>,
    %get3A_524 = vector.shape_cast %get3A_523 : vector<1x16xf32> to vector<16xf32>
    %add3A_525 = arith.addf %add3A_519, %get3A_524 : vector<16xf32>
    %get3A_526 = arith.constant 6 : i32
    %get3A_527 = arith.index_cast %get3A_526 : i32 to index
    %get3A_528 = arith.constant 48 : index
    %get3A_529 = tpu.vector_load %arg7[%get3A_527, %get3A_528] {strides = array<i32>} : memref<26x128xf32, #tpu.memory_space<vmem>>, vector<1x16xf32>,
    %get3A_530 = vector.shape_cast %get3A_529 : vector<1x16xf32> to vector<16xf32>
    %add3A_531 = arith.addf %add3A_525, %get3A_530 : vector<16xf32>
    %get3A_532 = arith.constant 7 : i32
    %get3A_533 = arith.index_cast %get3A_532 : i32 to index
    %get3A_534 = arith.constant 48 : index
    %get3A_535 = tpu.vector_load %arg7[%get3A_533, %get3A_534] {strides = array<i32>} : memref<26x128xf32, #tpu.memory_space<vmem>>, vector<1x16xf32>,
    %get3A_536 = vector.shape_cast %get3A_535 : vector<1x16xf32> to vector<16xf32>
    %add3A_537 = arith.addf %add3A_531, %get3A_536 : vector<16xf32>
    %get3A_538 = arith.constant 8 : i32
    %get3A_539 = arith.index_cast %get3A_538 : i32 to index
    %get3A_540 = arith.constant 48 : index
    %get3A_541 = tpu.vector_load %arg7[%get3A_539, %get3A_540] {strides = array<i32>} : memref<26x128xf32, #tpu.memory_space<vmem>>, vector<1x16xf32>,
    %get3A_542 = vector.shape_cast %get3A_541 : vector<1x16xf32> to vector<16xf32>
    %add3A_543 = arith.addf %add3A_537, %get3A_542 : vector<16xf32>
    %get3A_544 = arith.constant 9 : i32
    %get3A_545 = arith.index_cast %get3A_544 : i32 to index
    %get3A_546 = arith.constant 48 : index
    %get3A_547 = tpu.vector_load %arg7[%get3A_545, %get3A_546] {strides = array<i32>} : memref<26x128xf32, #tpu.memory_space<vmem>>, vector<1x16xf32>,
    %get3A_548 = vector.shape_cast %get3A_547 : vector<1x16xf32> to vector<16xf32>
    %add3A_549 = arith.addf %add3A_543, %get3A_548 : vector<16xf32>
    %get3A_550 = arith.constant 10 : i32
    %get3A_551 = arith.index_cast %get3A_550 : i32 to index
    %get3A_552 = arith.constant 48 : index
    %get3A_553 = tpu.vector_load %arg7[%get3A_551, %get3A_552] {strides = array<i32>} : memref<26x128xf32, #tpu.memory_space<vmem>>, vector<1x16xf32>,
    %get3A_554 = vector.shape_cast %get3A_553 : vector<1x16xf32> to vector<16xf32>
    %add3A_555 = arith.addf %add3A_549, %get3A_554 : vector<16xf32>
    %get3A_556 = arith.constant 11 : i32
    %get3A_557 = arith.index_cast %get3A_556 : i32 to index
    %get3A_558 = arith.constant 48 : index
    %get3A_559 = tpu.vector_load %arg7[%get3A_557, %get3A_558] {strides = array<i32>} : memref<26x128xf32, #tpu.memory_space<vmem>>, vector<1x16xf32>,
    %get3A_560 = vector.shape_cast %get3A_559 : vector<1x16xf32> to vector<16xf32>
    %add3A_561 = arith.addf %add3A_555, %get3A_560 : vector<16xf32>
    %get3A_562 = arith.constant 12 : i32
    %get3A_563 = arith.index_cast %get3A_562 : i32 to index
    %get3A_564 = arith.constant 48 : index
    %get3A_565 = tpu.vector_load %arg7[%get3A_563, %get3A_564] {strides = array<i32>} : memref<26x128xf32, #tpu.memory_space<vmem>>, vector<1x16xf32>,
    %get3A_566 = vector.shape_cast %get3A_565 : vector<1x16xf32> to vector<16xf32>
    %add3A_567 = arith.addf %add3A_561, %get3A_566 : vector<16xf32>
    %get3A_568 = arith.constant 13 : i32
    %get3A_569 = arith.index_cast %get3A_568 : i32 to index
    %get3A_570 = arith.constant 48 : index
    %get3A_571 = tpu.vector_load %arg7[%get3A_569, %get3A_570] {strides = array<i32>} : memref<26x128xf32, #tpu.memory_space<vmem>>, vector<1x16xf32>,
    %get3A_572 = vector.shape_cast %get3A_571 : vector<1x16xf32> to vector<16xf32>
    %add3A_573 = arith.addf %add3A_567, %get3A_572 : vector<16xf32>
    %get3A_574 = arith.constant 14 : i32
    %get3A_575 = arith.index_cast %get3A_574 : i32 to index
    %get3A_576 = arith.constant 48 : index
    %get3A_577 = tpu.vector_load %arg7[%get3A_575, %get3A_576] {strides = array<i32>} : memref<26x128xf32, #tpu.memory_space<vmem>>, vector<1x16xf32>,
    %get3A_578 = vector.shape_cast %get3A_577 : vector<1x16xf32> to vector<16xf32>
    %add3A_579 = arith.addf %add3A_573, %get3A_578 : vector<16xf32>
    %get3A_580 = arith.constant 15 : i32
    %get3A_581 = arith.index_cast %get3A_580 : i32 to index
    %get3A_582 = arith.constant 48 : index
    %get3A_583 = tpu.vector_load %arg7[%get3A_581, %get3A_582] {strides = array<i32>} : memref<26x128xf32, #tpu.memory_space<vmem>>, vector<1x16xf32>,
    %get3A_584 = vector.shape_cast %get3A_583 : vector<1x16xf32> to vector<16xf32>
    %add3A_585 = arith.addf %add3A_579, %get3A_584 : vector<16xf32>
    %get3A_586 = arith.constant 16 : i32
    %get3A_587 = arith.index_cast %get3A_586 : i32 to index
    %get3A_588 = arith.constant 48 : index
    %get3A_589 = tpu.vector_load %arg7[%get3A_587, %get3A_588] {strides = array<i32>} : memref<26x128xf32, #tpu.memory_space<vmem>>, vector<1x16xf32>,
    %get3A_590 = vector.shape_cast %get3A_589 : vector<1x16xf32> to vector<16xf32>
    %add3A_591 = arith.addf %add3A_585, %get3A_590 : vector<16xf32>
    %get3A_592 = arith.constant 17 : i32
    %get3A_593 = arith.index_cast %get3A_592 : i32 to index
    %get3A_594 = arith.constant 48 : index
    %get3A_595 = tpu.vector_load %arg7[%get3A_593, %get3A_594] {strides = array<i32>} : memref<26x128xf32, #tpu.memory_space<vmem>>, vector<1x16xf32>,
    %get3A_596 = vector.shape_cast %get3A_595 : vector<1x16xf32> to vector<16xf32>
    %add3A_597 = arith.addf %add3A_591, %get3A_596 : vector<16xf32>
    %get3A_598 = arith.constant 18 : i32
    %get3A_599 = arith.index_cast %get3A_598 : i32 to index
    %get3A_600 = arith.constant 48 : index
    %get3A_601 = tpu.vector_load %arg7[%get3A_599, %get3A_600] {strides = array<i32>} : memref<26x128xf32, #tpu.memory_space<vmem>>, vector<1x16xf32>,
    %get3A_602 = vector.shape_cast %get3A_601 : vector<1x16xf32> to vector<16xf32>
    %add3A_603 = arith.addf %add3A_597, %get3A_602 : vector<16xf32>
    %get3A_604 = arith.constant 19 : i32
    %get3A_605 = arith.index_cast %get3A_604 : i32 to index
    %get3A_606 = arith.constant 48 : index
    %get3A_607 = tpu.vector_load %arg7[%get3A_605, %get3A_606] {strides = array<i32>} : memref<26x128xf32, #tpu.memory_space<vmem>>, vector<1x16xf32>,
    %get3A_608 = vector.shape_cast %get3A_607 : vector<1x16xf32> to vector<16xf32>
    %add3A_609 = arith.addf %add3A_603, %get3A_608 : vector<16xf32>
    %get3A_610 = arith.constant 20 : i32
    %get3A_611 = arith.index_cast %get3A_610 : i32 to index
    %get3A_612 = arith.constant 48 : index
    %get3A_613 = tpu.vector_load %arg7[%get3A_611, %get3A_612] {strides = array<i32>} : memref<26x128xf32, #tpu.memory_space<vmem>>, vector<1x16xf32>,
    %get3A_614 = vector.shape_cast %get3A_613 : vector<1x16xf32> to vector<16xf32>
    %add3A_615 = arith.addf %add3A_609, %get3A_614 : vector<16xf32>
    %get3A_616 = arith.constant 21 : i32
    %get3A_617 = arith.index_cast %get3A_616 : i32 to index
    %get3A_618 = arith.constant 48 : index
    %get3A_619 = tpu.vector_load %arg7[%get3A_617, %get3A_618] {strides = array<i32>} : memref<26x128xf32, #tpu.memory_space<vmem>>, vector<1x16xf32>,
    %get3A_620 = vector.shape_cast %get3A_619 : vector<1x16xf32> to vector<16xf32>
    %add3A_621 = arith.addf %add3A_615, %get3A_620 : vector<16xf32>
    %get3A_622 = arith.constant 22 : i32
    %get3A_623 = arith.index_cast %get3A_622 : i32 to index
    %get3A_624 = arith.constant 48 : index
    %get3A_625 = tpu.vector_load %arg7[%get3A_623, %get3A_624] {strides = array<i32>} : memref<26x128xf32, #tpu.memory_space<vmem>>, vector<1x16xf32>,
    %get3A_626 = vector.shape_cast %get3A_625 : vector<1x16xf32> to vector<16xf32>
    %add3A_627 = arith.addf %add3A_621, %get3A_626 : vector<16xf32>
    %get3A_628 = arith.constant 23 : i32
    %get3A_629 = arith.index_cast %get3A_628 : i32 to index
    %get3A_630 = arith.constant 48 : index
    %get3A_631 = tpu.vector_load %arg7[%get3A_629, %get3A_630] {strides = array<i32>} : memref<26x128xf32, #tpu.memory_space<vmem>>, vector<1x16xf32>,
    %get3A_632 = vector.shape_cast %get3A_631 : vector<1x16xf32> to vector<16xf32>
    %add3A_633 = arith.addf %add3A_627, %get3A_632 : vector<16xf32>
    %get3A_634 = arith.constant 24 : i32
    %get3A_635 = arith.index_cast %get3A_634 : i32 to index
    %get3A_636 = arith.constant 48 : index
    %get3A_637 = tpu.vector_load %arg7[%get3A_635, %get3A_636] {strides = array<i32>} : memref<26x128xf32, #tpu.memory_space<vmem>>, vector<1x16xf32>,
    %get3A_638 = vector.shape_cast %get3A_637 : vector<1x16xf32> to vector<16xf32>
    %add3A_639 = arith.addf %add3A_633, %get3A_638 : vector<16xf32>
    %get3A_640 = arith.constant 25 : i32
    %get3A_641 = arith.index_cast %get3A_640 : i32 to index
    %get3A_642 = arith.constant 48 : index
    %get3A_643 = tpu.vector_load %arg7[%get3A_641, %get3A_642] {strides = array<i32>} : memref<26x128xf32, #tpu.memory_space<vmem>>, vector<1x16xf32>,
    %get3A_644 = vector.shape_cast %get3A_643 : vector<1x16xf32> to vector<16xf32>
    %add3A_645 = arith.addf %add3A_639, %get3A_644 : vector<16xf32>
    %swap3A_646 = arith.constant 48 : index
    %swap3A_647 = tpu.vector_load %arg8[%swap3A_646] {strides = array<i32>} : memref<128xf32, #tpu.memory_space<vmem>>, vector<16xf32>,
    %swap3A_648 = vector.shape_cast %swap3A_647 : vector<16xf32> to vector<16xf32>
    %swap3A_649 = vector.shape_cast %add3A_645 : vector<16xf32> to vector<16xf32>
    tpu.vector_store %arg8[%swap3A_646], %swap3A_649 {strides = array<i32>} : memref<128xf32, #tpu.memory_space<vmem>>, vector<16xf32>,
    %broadcast_in_dim3A_650 = arith.constant 0.000000e+00 : f32
    %broadcast_in_dim3A_651 = vector.broadcast %broadcast_in_dim3A_650 : f32 to vector<16xf32>
    %get3A_652 = arith.constant 0 : i32
    %get3A_653 = arith.index_cast %get3A_652 : i32 to index
    %get3A_654 = arith.constant 64 : index
    %get3A_655 = tpu.vector_load %arg7[%get3A_653, %get3A_654] {strides = array<i32>} : memref<26x128xf32, #tpu.memory_space<vmem>>, vector<1x16xf32>,
    %get3A_656 = vector.shape_cast %get3A_655 : vector<1x16xf32> to vector<16xf32>
    %add3A_657 = arith.addf %broadcast_in_dim3A_651, %get3A_656 : vector<16xf32>
    %get3A_658 = arith.constant 1 : i32
    %get3A_659 = arith.index_cast %get3A_658 : i32 to index
    %get3A_660 = arith.constant 64 : index
    %get3A_661 = tpu.vector_load %arg7[%get3A_659, %get3A_660] {strides = array<i32>} : memref<26x128xf32, #tpu.memory_space<vmem>>, vector<1x16xf32>,
    %get3A_662 = vector.shape_cast %get3A_661 : vector<1x16xf32> to vector<16xf32>
    %add3A_663 = arith.addf %add3A_657, %get3A_662 : vector<16xf32>
    %get3A_664 = arith.constant 2 : i32
    %get3A_665 = arith.index_cast %get3A_664 : i32 to index
    %get3A_666 = arith.constant 64 : index
    %get3A_667 = tpu.vector_load %arg7[%get3A_665, %get3A_666] {strides = array<i32>} : memref<26x128xf32, #tpu.memory_space<vmem>>, vector<1x16xf32>,
    %get3A_668 = vector.shape_cast %get3A_667 : vector<1x16xf32> to vector<16xf32>
    %add3A_669 = arith.addf %add3A_663, %get3A_668 : vector<16xf32>
    %get3A_670 = arith.constant 3 : i32
    %get3A_671 = arith.index_cast %get3A_670 : i32 to index
    %get3A_672 = arith.constant 64 : index
    %get3A_673 = tpu.vector_load %arg7[%get3A_671, %get3A_672] {strides = array<i32>} : memref<26x128xf32, #tpu.memory_space<vmem>>, vector<1x16xf32>,
    %get3A_674 = vector.shape_cast %get3A_673 : vector<1x16xf32> to vector<16xf32>
    %add3A_675 = arith.addf %add3A_669, %get3A_674 : vector<16xf32>
    %get3A_676 = arith.constant 4 : i32
    %get3A_677 = arith.index_cast %get3A_676 : i32 to index
    %get3A_678 = arith.constant 64 : index
    %get3A_679 = tpu.vector_load %arg7[%get3A_677, %get3A_678] {strides = array<i32>} : memref<26x128xf32, #tpu.memory_space<vmem>>, vector<1x16xf32>,
    %get3A_680 = vector.shape_cast %get3A_679 : vector<1x16xf32> to vector<16xf32>
    %add3A_681 = arith.addf %add3A_675, %get3A_680 : vector<16xf32>
    %get3A_682 = arith.constant 5 : i32
    %get3A_683 = arith.index_cast %get3A_682 : i32 to index
    %get3A_684 = arith.constant 64 : index
    %get3A_685 = tpu.vector_load %arg7[%get3A_683, %get3A_684] {strides = array<i32>} : memref<26x128xf32, #tpu.memory_space<vmem>>, vector<1x16xf32>,
    %get3A_686 = vector.shape_cast %get3A_685 : vector<1x16xf32> to vector<16xf32>
    %add3A_687 = arith.addf %add3A_681, %get3A_686 : vector<16xf32>
    %get3A_688 = arith.constant 6 : i32
    %get3A_689 = arith.index_cast %get3A_688 : i32 to index
    %get3A_690 = arith.constant 64 : index
    %get3A_691 = tpu.vector_load %arg7[%get3A_689, %get3A_690] {strides = array<i32>} : memref<26x128xf32, #tpu.memory_space<vmem>>, vector<1x16xf32>,
    %get3A_692 = vector.shape_cast %get3A_691 : vector<1x16xf32> to vector<16xf32>
    %add3A_693 = arith.addf %add3A_687, %get3A_692 : vector<16xf32>
    %get3A_694 = arith.constant 7 : i32
    %get3A_695 = arith.index_cast %get3A_694 : i32 to index
    %get3A_696 = arith.constant 64 : index
    %get3A_697 = tpu.vector_load %arg7[%get3A_695, %get3A_696] {strides = array<i32>} : memref<26x128xf32, #tpu.memory_space<vmem>>, vector<1x16xf32>,
    %get3A_698 = vector.shape_cast %get3A_697 : vector<1x16xf32> to vector<16xf32>
    %add3A_699 = arith.addf %add3A_693, %get3A_698 : vector<16xf32>
    %get3A_700 = arith.constant 8 : i32
    %get3A_701 = arith.index_cast %get3A_700 : i32 to index
    %get3A_702 = arith.constant 64 : index
    %get3A_703 = tpu.vector_load %arg7[%get3A_701, %get3A_702] {strides = array<i32>} : memref<26x128xf32, #tpu.memory_space<vmem>>, vector<1x16xf32>,
    %get3A_704 = vector.shape_cast %get3A_703 : vector<1x16xf32> to vector<16xf32>
    %add3A_705 = arith.addf %add3A_699, %get3A_704 : vector<16xf32>
    %get3A_706 = arith.constant 9 : i32
    %get3A_707 = arith.index_cast %get3A_706 : i32 to index
    %get3A_708 = arith.constant 64 : index
    %get3A_709 = tpu.vector_load %arg7[%get3A_707, %get3A_708] {strides = array<i32>} : memref<26x128xf32, #tpu.memory_space<vmem>>, vector<1x16xf32>,
    %get3A_710 = vector.shape_cast %get3A_709 : vector<1x16xf32> to vector<16xf32>
    %add3A_711 = arith.addf %add3A_705, %get3A_710 : vector<16xf32>
    %get3A_712 = arith.constant 10 : i32
    %get3A_713 = arith.index_cast %get3A_712 : i32 to index
    %get3A_714 = arith.constant 64 : index
    %get3A_715 = tpu.vector_load %arg7[%get3A_713, %get3A_714] {strides = array<i32>} : memref<26x128xf32, #tpu.memory_space<vmem>>, vector<1x16xf32>,
    %get3A_716 = vector.shape_cast %get3A_715 : vector<1x16xf32> to vector<16xf32>
    %add3A_717 = arith.addf %add3A_711, %get3A_716 : vector<16xf32>
    %get3A_718 = arith.constant 11 : i32
    %get3A_719 = arith.index_cast %get3A_718 : i32 to index
    %get3A_720 = arith.constant 64 : index
    %get3A_721 = tpu.vector_load %arg7[%get3A_719, %get3A_720] {strides = array<i32>} : memref<26x128xf32, #tpu.memory_space<vmem>>, vector<1x16xf32>,
    %get3A_722 = vector.shape_cast %get3A_721 : vector<1x16xf32> to vector<16xf32>
    %add3A_723 = arith.addf %add3A_717, %get3A_722 : vector<16xf32>
    %get3A_724 = arith.constant 12 : i32
    %get3A_725 = arith.index_cast %get3A_724 : i32 to index
    %get3A_726 = arith.constant 64 : index
    %get3A_727 = tpu.vector_load %arg7[%get3A_725, %get3A_726] {strides = array<i32>} : memref<26x128xf32, #tpu.memory_space<vmem>>, vector<1x16xf32>,
    %get3A_728 = vector.shape_cast %get3A_727 : vector<1x16xf32> to vector<16xf32>
    %add3A_729 = arith.addf %add3A_723, %get3A_728 : vector<16xf32>
    %get3A_730 = arith.constant 13 : i32
    %get3A_731 = arith.index_cast %get3A_730 : i32 to index
    %get3A_732 = arith.constant 64 : index
    %get3A_733 = tpu.vector_load %arg7[%get3A_731, %get3A_732] {strides = array<i32>} : memref<26x128xf32, #tpu.memory_space<vmem>>, vector<1x16xf32>,
    %get3A_734 = vector.shape_cast %get3A_733 : vector<1x16xf32> to vector<16xf32>
    %add3A_735 = arith.addf %add3A_729, %get3A_734 : vector<16xf32>
    %get3A_736 = arith.constant 14 : i32
    %get3A_737 = arith.index_cast %get3A_736 : i32 to index
    %get3A_738 = arith.constant 64 : index
    %get3A_739 = tpu.vector_load %arg7[%get3A_737, %get3A_738] {strides = array<i32>} : memref<26x128xf32, #tpu.memory_space<vmem>>, vector<1x16xf32>,
    %get3A_740 = vector.shape_cast %get3A_739 : vector<1x16xf32> to vector<16xf32>
    %add3A_741 = arith.addf %add3A_735, %get3A_740 : vector<16xf32>
    %get3A_742 = arith.constant 15 : i32
    %get3A_743 = arith.index_cast %get3A_742 : i32 to index
    %get3A_744 = arith.constant 64 : index
    %get3A_745 = tpu.vector_load %arg7[%get3A_743, %get3A_744] {strides = array<i32>} : memref<26x128xf32, #tpu.memory_space<vmem>>, vector<1x16xf32>,
    %get3A_746 = vector.shape_cast %get3A_745 : vector<1x16xf32> to vector<16xf32>
    %add3A_747 = arith.addf %add3A_741, %get3A_746 : vector<16xf32>
    %get3A_748 = arith.constant 16 : i32
    %get3A_749 = arith.index_cast %get3A_748 : i32 to index
    %get3A_750 = arith.constant 64 : index
    %get3A_751 = tpu.vector_load %arg7[%get3A_749, %get3A_750] {strides = array<i32>} : memref<26x128xf32, #tpu.memory_space<vmem>>, vector<1x16xf32>,
    %get3A_752 = vector.shape_cast %get3A_751 : vector<1x16xf32> to vector<16xf32>
    %add3A_753 = arith.addf %add3A_747, %get3A_752 : vector<16xf32>
    %get3A_754 = arith.constant 17 : i32
    %get3A_755 = arith.index_cast %get3A_754 : i32 to index
    %get3A_756 = arith.constant 64 : index
    %get3A_757 = tpu.vector_load %arg7[%get3A_755, %get3A_756] {strides = array<i32>} : memref<26x128xf32, #tpu.memory_space<vmem>>, vector<1x16xf32>,
    %get3A_758 = vector.shape_cast %get3A_757 : vector<1x16xf32> to vector<16xf32>
    %add3A_759 = arith.addf %add3A_753, %get3A_758 : vector<16xf32>
    %get3A_760 = arith.constant 18 : i32
    %get3A_761 = arith.index_cast %get3A_760 : i32 to index
    %get3A_762 = arith.constant 64 : index
    %get3A_763 = tpu.vector_load %arg7[%get3A_761, %get3A_762] {strides = array<i32>} : memref<26x128xf32, #tpu.memory_space<vmem>>, vector<1x16xf32>,
    %get3A_764 = vector.shape_cast %get3A_763 : vector<1x16xf32> to vector<16xf32>
    %add3A_765 = arith.addf %add3A_759, %get3A_764 : vector<16xf32>
    %get3A_766 = arith.constant 19 : i32
    %get3A_767 = arith.index_cast %get3A_766 : i32 to index
    %get3A_768 = arith.constant 64 : index
    %get3A_769 = tpu.vector_load %arg7[%get3A_767, %get3A_768] {strides = array<i32>} : memref<26x128xf32, #tpu.memory_space<vmem>>, vector<1x16xf32>,
    %get3A_770 = vector.shape_cast %get3A_769 : vector<1x16xf32> to vector<16xf32>
    %add3A_771 = arith.addf %add3A_765, %get3A_770 : vector<16xf32>
    %get3A_772 = arith.constant 20 : i32
    %get3A_773 = arith.index_cast %get3A_772 : i32 to index
    %get3A_774 = arith.constant 64 : index
    %get3A_775 = tpu.vector_load %arg7[%get3A_773, %get3A_774] {strides = array<i32>} : memref<26x128xf32, #tpu.memory_space<vmem>>, vector<1x16xf32>,
    %get3A_776 = vector.shape_cast %get3A_775 : vector<1x16xf32> to vector<16xf32>
    %add3A_777 = arith.addf %add3A_771, %get3A_776 : vector<16xf32>
    %get3A_778 = arith.constant 21 : i32
    %get3A_779 = arith.index_cast %get3A_778 : i32 to index
    %get3A_780 = arith.constant 64 : index
    %get3A_781 = tpu.vector_load %arg7[%get3A_779, %get3A_780] {strides = array<i32>} : memref<26x128xf32, #tpu.memory_space<vmem>>, vector<1x16xf32>,
    %get3A_782 = vector.shape_cast %get3A_781 : vector<1x16xf32> to vector<16xf32>
    %add3A_783 = arith.addf %add3A_777, %get3A_782 : vector<16xf32>
    %get3A_784 = arith.constant 22 : i32
    %get3A_785 = arith.index_cast %get3A_784 : i32 to index
    %get3A_786 = arith.constant 64 : index
    %get3A_787 = tpu.vector_load %arg7[%get3A_785, %get3A_786] {strides = array<i32>} : memref<26x128xf32, #tpu.memory_space<vmem>>, vector<1x16xf32>,
    %get3A_788 = vector.shape_cast %get3A_787 : vector<1x16xf32> to vector<16xf32>
    %add3A_789 = arith.addf %add3A_783, %get3A_788 : vector<16xf32>
    %get3A_790 = arith.constant 23 : i32
    %get3A_791 = arith.index_cast %get3A_790 : i32 to index
    %get3A_792 = arith.constant 64 : index
    %get3A_793 = tpu.vector_load %arg7[%get3A_791, %get3A_792] {strides = array<i32>} : memref<26x128xf32, #tpu.memory_space<vmem>>, vector<1x16xf32>,
    %get3A_794 = vector.shape_cast %get3A_793 : vector<1x16xf32> to vector<16xf32>
    %add3A_795 = arith.addf %add3A_789, %get3A_794 : vector<16xf32>
    %get3A_796 = arith.constant 24 : i32
    %get3A_797 = arith.index_cast %get3A_796 : i32 to index
    %get3A_798 = arith.constant 64 : index
    %get3A_799 = tpu.vector_load %arg7[%get3A_797, %get3A_798] {strides = array<i32>} : memref<26x128xf32, #tpu.memory_space<vmem>>, vector<1x16xf32>,
    %get3A_800 = vector.shape_cast %get3A_799 : vector<1x16xf32> to vector<16xf32>
    %add3A_801 = arith.addf %add3A_795, %get3A_800 : vector<16xf32>
    %get3A_802 = arith.constant 25 : i32
    %get3A_803 = arith.index_cast %get3A_802 : i32 to index
    %get3A_804 = arith.constant 64 : index
    %get3A_805 = tpu.vector_load %arg7[%get3A_803, %get3A_804] {strides = array<i32>} : memref<26x128xf32, #tpu.memory_space<vmem>>, vector<1x16xf32>,
    %get3A_806 = vector.shape_cast %get3A_805 : vector<1x16xf32> to vector<16xf32>
    %add3A_807 = arith.addf %add3A_801, %get3A_806 : vector<16xf32>
    %swap3A_808 = arith.constant 64 : index
    %swap3A_809 = tpu.vector_load %arg8[%swap3A_808] {strides = array<i32>} : memref<128xf32, #tpu.memory_space<vmem>>, vector<16xf32>,
    %swap3A_810 = vector.shape_cast %swap3A_809 : vector<16xf32> to vector<16xf32>
    %swap3A_811 = vector.shape_cast %add3A_807 : vector<16xf32> to vector<16xf32>
    tpu.vector_store %arg8[%swap3A_808], %swap3A_811 {strides = array<i32>} : memref<128xf32, #tpu.memory_space<vmem>>, vector<16xf32>,
    %broadcast_in_dim3A_812 = arith.constant 0.000000e+00 : f32
    %broadcast_in_dim3A_813 = vector.broadcast %broadcast_in_dim3A_812 : f32 to vector<16xf32>
    %get3A_814 = arith.constant 0 : i32
    %get3A_815 = arith.index_cast %get3A_814 : i32 to index
    %get3A_816 = arith.constant 80 : index
    %get3A_817 = tpu.vector_load %arg7[%get3A_815, %get3A_816] {strides = array<i32>} : memref<26x128xf32, #tpu.memory_space<vmem>>, vector<1x16xf32>,
    %get3A_818 = vector.shape_cast %get3A_817 : vector<1x16xf32> to vector<16xf32>
    %add3A_819 = arith.addf %broadcast_in_dim3A_813, %get3A_818 : vector<16xf32>
    %get3A_820 = arith.constant 1 : i32
    %get3A_821 = arith.index_cast %get3A_820 : i32 to index
    %get3A_822 = arith.constant 80 : index
    %get3A_823 = tpu.vector_load %arg7[%get3A_821, %get3A_822] {strides = array<i32>} : memref<26x128xf32, #tpu.memory_space<vmem>>, vector<1x16xf32>,
    %get3A_824 = vector.shape_cast %get3A_823 : vector<1x16xf32> to vector<16xf32>
    %add3A_825 = arith.addf %add3A_819, %get3A_824 : vector<16xf32>
    %get3A_826 = arith.constant 2 : i32
    %get3A_827 = arith.index_cast %get3A_826 : i32 to index
    %get3A_828 = arith.constant 80 : index
    %get3A_829 = tpu.vector_load %arg7[%get3A_827, %get3A_828] {strides = array<i32>} : memref<26x128xf32, #tpu.memory_space<vmem>>, vector<1x16xf32>,
    %get3A_830 = vector.shape_cast %get3A_829 : vector<1x16xf32> to vector<16xf32>
    %add3A_831 = arith.addf %add3A_825, %get3A_830 : vector<16xf32>
    %get3A_832 = arith.constant 3 : i32
    %get3A_833 = arith.index_cast %get3A_832 : i32 to index
    %get3A_834 = arith.constant 80 : index
    %get3A_835 = tpu.vector_load %arg7[%get3A_833, %get3A_834] {strides = array<i32>} : memref<26x128xf32, #tpu.memory_space<vmem>>, vector<1x16xf32>,
    %get3A_836 = vector.shape_cast %get3A_835 : vector<1x16xf32> to vector<16xf32>
    %add3A_837 = arith.addf %add3A_831, %get3A_836 : vector<16xf32>
    %get3A_838 = arith.constant 4 : i32
    %get3A_839 = arith.index_cast %get3A_838 : i32 to index
    %get3A_840 = arith.constant 80 : index
    %get3A_841 = tpu.vector_load %arg7[%get3A_839, %get3A_840] {strides = array<i32>} : memref<26x128xf32, #tpu.memory_space<vmem>>, vector<1x16xf32>,
    %get3A_842 = vector.shape_cast %get3A_841 : vector<1x16xf32> to vector<16xf32>
    %add3A_843 = arith.addf %add3A_837, %get3A_842 : vector<16xf32>
    %get3A_844 = arith.constant 5 : i32
    %get3A_845 = arith.index_cast %get3A_844 : i32 to index
    %get3A_846 = arith.constant 80 : index
    %get3A_847 = tpu.vector_load %arg7[%get3A_845, %get3A_846] {strides = array<i32>} : memref<26x128xf32, #tpu.memory_space<vmem>>, vector<1x16xf32>,
    %get3A_848 = vector.shape_cast %get3A_847 : vector<1x16xf32> to vector<16xf32>
    %add3A_849 = arith.addf %add3A_843, %get3A_848 : vector<16xf32>
    %get3A_850 = arith.constant 6 : i32
    %get3A_851 = arith.index_cast %get3A_850 : i32 to index
    %get3A_852 = arith.constant 80 : index
    %get3A_853 = tpu.vector_load %arg7[%get3A_851, %get3A_852] {strides = array<i32>} : memref<26x128xf32, #tpu.memory_space<vmem>>, vector<1x16xf32>,
    %get3A_854 = vector.shape_cast %get3A_853 : vector<1x16xf32> to vector<16xf32>
    %add3A_855 = arith.addf %add3A_849, %get3A_854 : vector<16xf32>
    %get3A_856 = arith.constant 7 : i32
    %get3A_857 = arith.index_cast %get3A_856 : i32 to index
    %get3A_858 = arith.constant 80 : index
    %get3A_859 = tpu.vector_load %arg7[%get3A_857, %get3A_858] {strides = array<i32>} : memref<26x128xf32, #tpu.memory_space<vmem>>, vector<1x16xf32>,
    %get3A_860 = vector.shape_cast %get3A_859 : vector<1x16xf32> to vector<16xf32>
    %add3A_861 = arith.addf %add3A_855, %get3A_860 : vector<16xf32>
    %get3A_862 = arith.constant 8 : i32
    %get3A_863 = arith.index_cast %get3A_862 : i32 to index
    %get3A_864 = arith.constant 80 : index
    %get3A_865 = tpu.vector_load %arg7[%get3A_863, %get3A_864] {strides = array<i32>} : memref<26x128xf32, #tpu.memory_space<vmem>>, vector<1x16xf32>,
    %get3A_866 = vector.shape_cast %get3A_865 : vector<1x16xf32> to vector<16xf32>
    %add3A_867 = arith.addf %add3A_861, %get3A_866 : vector<16xf32>
    %get3A_868 = arith.constant 9 : i32
    %get3A_869 = arith.index_cast %get3A_868 : i32 to index
    %get3A_870 = arith.constant 80 : index
    %get3A_871 = tpu.vector_load %arg7[%get3A_869, %get3A_870] {strides = array<i32>} : memref<26x128xf32, #tpu.memory_space<vmem>>, vector<1x16xf32>,
    %get3A_872 = vector.shape_cast %get3A_871 : vector<1x16xf32> to vector<16xf32>
    %add3A_873 = arith.addf %add3A_867, %get3A_872 : vector<16xf32>
    %get3A_874 = arith.constant 10 : i32
    %get3A_875 = arith.index_cast %get3A_874 : i32 to index
    %get3A_876 = arith.constant 80 : index
    %get3A_877 = tpu.vector_load %arg7[%get3A_875, %get3A_876] {strides = array<i32>} : memref<26x128xf32, #tpu.memory_space<vmem>>, vector<1x16xf32>,
    %get3A_878 = vector.shape_cast %get3A_877 : vector<1x16xf32> to vector<16xf32>
    %add3A_879 = arith.addf %add3A_873, %get3A_878 : vector<16xf32>
    %get3A_880 = arith.constant 11 : i32
    %get3A_881 = arith.index_cast %get3A_880 : i32 to index
    %get3A_882 = arith.constant 80 : index
    %get3A_883 = tpu.vector_load %arg7[%get3A_881, %get3A_882] {strides = array<i32>} : memref<26x128xf32, #tpu.memory_space<vmem>>, vector<1x16xf32>,
    %get3A_884 = vector.shape_cast %get3A_883 : vector<1x16xf32> to vector<16xf32>
    %add3A_885 = arith.addf %add3A_879, %get3A_884 : vector<16xf32>
    %get3A_886 = arith.constant 12 : i32
    %get3A_887 = arith.index_cast %get3A_886 : i32 to index
    %get3A_888 = arith.constant 80 : index
    %get3A_889 = tpu.vector_load %arg7[%get3A_887, %get3A_888] {strides = array<i32>} : memref<26x128xf32, #tpu.memory_space<vmem>>, vector<1x16xf32>,
    %get3A_890 = vector.shape_cast %get3A_889 : vector<1x16xf32> to vector<16xf32>
    %add3A_891 = arith.addf %add3A_885, %get3A_890 : vector<16xf32>
    %get3A_892 = arith.constant 13 : i32
    %get3A_893 = arith.index_cast %get3A_892 : i32 to index
    %get3A_894 = arith.constant 80 : index
    %get3A_895 = tpu.vector_load %arg7[%get3A_893, %get3A_894] {strides = array<i32>} : memref<26x128xf32, #tpu.memory_space<vmem>>, vector<1x16xf32>,
    %get3A_896 = vector.shape_cast %get3A_895 : vector<1x16xf32> to vector<16xf32>
    %add3A_897 = arith.addf %add3A_891, %get3A_896 : vector<16xf32>
    %get3A_898 = arith.constant 14 : i32
    %get3A_899 = arith.index_cast %get3A_898 : i32 to index
    %get3A_900 = arith.constant 80 : index
    %get3A_901 = tpu.vector_load %arg7[%get3A_899, %get3A_900] {strides = array<i32>} : memref<26x128xf32, #tpu.memory_space<vmem>>, vector<1x16xf32>,
    %get3A_902 = vector.shape_cast %get3A_901 : vector<1x16xf32> to vector<16xf32>
    %add3A_903 = arith.addf %add3A_897, %get3A_902 : vector<16xf32>
    %get3A_904 = arith.constant 15 : i32
    %get3A_905 = arith.index_cast %get3A_904 : i32 to index
    %get3A_906 = arith.constant 80 : index
    %get3A_907 = tpu.vector_load %arg7[%get3A_905, %get3A_906] {strides = array<i32>} : memref<26x128xf32, #tpu.memory_space<vmem>>, vector<1x16xf32>,
    %get3A_908 = vector.shape_cast %get3A_907 : vector<1x16xf32> to vector<16xf32>
    %add3A_909 = arith.addf %add3A_903, %get3A_908 : vector<16xf32>
    %get3A_910 = arith.constant 16 : i32
    %get3A_911 = arith.index_cast %get3A_910 : i32 to index
    %get3A_912 = arith.constant 80 : index
    %get3A_913 = tpu.vector_load %arg7[%get3A_911, %get3A_912] {strides = array<i32>} : memref<26x128xf32, #tpu.memory_space<vmem>>, vector<1x16xf32>,
    %get3A_914 = vector.shape_cast %get3A_913 : vector<1x16xf32> to vector<16xf32>
    %add3A_915 = arith.addf %add3A_909, %get3A_914 : vector<16xf32>
    %get3A_916 = arith.constant 17 : i32
    %get3A_917 = arith.index_cast %get3A_916 : i32 to index
    %get3A_918 = arith.constant 80 : index
    %get3A_919 = tpu.vector_load %arg7[%get3A_917, %get3A_918] {strides = array<i32>} : memref<26x128xf32, #tpu.memory_space<vmem>>, vector<1x16xf32>,
    %get3A_920 = vector.shape_cast %get3A_919 : vector<1x16xf32> to vector<16xf32>
    %add3A_921 = arith.addf %add3A_915, %get3A_920 : vector<16xf32>
    %get3A_922 = arith.constant 18 : i32
    %get3A_923 = arith.index_cast %get3A_922 : i32 to index
    %get3A_924 = arith.constant 80 : index
    %get3A_925 = tpu.vector_load %arg7[%get3A_923, %get3A_924] {strides = array<i32>} : memref<26x128xf32, #tpu.memory_space<vmem>>, vector<1x16xf32>,
    %get3A_926 = vector.shape_cast %get3A_925 : vector<1x16xf32> to vector<16xf32>
    %add3A_927 = arith.addf %add3A_921, %get3A_926 : vector<16xf32>
    %get3A_928 = arith.constant 19 : i32
    %get3A_929 = arith.index_cast %get3A_928 : i32 to index
    %get3A_930 = arith.constant 80 : index
    %get3A_931 = tpu.vector_load %arg7[%get3A_929, %get3A_930] {strides = array<i32>} : memref<26x128xf32, #tpu.memory_space<vmem>>, vector<1x16xf32>,
    %get3A_932 = vector.shape_cast %get3A_931 : vector<1x16xf32> to vector<16xf32>
    %add3A_933 = arith.addf %add3A_927, %get3A_932 : vector<16xf32>
    %get3A_934 = arith.constant 20 : i32
    %get3A_935 = arith.index_cast %get3A_934 : i32 to index
    %get3A_936 = arith.constant 80 : index
    %get3A_937 = tpu.vector_load %arg7[%get3A_935, %get3A_936] {strides = array<i32>} : memref<26x128xf32, #tpu.memory_space<vmem>>, vector<1x16xf32>,
    %get3A_938 = vector.shape_cast %get3A_937 : vector<1x16xf32> to vector<16xf32>
    %add3A_939 = arith.addf %add3A_933, %get3A_938 : vector<16xf32>
    %get3A_940 = arith.constant 21 : i32
    %get3A_941 = arith.index_cast %get3A_940 : i32 to index
    %get3A_942 = arith.constant 80 : index
    %get3A_943 = tpu.vector_load %arg7[%get3A_941, %get3A_942] {strides = array<i32>} : memref<26x128xf32, #tpu.memory_space<vmem>>, vector<1x16xf32>,
    %get3A_944 = vector.shape_cast %get3A_943 : vector<1x16xf32> to vector<16xf32>
    %add3A_945 = arith.addf %add3A_939, %get3A_944 : vector<16xf32>
    %get3A_946 = arith.constant 22 : i32
    %get3A_947 = arith.index_cast %get3A_946 : i32 to index
    %get3A_948 = arith.constant 80 : index
    %get3A_949 = tpu.vector_load %arg7[%get3A_947, %get3A_948] {strides = array<i32>} : memref<26x128xf32, #tpu.memory_space<vmem>>, vector<1x16xf32>,
    %get3A_950 = vector.shape_cast %get3A_949 : vector<1x16xf32> to vector<16xf32>
    %add3A_951 = arith.addf %add3A_945, %get3A_950 : vector<16xf32>
    %get3A_952 = arith.constant 23 : i32
    %get3A_953 = arith.index_cast %get3A_952 : i32 to index
    %get3A_954 = arith.constant 80 : index
    %get3A_955 = tpu.vector_load %arg7[%get3A_953, %get3A_954] {strides = array<i32>} : memref<26x128xf32, #tpu.memory_space<vmem>>, vector<1x16xf32>,
    %get3A_956 = vector.shape_cast %get3A_955 : vector<1x16xf32> to vector<16xf32>
    %add3A_957 = arith.addf %add3A_951, %get3A_956 : vector<16xf32>
    %get3A_958 = arith.constant 24 : i32
    %get3A_959 = arith.index_cast %get3A_958 : i32 to index
    %get3A_960 = arith.constant 80 : index
    %get3A_961 = tpu.vector_load %arg7[%get3A_959, %get3A_960] {strides = array<i32>} : memref<26x128xf32, #tpu.memory_space<vmem>>, vector<1x16xf32>,
    %get3A_962 = vector.shape_cast %get3A_961 : vector<1x16xf32> to vector<16xf32>
    %add3A_963 = arith.addf %add3A_957, %get3A_962 : vector<16xf32>
    %get3A_964 = arith.constant 25 : i32
    %get3A_965 = arith.index_cast %get3A_964 : i32 to index
    %get3A_966 = arith.constant 80 : index
    %get3A_967 = tpu.vector_load %arg7[%get3A_965, %get3A_966] {strides = array<i32>} : memref<26x128xf32, #tpu.memory_space<vmem>>, vector<1x16xf32>,
    %get3A_968 = vector.shape_cast %get3A_967 : vector<1x16xf32> to vector<16xf32>
    %add3A_969 = arith.addf %add3A_963, %get3A_968 : vector<16xf32>
    %swap3A_970 = arith.constant 80 : index
    %swap3A_971 = tpu.vector_load %arg8[%swap3A_970] {strides = array<i32>} : memref<128xf32, #tpu.memory_space<vmem>>, vector<16xf32>,
    %swap3A_972 = vector.shape_cast %swap3A_971 : vector<16xf32> to vector<16xf32>
    %swap3A_973 = vector.shape_cast %add3A_969 : vector<16xf32> to vector<16xf32>
    tpu.vector_store %arg8[%swap3A_970], %swap3A_973 {strides = array<i32>} : memref<128xf32, #tpu.memory_space<vmem>>, vector<16xf32>,
    %broadcast_in_dim3A_974 = arith.constant 0.000000e+00 : f32
    %broadcast_in_dim3A_975 = vector.broadcast %broadcast_in_dim3A_974 : f32 to vector<16xf32>
    %get3A_976 = arith.constant 0 : i32
    %get3A_977 = arith.index_cast %get3A_976 : i32 to index
    %get3A_978 = arith.constant 96 : index
    %get3A_979 = tpu.vector_load %arg7[%get3A_977, %get3A_978] {strides = array<i32>} : memref<26x128xf32, #tpu.memory_space<vmem>>, vector<1x16xf32>,
    %get3A_980 = vector.shape_cast %get3A_979 : vector<1x16xf32> to vector<16xf32>
    %add3A_981 = arith.addf %broadcast_in_dim3A_975, %get3A_980 : vector<16xf32>
    %get3A_982 = arith.constant 1 : i32
    %get3A_983 = arith.index_cast %get3A_982 : i32 to index
    %get3A_984 = arith.constant 96 : index
    %get3A_985 = tpu.vector_load %arg7[%get3A_983, %get3A_984] {strides = array<i32>} : memref<26x128xf32, #tpu.memory_space<vmem>>, vector<1x16xf32>,
    %get3A_986 = vector.shape_cast %get3A_985 : vector<1x16xf32> to vector<16xf32>
    %add3A_987 = arith.addf %add3A_981, %get3A_986 : vector<16xf32>
    %get3A_988 = arith.constant 2 : i32
    %get3A_989 = arith.index_cast %get3A_988 : i32 to index
    %get3A_990 = arith.constant 96 : index
    %get3A_991 = tpu.vector_load %arg7[%get3A_989, %get3A_990] {strides = array<i32>} : memref<26x128xf32, #tpu.memory_space<vmem>>, vector<1x16xf32>,
    %get3A_992 = vector.shape_cast %get3A_991 : vector<1x16xf32> to vector<16xf32>
    %add3A_993 = arith.addf %add3A_987, %get3A_992 : vector<16xf32>
    %get3A_994 = arith.constant 3 : i32
    %get3A_995 = arith.index_cast %get3A_994 : i32 to index
    %get3A_996 = arith.constant 96 : index
    %get3A_997 = tpu.vector_load %arg7[%get3A_995, %get3A_996] {strides = array<i32>} : memref<26x128xf32, #tpu.memory_space<vmem>>, vector<1x16xf32>,
    %get3A_998 = vector.shape_cast %get3A_997 : vector<1x16xf32> to vector<16xf32>
    %add3A_999 = arith.addf %add3A_993, %get3A_998 : vector<16xf32>
    %get3A_1000 = arith.constant 4 : i32
    %get3A_1001 = arith.index_cast %get3A_1000 : i32 to index
    %get3A_1002 = arith.constant 96 : index
    %get3A_1003 = tpu.vector_load %arg7[%get3A_1001, %get3A_1002] {strides = array<i32>} : memref<26x128xf32, #tpu.memory_space<vmem>>, vector<1x16xf32>,
    %get3A_1004 = vector.shape_cast %get3A_1003 : vector<1x16xf32> to vector<16xf32>
    %add3A_1005 = arith.addf %add3A_999, %get3A_1004 : vector<16xf32>
    %get3A_1006 = arith.constant 5 : i32
    %get3A_1007 = arith.index_cast %get3A_1006 : i32 to index
    %get3A_1008 = arith.constant 96 : index
    %get3A_1009 = tpu.vector_load %arg7[%get3A_1007, %get3A_1008] {strides = array<i32>} : memref<26x128xf32, #tpu.memory_space<vmem>>, vector<1x16xf32>,
    %get3A_1010 = vector.shape_cast %get3A_1009 : vector<1x16xf32> to vector<16xf32>
    %add3A_1011 = arith.addf %add3A_1005, %get3A_1010 : vector<16xf32>
    %get3A_1012 = arith.constant 6 : i32
    %get3A_1013 = arith.index_cast %get3A_1012 : i32 to index
    %get3A_1014 = arith.constant 96 : index
    %get3A_1015 = tpu.vector_load %arg7[%get3A_1013, %get3A_1014] {strides = array<i32>} : memref<26x128xf32, #tpu.memory_space<vmem>>, vector<1x16xf32>,
    %get3A_1016 = vector.shape_cast %get3A_1015 : vector<1x16xf32> to vector<16xf32>
    %add3A_1017 = arith.addf %add3A_1011, %get3A_1016 : vector<16xf32>
    %get3A_1018 = arith.constant 7 : i32
    %get3A_1019 = arith.index_cast %get3A_1018 : i32 to index
    %get3A_1020 = arith.constant 96 : index
    %get3A_1021 = tpu.vector_load %arg7[%get3A_1019, %get3A_1020] {strides = array<i32>} : memref<26x128xf32, #tpu.memory_space<vmem>>, vector<1x16xf32>,
    %get3A_1022 = vector.shape_cast %get3A_1021 : vector<1x16xf32> to vector<16xf32>
    %add3A_1023 = arith.addf %add3A_1017, %get3A_1022 : vector<16xf32>
    %get3A_1024 = arith.constant 8 : i32
    %get3A_1025 = arith.index_cast %get3A_1024 : i32 to index
    %get3A_1026 = arith.constant 96 : index
    %get3A_1027 = tpu.vector_load %arg7[%get3A_1025, %get3A_1026] {strides = array<i32>} : memref<26x128xf32, #tpu.memory_space<vmem>>, vector<1x16xf32>,
    %get3A_1028 = vector.shape_cast %get3A_1027 : vector<1x16xf32> to vector<16xf32>
    %add3A_1029 = arith.addf %add3A_1023, %get3A_1028 : vector<16xf32>
    %get3A_1030 = arith.constant 9 : i32
    %get3A_1031 = arith.index_cast %get3A_1030 : i32 to index
    %get3A_1032 = arith.constant 96 : index
    %get3A_1033 = tpu.vector_load %arg7[%get3A_1031, %get3A_1032] {strides = array<i32>} : memref<26x128xf32, #tpu.memory_space<vmem>>, vector<1x16xf32>,
    %get3A_1034 = vector.shape_cast %get3A_1033 : vector<1x16xf32> to vector<16xf32>
    %add3A_1035 = arith.addf %add3A_1029, %get3A_1034 : vector<16xf32>
    %get3A_1036 = arith.constant 10 : i32
    %get3A_1037 = arith.index_cast %get3A_1036 : i32 to index
    %get3A_1038 = arith.constant 96 : index
    %get3A_1039 = tpu.vector_load %arg7[%get3A_1037, %get3A_1038] {strides = array<i32>} : memref<26x128xf32, #tpu.memory_space<vmem>>, vector<1x16xf32>,
    %get3A_1040 = vector.shape_cast %get3A_1039 : vector<1x16xf32> to vector<16xf32>
    %add3A_1041 = arith.addf %add3A_1035, %get3A_1040 : vector<16xf32>
    %get3A_1042 = arith.constant 11 : i32
    %get3A_1043 = arith.index_cast %get3A_1042 : i32 to index
    %get3A_1044 = arith.constant 96 : index
    %get3A_1045 = tpu.vector_load %arg7[%get3A_1043, %get3A_1044] {strides = array<i32>} : memref<26x128xf32, #tpu.memory_space<vmem>>, vector<1x16xf32>,
    %get3A_1046 = vector.shape_cast %get3A_1045 : vector<1x16xf32> to vector<16xf32>
    %add3A_1047 = arith.addf %add3A_1041, %get3A_1046 : vector<16xf32>
    %get3A_1048 = arith.constant 12 : i32
    %get3A_1049 = arith.index_cast %get3A_1048 : i32 to index
    %get3A_1050 = arith.constant 96 : index
    %get3A_1051 = tpu.vector_load %arg7[%get3A_1049, %get3A_1050] {strides = array<i32>} : memref<26x128xf32, #tpu.memory_space<vmem>>, vector<1x16xf32>,
    %get3A_1052 = vector.shape_cast %get3A_1051 : vector<1x16xf32> to vector<16xf32>
    %add3A_1053 = arith.addf %add3A_1047, %get3A_1052 : vector<16xf32>
    %get3A_1054 = arith.constant 13 : i32
    %get3A_1055 = arith.index_cast %get3A_1054 : i32 to index
    %get3A_1056 = arith.constant 96 : index
    %get3A_1057 = tpu.vector_load %arg7[%get3A_1055, %get3A_1056] {strides = array<i32>} : memref<26x128xf32, #tpu.memory_space<vmem>>, vector<1x16xf32>,
    %get3A_1058 = vector.shape_cast %get3A_1057 : vector<1x16xf32> to vector<16xf32>
    %add3A_1059 = arith.addf %add3A_1053, %get3A_1058 : vector<16xf32>
    %get3A_1060 = arith.constant 14 : i32
    %get3A_1061 = arith.index_cast %get3A_1060 : i32 to index
    %get3A_1062 = arith.constant 96 : index
    %get3A_1063 = tpu.vector_load %arg7[%get3A_1061, %get3A_1062] {strides = array<i32>} : memref<26x128xf32, #tpu.memory_space<vmem>>, vector<1x16xf32>,
    %get3A_1064 = vector.shape_cast %get3A_1063 : vector<1x16xf32> to vector<16xf32>
    %add3A_1065 = arith.addf %add3A_1059, %get3A_1064 : vector<16xf32>
    %get3A_1066 = arith.constant 15 : i32
    %get3A_1067 = arith.index_cast %get3A_1066 : i32 to index
    %get3A_1068 = arith.constant 96 : index
    %get3A_1069 = tpu.vector_load %arg7[%get3A_1067, %get3A_1068] {strides = array<i32>} : memref<26x128xf32, #tpu.memory_space<vmem>>, vector<1x16xf32>,
    %get3A_1070 = vector.shape_cast %get3A_1069 : vector<1x16xf32> to vector<16xf32>
    %add3A_1071 = arith.addf %add3A_1065, %get3A_1070 : vector<16xf32>
    %get3A_1072 = arith.constant 16 : i32
    %get3A_1073 = arith.index_cast %get3A_1072 : i32 to index
    %get3A_1074 = arith.constant 96 : index
    %get3A_1075 = tpu.vector_load %arg7[%get3A_1073, %get3A_1074] {strides = array<i32>} : memref<26x128xf32, #tpu.memory_space<vmem>>, vector<1x16xf32>,
    %get3A_1076 = vector.shape_cast %get3A_1075 : vector<1x16xf32> to vector<16xf32>
    %add3A_1077 = arith.addf %add3A_1071, %get3A_1076 : vector<16xf32>
    %get3A_1078 = arith.constant 17 : i32
    %get3A_1079 = arith.index_cast %get3A_1078 : i32 to index
    %get3A_1080 = arith.constant 96 : index
    %get3A_1081 = tpu.vector_load %arg7[%get3A_1079, %get3A_1080] {strides = array<i32>} : memref<26x128xf32, #tpu.memory_space<vmem>>, vector<1x16xf32>,
    %get3A_1082 = vector.shape_cast %get3A_1081 : vector<1x16xf32> to vector<16xf32>
    %add3A_1083 = arith.addf %add3A_1077, %get3A_1082 : vector<16xf32>
    %get3A_1084 = arith.constant 18 : i32
    %get3A_1085 = arith.index_cast %get3A_1084 : i32 to index
    %get3A_1086 = arith.constant 96 : index
    %get3A_1087 = tpu.vector_load %arg7[%get3A_1085, %get3A_1086] {strides = array<i32>} : memref<26x128xf32, #tpu.memory_space<vmem>>, vector<1x16xf32>,
    %get3A_1088 = vector.shape_cast %get3A_1087 : vector<1x16xf32> to vector<16xf32>
    %add3A_1089 = arith.addf %add3A_1083, %get3A_1088 : vector<16xf32>
    %get3A_1090 = arith.constant 19 : i32
    %get3A_1091 = arith.index_cast %get3A_1090 : i32 to index
    %get3A_1092 = arith.constant 96 : index
    %get3A_1093 = tpu.vector_load %arg7[%get3A_1091, %get3A_1092] {strides = array<i32>} : memref<26x128xf32, #tpu.memory_space<vmem>>, vector<1x16xf32>,
    %get3A_1094 = vector.shape_cast %get3A_1093 : vector<1x16xf32> to vector<16xf32>
    %add3A_1095 = arith.addf %add3A_1089, %get3A_1094 : vector<16xf32>
    %get3A_1096 = arith.constant 20 : i32
    %get3A_1097 = arith.index_cast %get3A_1096 : i32 to index
    %get3A_1098 = arith.constant 96 : index
    %get3A_1099 = tpu.vector_load %arg7[%get3A_1097, %get3A_1098] {strides = array<i32>} : memref<26x128xf32, #tpu.memory_space<vmem>>, vector<1x16xf32>,
    %get3A_1100 = vector.shape_cast %get3A_1099 : vector<1x16xf32> to vector<16xf32>
    %add3A_1101 = arith.addf %add3A_1095, %get3A_1100 : vector<16xf32>
    %get3A_1102 = arith.constant 21 : i32
    %get3A_1103 = arith.index_cast %get3A_1102 : i32 to index
    %get3A_1104 = arith.constant 96 : index
    %get3A_1105 = tpu.vector_load %arg7[%get3A_1103, %get3A_1104] {strides = array<i32>} : memref<26x128xf32, #tpu.memory_space<vmem>>, vector<1x16xf32>,
    %get3A_1106 = vector.shape_cast %get3A_1105 : vector<1x16xf32> to vector<16xf32>
    %add3A_1107 = arith.addf %add3A_1101, %get3A_1106 : vector<16xf32>
    %get3A_1108 = arith.constant 22 : i32
    %get3A_1109 = arith.index_cast %get3A_1108 : i32 to index
    %get3A_1110 = arith.constant 96 : index
    %get3A_1111 = tpu.vector_load %arg7[%get3A_1109, %get3A_1110] {strides = array<i32>} : memref<26x128xf32, #tpu.memory_space<vmem>>, vector<1x16xf32>,
    %get3A_1112 = vector.shape_cast %get3A_1111 : vector<1x16xf32> to vector<16xf32>
    %add3A_1113 = arith.addf %add3A_1107, %get3A_1112 : vector<16xf32>
    %get3A_1114 = arith.constant 23 : i32
    %get3A_1115 = arith.index_cast %get3A_1114 : i32 to index
    %get3A_1116 = arith.constant 96 : index
    %get3A_1117 = tpu.vector_load %arg7[%get3A_1115, %get3A_1116] {strides = array<i32>} : memref<26x128xf32, #tpu.memory_space<vmem>>, vector<1x16xf32>,
    %get3A_1118 = vector.shape_cast %get3A_1117 : vector<1x16xf32> to vector<16xf32>
    %add3A_1119 = arith.addf %add3A_1113, %get3A_1118 : vector<16xf32>
    %get3A_1120 = arith.constant 24 : i32
    %get3A_1121 = arith.index_cast %get3A_1120 : i32 to index
    %get3A_1122 = arith.constant 96 : index
    %get3A_1123 = tpu.vector_load %arg7[%get3A_1121, %get3A_1122] {strides = array<i32>} : memref<26x128xf32, #tpu.memory_space<vmem>>, vector<1x16xf32>,
    %get3A_1124 = vector.shape_cast %get3A_1123 : vector<1x16xf32> to vector<16xf32>
    %add3A_1125 = arith.addf %add3A_1119, %get3A_1124 : vector<16xf32>
    %get3A_1126 = arith.constant 25 : i32
    %get3A_1127 = arith.index_cast %get3A_1126 : i32 to index
    %get3A_1128 = arith.constant 96 : index
    %get3A_1129 = tpu.vector_load %arg7[%get3A_1127, %get3A_1128] {strides = array<i32>} : memref<26x128xf32, #tpu.memory_space<vmem>>, vector<1x16xf32>,
    %get3A_1130 = vector.shape_cast %get3A_1129 : vector<1x16xf32> to vector<16xf32>
    %add3A_1131 = arith.addf %add3A_1125, %get3A_1130 : vector<16xf32>
    %swap3A_1132 = arith.constant 96 : index
    %swap3A_1133 = tpu.vector_load %arg8[%swap3A_1132] {strides = array<i32>} : memref<128xf32, #tpu.memory_space<vmem>>, vector<16xf32>,
    %swap3A_1134 = vector.shape_cast %swap3A_1133 : vector<16xf32> to vector<16xf32>
    %swap3A_1135 = vector.shape_cast %add3A_1131 : vector<16xf32> to vector<16xf32>
    tpu.vector_store %arg8[%swap3A_1132], %swap3A_1135 {strides = array<i32>} : memref<128xf32, #tpu.memory_space<vmem>>, vector<16xf32>,
    %broadcast_in_dim3A_1136 = arith.constant 0.000000e+00 : f32
    %broadcast_in_dim3A_1137 = vector.broadcast %broadcast_in_dim3A_1136 : f32 to vector<16xf32>
    %get3A_1138 = arith.constant 0 : i32
    %get3A_1139 = arith.index_cast %get3A_1138 : i32 to index
    %get3A_1140 = arith.constant 112 : index
    %get3A_1141 = tpu.vector_load %arg7[%get3A_1139, %get3A_1140] {strides = array<i32>} : memref<26x128xf32, #tpu.memory_space<vmem>>, vector<1x16xf32>,
    %get3A_1142 = vector.shape_cast %get3A_1141 : vector<1x16xf32> to vector<16xf32>
    %add3A_1143 = arith.addf %broadcast_in_dim3A_1137, %get3A_1142 : vector<16xf32>
    %get3A_1144 = arith.constant 1 : i32
    %get3A_1145 = arith.index_cast %get3A_1144 : i32 to index
    %get3A_1146 = arith.constant 112 : index
    %get3A_1147 = tpu.vector_load %arg7[%get3A_1145, %get3A_1146] {strides = array<i32>} : memref<26x128xf32, #tpu.memory_space<vmem>>, vector<1x16xf32>,
    %get3A_1148 = vector.shape_cast %get3A_1147 : vector<1x16xf32> to vector<16xf32>
    %add3A_1149 = arith.addf %add3A_1143, %get3A_1148 : vector<16xf32>
    %get3A_1150 = arith.constant 2 : i32
    %get3A_1151 = arith.index_cast %get3A_1150 : i32 to index
    %get3A_1152 = arith.constant 112 : index
    %get3A_1153 = tpu.vector_load %arg7[%get3A_1151, %get3A_1152] {strides = array<i32>} : memref<26x128xf32, #tpu.memory_space<vmem>>, vector<1x16xf32>,
    %get3A_1154 = vector.shape_cast %get3A_1153 : vector<1x16xf32> to vector<16xf32>
    %add3A_1155 = arith.addf %add3A_1149, %get3A_1154 : vector<16xf32>
    %get3A_1156 = arith.constant 3 : i32
    %get3A_1157 = arith.index_cast %get3A_1156 : i32 to index
    %get3A_1158 = arith.constant 112 : index
    %get3A_1159 = tpu.vector_load %arg7[%get3A_1157, %get3A_1158] {strides = array<i32>} : memref<26x128xf32, #tpu.memory_space<vmem>>, vector<1x16xf32>,
    %get3A_1160 = vector.shape_cast %get3A_1159 : vector<1x16xf32> to vector<16xf32>
    %add3A_1161 = arith.addf %add3A_1155, %get3A_1160 : vector<16xf32>
    %get3A_1162 = arith.constant 4 : i32
    %get3A_1163 = arith.index_cast %get3A_1162 : i32 to index
    %get3A_1164 = arith.constant 112 : index
    %get3A_1165 = tpu.vector_load %arg7[%get3A_1163, %get3A_1164] {strides = array<i32>} : memref<26x128xf32, #tpu.memory_space<vmem>>, vector<1x16xf32>,
    %get3A_1166 = vector.shape_cast %get3A_1165 : vector<1x16xf32> to vector<16xf32>
    %add3A_1167 = arith.addf %add3A_1161, %get3A_1166 : vector<16xf32>
    %get3A_1168 = arith.constant 5 : i32
    %get3A_1169 = arith.index_cast %get3A_1168 : i32 to index
    %get3A_1170 = arith.constant 112 : index
    %get3A_1171 = tpu.vector_load %arg7[%get3A_1169, %get3A_1170] {strides = array<i32>} : memref<26x128xf32, #tpu.memory_space<vmem>>, vector<1x16xf32>,
    %get3A_1172 = vector.shape_cast %get3A_1171 : vector<1x16xf32> to vector<16xf32>
    %add3A_1173 = arith.addf %add3A_1167, %get3A_1172 : vector<16xf32>
    %get3A_1174 = arith.constant 6 : i32
    %get3A_1175 = arith.index_cast %get3A_1174 : i32 to index
    %get3A_1176 = arith.constant 112 : index
    %get3A_1177 = tpu.vector_load %arg7[%get3A_1175, %get3A_1176] {strides = array<i32>} : memref<26x128xf32, #tpu.memory_space<vmem>>, vector<1x16xf32>,
    %get3A_1178 = vector.shape_cast %get3A_1177 : vector<1x16xf32> to vector<16xf32>
    %add3A_1179 = arith.addf %add3A_1173, %get3A_1178 : vector<16xf32>
    %get3A_1180 = arith.constant 7 : i32
    %get3A_1181 = arith.index_cast %get3A_1180 : i32 to index
    %get3A_1182 = arith.constant 112 : index
    %get3A_1183 = tpu.vector_load %arg7[%get3A_1181, %get3A_1182] {strides = array<i32>} : memref<26x128xf32, #tpu.memory_space<vmem>>, vector<1x16xf32>,
    %get3A_1184 = vector.shape_cast %get3A_1183 : vector<1x16xf32> to vector<16xf32>
    %add3A_1185 = arith.addf %add3A_1179, %get3A_1184 : vector<16xf32>
    %get3A_1186 = arith.constant 8 : i32
    %get3A_1187 = arith.index_cast %get3A_1186 : i32 to index
    %get3A_1188 = arith.constant 112 : index
    %get3A_1189 = tpu.vector_load %arg7[%get3A_1187, %get3A_1188] {strides = array<i32>} : memref<26x128xf32, #tpu.memory_space<vmem>>, vector<1x16xf32>,
    %get3A_1190 = vector.shape_cast %get3A_1189 : vector<1x16xf32> to vector<16xf32>
    %add3A_1191 = arith.addf %add3A_1185, %get3A_1190 : vector<16xf32>
    %get3A_1192 = arith.constant 9 : i32
    %get3A_1193 = arith.index_cast %get3A_1192 : i32 to index
    %get3A_1194 = arith.constant 112 : index
    %get3A_1195 = tpu.vector_load %arg7[%get3A_1193, %get3A_1194] {strides = array<i32>} : memref<26x128xf32, #tpu.memory_space<vmem>>, vector<1x16xf32>,
    %get3A_1196 = vector.shape_cast %get3A_1195 : vector<1x16xf32> to vector<16xf32>
    %add3A_1197 = arith.addf %add3A_1191, %get3A_1196 : vector<16xf32>
    %get3A_1198 = arith.constant 10 : i32
    %get3A_1199 = arith.index_cast %get3A_1198 : i32 to index
    %get3A_1200 = arith.constant 112 : index
    %get3A_1201 = tpu.vector_load %arg7[%get3A_1199, %get3A_1200] {strides = array<i32>} : memref<26x128xf32, #tpu.memory_space<vmem>>, vector<1x16xf32>,
    %get3A_1202 = vector.shape_cast %get3A_1201 : vector<1x16xf32> to vector<16xf32>
    %add3A_1203 = arith.addf %add3A_1197, %get3A_1202 : vector<16xf32>
    %get3A_1204 = arith.constant 11 : i32
    %get3A_1205 = arith.index_cast %get3A_1204 : i32 to index
    %get3A_1206 = arith.constant 112 : index
    %get3A_1207 = tpu.vector_load %arg7[%get3A_1205, %get3A_1206] {strides = array<i32>} : memref<26x128xf32, #tpu.memory_space<vmem>>, vector<1x16xf32>,
    %get3A_1208 = vector.shape_cast %get3A_1207 : vector<1x16xf32> to vector<16xf32>
    %add3A_1209 = arith.addf %add3A_1203, %get3A_1208 : vector<16xf32>
    %get3A_1210 = arith.constant 12 : i32
    %get3A_1211 = arith.index_cast %get3A_1210 : i32 to index
    %get3A_1212 = arith.constant 112 : index
    %get3A_1213 = tpu.vector_load %arg7[%get3A_1211, %get3A_1212] {strides = array<i32>} : memref<26x128xf32, #tpu.memory_space<vmem>>, vector<1x16xf32>,
    %get3A_1214 = vector.shape_cast %get3A_1213 : vector<1x16xf32> to vector<16xf32>
    %add3A_1215 = arith.addf %add3A_1209, %get3A_1214 : vector<16xf32>
    %get3A_1216 = arith.constant 13 : i32
    %get3A_1217 = arith.index_cast %get3A_1216 : i32 to index
    %get3A_1218 = arith.constant 112 : index
    %get3A_1219 = tpu.vector_load %arg7[%get3A_1217, %get3A_1218] {strides = array<i32>} : memref<26x128xf32, #tpu.memory_space<vmem>>, vector<1x16xf32>,
    %get3A_1220 = vector.shape_cast %get3A_1219 : vector<1x16xf32> to vector<16xf32>
    %add3A_1221 = arith.addf %add3A_1215, %get3A_1220 : vector<16xf32>
    %get3A_1222 = arith.constant 14 : i32
    %get3A_1223 = arith.index_cast %get3A_1222 : i32 to index
    %get3A_1224 = arith.constant 112 : index
    %get3A_1225 = tpu.vector_load %arg7[%get3A_1223, %get3A_1224] {strides = array<i32>} : memref<26x128xf32, #tpu.memory_space<vmem>>, vector<1x16xf32>,
    %get3A_1226 = vector.shape_cast %get3A_1225 : vector<1x16xf32> to vector<16xf32>
    %add3A_1227 = arith.addf %add3A_1221, %get3A_1226 : vector<16xf32>
    %get3A_1228 = arith.constant 15 : i32
    %get3A_1229 = arith.index_cast %get3A_1228 : i32 to index
    %get3A_1230 = arith.constant 112 : index
    %get3A_1231 = tpu.vector_load %arg7[%get3A_1229, %get3A_1230] {strides = array<i32>} : memref<26x128xf32, #tpu.memory_space<vmem>>, vector<1x16xf32>,
    %get3A_1232 = vector.shape_cast %get3A_1231 : vector<1x16xf32> to vector<16xf32>
    %add3A_1233 = arith.addf %add3A_1227, %get3A_1232 : vector<16xf32>
    %get3A_1234 = arith.constant 16 : i32
    %get3A_1235 = arith.index_cast %get3A_1234 : i32 to index
    %get3A_1236 = arith.constant 112 : index
    %get3A_1237 = tpu.vector_load %arg7[%get3A_1235, %get3A_1236] {strides = array<i32>} : memref<26x128xf32, #tpu.memory_space<vmem>>, vector<1x16xf32>,
    %get3A_1238 = vector.shape_cast %get3A_1237 : vector<1x16xf32> to vector<16xf32>
    %add3A_1239 = arith.addf %add3A_1233, %get3A_1238 : vector<16xf32>
    %get3A_1240 = arith.constant 17 : i32
    %get3A_1241 = arith.index_cast %get3A_1240 : i32 to index
    %get3A_1242 = arith.constant 112 : index
    %get3A_1243 = tpu.vector_load %arg7[%get3A_1241, %get3A_1242] {strides = array<i32>} : memref<26x128xf32, #tpu.memory_space<vmem>>, vector<1x16xf32>,
    %get3A_1244 = vector.shape_cast %get3A_1243 : vector<1x16xf32> to vector<16xf32>
    %add3A_1245 = arith.addf %add3A_1239, %get3A_1244 : vector<16xf32>
    %get3A_1246 = arith.constant 18 : i32
    %get3A_1247 = arith.index_cast %get3A_1246 : i32 to index
    %get3A_1248 = arith.constant 112 : index
    %get3A_1249 = tpu.vector_load %arg7[%get3A_1247, %get3A_1248] {strides = array<i32>} : memref<26x128xf32, #tpu.memory_space<vmem>>, vector<1x16xf32>,
    %get3A_1250 = vector.shape_cast %get3A_1249 : vector<1x16xf32> to vector<16xf32>
    %add3A_1251 = arith.addf %add3A_1245, %get3A_1250 : vector<16xf32>
    %get3A_1252 = arith.constant 19 : i32
    %get3A_1253 = arith.index_cast %get3A_1252 : i32 to index
    %get3A_1254 = arith.constant 112 : index
    %get3A_1255 = tpu.vector_load %arg7[%get3A_1253, %get3A_1254] {strides = array<i32>} : memref<26x128xf32, #tpu.memory_space<vmem>>, vector<1x16xf32>,
    %get3A_1256 = vector.shape_cast %get3A_1255 : vector<1x16xf32> to vector<16xf32>
    %add3A_1257 = arith.addf %add3A_1251, %get3A_1256 : vector<16xf32>
    %get3A_1258 = arith.constant 20 : i32
    %get3A_1259 = arith.index_cast %get3A_1258 : i32 to index
    %get3A_1260 = arith.constant 112 : index
    %get3A_1261 = tpu.vector_load %arg7[%get3A_1259, %get3A_1260] {strides = array<i32>} : memref<26x128xf32, #tpu.memory_space<vmem>>, vector<1x16xf32>,
    %get3A_1262 = vector.shape_cast %get3A_1261 : vector<1x16xf32> to vector<16xf32>
    %add3A_1263 = arith.addf %add3A_1257, %get3A_1262 : vector<16xf32>
    %get3A_1264 = arith.constant 21 : i32
    %get3A_1265 = arith.index_cast %get3A_1264 : i32 to index
    %get3A_1266 = arith.constant 112 : index
    %get3A_1267 = tpu.vector_load %arg7[%get3A_1265, %get3A_1266] {strides = array<i32>} : memref<26x128xf32, #tpu.memory_space<vmem>>, vector<1x16xf32>,
    %get3A_1268 = vector.shape_cast %get3A_1267 : vector<1x16xf32> to vector<16xf32>
    %add3A_1269 = arith.addf %add3A_1263, %get3A_1268 : vector<16xf32>
    %get3A_1270 = arith.constant 22 : i32
    %get3A_1271 = arith.index_cast %get3A_1270 : i32 to index
    %get3A_1272 = arith.constant 112 : index
    %get3A_1273 = tpu.vector_load %arg7[%get3A_1271, %get3A_1272] {strides = array<i32>} : memref<26x128xf32, #tpu.memory_space<vmem>>, vector<1x16xf32>,
    %get3A_1274 = vector.shape_cast %get3A_1273 : vector<1x16xf32> to vector<16xf32>
    %add3A_1275 = arith.addf %add3A_1269, %get3A_1274 : vector<16xf32>
    %get3A_1276 = arith.constant 23 : i32
    %get3A_1277 = arith.index_cast %get3A_1276 : i32 to index
    %get3A_1278 = arith.constant 112 : index
    %get3A_1279 = tpu.vector_load %arg7[%get3A_1277, %get3A_1278] {strides = array<i32>} : memref<26x128xf32, #tpu.memory_space<vmem>>, vector<1x16xf32>,
    %get3A_1280 = vector.shape_cast %get3A_1279 : vector<1x16xf32> to vector<16xf32>
    %add3A_1281 = arith.addf %add3A_1275, %get3A_1280 : vector<16xf32>
    %get3A_1282 = arith.constant 24 : i32
    %get3A_1283 = arith.index_cast %get3A_1282 : i32 to index
    %get3A_1284 = arith.constant 112 : index
    %get3A_1285 = tpu.vector_load %arg7[%get3A_1283, %get3A_1284] {strides = array<i32>} : memref<26x128xf32, #tpu.memory_space<vmem>>, vector<1x16xf32>,
    %get3A_1286 = vector.shape_cast %get3A_1285 : vector<1x16xf32> to vector<16xf32>
    %add3A_1287 = arith.addf %add3A_1281, %get3A_1286 : vector<16xf32>
    %get3A_1288 = arith.constant 25 : i32
    %get3A_1289 = arith.index_cast %get3A_1288 : i32 to index
    %get3A_1290 = arith.constant 112 : index
    %get3A_1291 = tpu.vector_load %arg7[%get3A_1289, %get3A_1290] {strides = array<i32>} : memref<26x128xf32, #tpu.memory_space<vmem>>, vector<1x16xf32>,
    %get3A_1292 = vector.shape_cast %get3A_1291 : vector<1x16xf32> to vector<16xf32>
    %add3A_1293 = arith.addf %add3A_1287, %get3A_1292 : vector<16xf32>
    %swap3A_1294 = arith.constant 112 : index
    %swap3A_1295 = tpu.vector_load %arg8[%swap3A_1294] {strides = array<i32>} : memref<128xf32, #tpu.memory_space<vmem>>, vector<16xf32>,
    %swap3A_1296 = vector.shape_cast %swap3A_1295 : vector<16xf32> to vector<16xf32>
    %swap3A_1297 = vector.shape_cast %add3A_1293 : vector<16xf32> to vector<16xf32>
    tpu.vector_store %arg8[%swap3A_1294], %swap3A_1297 {strides = array<i32>} : memref<128xf32, #tpu.memory_space<vmem>>, vector<16xf32>,
    %scan3A = arith.constant 0 : i32
    %scan3A_1298 = arith.constant 26 : i32
    %scan3A_1299 = arith.addi %scan3A, %scan3A_1298 : i32
    %scan3A_1300 = arith.constant 1 : i32
    scf.for %scan3A_1314 = %scan3A to %scan3A_1299 step %scan3A_1300  : i32 {
      %get3A_1315 = arith.index_cast %scan3A_1314 : i32 to index
      %get3A_1316 = arith.constant 0 : index
      %get3A_1317 = tpu.vector_load %arg7[%get3A_1315, %get3A_1316] {strides = array<i32>} : memref<26x128xf32, #tpu.memory_space<vmem>>, vector<1x16xf32>,
      %get3A_1318 = vector.shape_cast %get3A_1317 : vector<1x16xf32> to vector<16xf32>
      %mul3A_1319 = arith.constant 2.000000e+00 : f32
      %mul3A_1320 = vector.broadcast %mul3A_1319 : f32 to vector<16xf32>
      %mul3A_1321 = arith.mulf %mul3A_1320, %get3A_1318 : vector<16xf32>
      %sub3A = arith.constant 1.000000e+00 : f32
      %sub3A_1322 = vector.broadcast %sub3A : f32 to vector<16xf32>
      %sub3A_1323 = arith.subf %sub3A_1322, %mul3A_1321 : vector<16xf32>
      %swap3A_1324 = arith.index_cast %scan3A_1314 : i32 to index
      %swap3A_1325 = arith.constant 0 : index
      %swap3A_1326 = tpu.vector_load %arg7[%swap3A_1324, %swap3A_1325] {strides = array<i32>} : memref<26x128xf32, #tpu.memory_space<vmem>>, vector<1x16xf32>,
      %swap3A_1327 = vector.shape_cast %swap3A_1326 : vector<1x16xf32> to vector<16xf32>
      %swap3A_1328 = vector.shape_cast %sub3A_1323 : vector<16xf32> to vector<1x16xf32>
      tpu.vector_store %arg7[%swap3A_1324, %swap3A_1325], %swap3A_1328 {strides = array<i32>} : memref<26x128xf32, #tpu.memory_space<vmem>>, vector<1x16xf32>,
      %get3A_1329 = arith.index_cast %scan3A_1314 : i32 to index
      %get3A_1330 = arith.constant 16 : index
      %get3A_1331 = tpu.vector_load %arg7[%get3A_1329, %get3A_1330] {strides = array<i32>} : memref<26x128xf32, #tpu.memory_space<vmem>>, vector<1x16xf32>,
      %get3A_1332 = vector.shape_cast %get3A_1331 : vector<1x16xf32> to vector<16xf32>
      %mul3A_1333 = arith.constant 2.000000e+00 : f32
      %mul3A_1334 = vector.broadcast %mul3A_1333 : f32 to vector<16xf32>
      %mul3A_1335 = arith.mulf %mul3A_1334, %get3A_1332 : vector<16xf32>
      %sub3A_1336 = arith.constant 1.000000e+00 : f32
      %sub3A_1337 = vector.broadcast %sub3A_1336 : f32 to vector<16xf32>
      %sub3A_1338 = arith.subf %sub3A_1337, %mul3A_1335 : vector<16xf32>
      %swap3A_1339 = arith.index_cast %scan3A_1314 : i32 to index
      %swap3A_1340 = arith.constant 16 : index
      %swap3A_1341 = tpu.vector_load %arg7[%swap3A_1339, %swap3A_1340] {strides = array<i32>} : memref<26x128xf32, #tpu.memory_space<vmem>>, vector<1x16xf32>,
      %swap3A_1342 = vector.shape_cast %swap3A_1341 : vector<1x16xf32> to vector<16xf32>
      %swap3A_1343 = vector.shape_cast %sub3A_1338 : vector<16xf32> to vector<1x16xf32>
      tpu.vector_store %arg7[%swap3A_1339, %swap3A_1340], %swap3A_1343 {strides = array<i32>} : memref<26x128xf32, #tpu.memory_space<vmem>>, vector<1x16xf32>,
      %get3A_1344 = arith.index_cast %scan3A_1314 : i32 to index
      %get3A_1345 = arith.constant 32 : index
      %get3A_1346 = tpu.vector_load %arg7[%get3A_1344, %get3A_1345] {strides = array<i32>} : memref<26x128xf32, #tpu.memory_space<vmem>>, vector<1x16xf32>,
      %get3A_1347 = vector.shape_cast %get3A_1346 : vector<1x16xf32> to vector<16xf32>
      %mul3A_1348 = arith.constant 2.000000e+00 : f32
      %mul3A_1349 = vector.broadcast %mul3A_1348 : f32 to vector<16xf32>
      %mul3A_1350 = arith.mulf %mul3A_1349, %get3A_1347 : vector<16xf32>
      %sub3A_1351 = arith.constant 1.000000e+00 : f32
      %sub3A_1352 = vector.broadcast %sub3A_1351 : f32 to vector<16xf32>
      %sub3A_1353 = arith.subf %sub3A_1352, %mul3A_1350 : vector<16xf32>
      %swap3A_1354 = arith.index_cast %scan3A_1314 : i32 to index
      %swap3A_1355 = arith.constant 32 : index
      %swap3A_1356 = tpu.vector_load %arg7[%swap3A_1354, %swap3A_1355] {strides = array<i32>} : memref<26x128xf32, #tpu.memory_space<vmem>>, vector<1x16xf32>,
      %swap3A_1357 = vector.shape_cast %swap3A_1356 : vector<1x16xf32> to vector<16xf32>
      %swap3A_1358 = vector.shape_cast %sub3A_1353 : vector<16xf32> to vector<1x16xf32>
      tpu.vector_store %arg7[%swap3A_1354, %swap3A_1355], %swap3A_1358 {strides = array<i32>} : memref<26x128xf32, #tpu.memory_space<vmem>>, vector<1x16xf32>,
      %get3A_1359 = arith.index_cast %scan3A_1314 : i32 to index
      %get3A_1360 = arith.constant 48 : index
      %get3A_1361 = tpu.vector_load %arg7[%get3A_1359, %get3A_1360] {strides = array<i32>} : memref<26x128xf32, #tpu.memory_space<vmem>>, vector<1x16xf32>,
      %get3A_1362 = vector.shape_cast %get3A_1361 : vector<1x16xf32> to vector<16xf32>
      %mul3A_1363 = arith.constant 2.000000e+00 : f32
      %mul3A_1364 = vector.broadcast %mul3A_1363 : f32 to vector<16xf32>
      %mul3A_1365 = arith.mulf %mul3A_1364, %get3A_1362 : vector<16xf32>
      %sub3A_1366 = arith.constant 1.000000e+00 : f32
      %sub3A_1367 = vector.broadcast %sub3A_1366 : f32 to vector<16xf32>
      %sub3A_1368 = arith.subf %sub3A_1367, %mul3A_1365 : vector<16xf32>
      %swap3A_1369 = arith.index_cast %scan3A_1314 : i32 to index
      %swap3A_1370 = arith.constant 48 : index
      %swap3A_1371 = tpu.vector_load %arg7[%swap3A_1369, %swap3A_1370] {strides = array<i32>} : memref<26x128xf32, #tpu.memory_space<vmem>>, vector<1x16xf32>,
      %swap3A_1372 = vector.shape_cast %swap3A_1371 : vector<1x16xf32> to vector<16xf32>
      %swap3A_1373 = vector.shape_cast %sub3A_1368 : vector<16xf32> to vector<1x16xf32>
      tpu.vector_store %arg7[%swap3A_1369, %swap3A_1370], %swap3A_1373 {strides = array<i32>} : memref<26x128xf32, #tpu.memory_space<vmem>>, vector<1x16xf32>,
      %get3A_1374 = arith.index_cast %scan3A_1314 : i32 to index
      %get3A_1375 = arith.constant 64 : index
      %get3A_1376 = tpu.vector_load %arg7[%get3A_1374, %get3A_1375] {strides = array<i32>} : memref<26x128xf32, #tpu.memory_space<vmem>>, vector<1x16xf32>,
      %get3A_1377 = vector.shape_cast %get3A_1376 : vector<1x16xf32> to vector<16xf32>
      %mul3A_1378 = arith.constant 2.000000e+00 : f32
      %mul3A_1379 = vector.broadcast %mul3A_1378 : f32 to vector<16xf32>
      %mul3A_1380 = arith.mulf %mul3A_1379, %get3A_1377 : vector<16xf32>
      %sub3A_1381 = arith.constant 1.000000e+00 : f32
      %sub3A_1382 = vector.broadcast %sub3A_1381 : f32 to vector<16xf32>
      %sub3A_1383 = arith.subf %sub3A_1382, %mul3A_1380 : vector<16xf32>
      %swap3A_1384 = arith.index_cast %scan3A_1314 : i32 to index
      %swap3A_1385 = arith.constant 64 : index
      %swap3A_1386 = tpu.vector_load %arg7[%swap3A_1384, %swap3A_1385] {strides = array<i32>} : memref<26x128xf32, #tpu.memory_space<vmem>>, vector<1x16xf32>,
      %swap3A_1387 = vector.shape_cast %swap3A_1386 : vector<1x16xf32> to vector<16xf32>
      %swap3A_1388 = vector.shape_cast %sub3A_1383 : vector<16xf32> to vector<1x16xf32>
      tpu.vector_store %arg7[%swap3A_1384, %swap3A_1385], %swap3A_1388 {strides = array<i32>} : memref<26x128xf32, #tpu.memory_space<vmem>>, vector<1x16xf32>,
      %get3A_1389 = arith.index_cast %scan3A_1314 : i32 to index
      %get3A_1390 = arith.constant 80 : index
      %get3A_1391 = tpu.vector_load %arg7[%get3A_1389, %get3A_1390] {strides = array<i32>} : memref<26x128xf32, #tpu.memory_space<vmem>>, vector<1x16xf32>,
      %get3A_1392 = vector.shape_cast %get3A_1391 : vector<1x16xf32> to vector<16xf32>
      %mul3A_1393 = arith.constant 2.000000e+00 : f32
      %mul3A_1394 = vector.broadcast %mul3A_1393 : f32 to vector<16xf32>
      %mul3A_1395 = arith.mulf %mul3A_1394, %get3A_1392 : vector<16xf32>
      %sub3A_1396 = arith.constant 1.000000e+00 : f32
      %sub3A_1397 = vector.broadcast %sub3A_1396 : f32 to vector<16xf32>
      %sub3A_1398 = arith.subf %sub3A_1397, %mul3A_1395 : vector<16xf32>
      %swap3A_1399 = arith.index_cast %scan3A_1314 : i32 to index
      %swap3A_1400 = arith.constant 80 : index
      %swap3A_1401 = tpu.vector_load %arg7[%swap3A_1399, %swap3A_1400] {strides = array<i32>} : memref<26x128xf32, #tpu.memory_space<vmem>>, vector<1x16xf32>,
      %swap3A_1402 = vector.shape_cast %swap3A_1401 : vector<1x16xf32> to vector<16xf32>
      %swap3A_1403 = vector.shape_cast %sub3A_1398 : vector<16xf32> to vector<1x16xf32>
      tpu.vector_store %arg7[%swap3A_1399, %swap3A_1400], %swap3A_1403 {strides = array<i32>} : memref<26x128xf32, #tpu.memory_space<vmem>>, vector<1x16xf32>,
      %get3A_1404 = arith.index_cast %scan3A_1314 : i32 to index
      %get3A_1405 = arith.constant 96 : index
      %get3A_1406 = tpu.vector_load %arg7[%get3A_1404, %get3A_1405] {strides = array<i32>} : memref<26x128xf32, #tpu.memory_space<vmem>>, vector<1x16xf32>,
      %get3A_1407 = vector.shape_cast %get3A_1406 : vector<1x16xf32> to vector<16xf32>
      %mul3A_1408 = arith.constant 2.000000e+00 : f32
      %mul3A_1409 = vector.broadcast %mul3A_1408 : f32 to vector<16xf32>
      %mul3A_1410 = arith.mulf %mul3A_1409, %get3A_1407 : vector<16xf32>
      %sub3A_1411 = arith.constant 1.000000e+00 : f32
      %sub3A_1412 = vector.broadcast %sub3A_1411 : f32 to vector<16xf32>
      %sub3A_1413 = arith.subf %sub3A_1412, %mul3A_1410 : vector<16xf32>
      %swap3A_1414 = arith.index_cast %scan3A_1314 : i32 to index
      %swap3A_1415 = arith.constant 96 : index
      %swap3A_1416 = tpu.vector_load %arg7[%swap3A_1414, %swap3A_1415] {strides = array<i32>} : memref<26x128xf32, #tpu.memory_space<vmem>>, vector<1x16xf32>,
      %swap3A_1417 = vector.shape_cast %swap3A_1416 : vector<1x16xf32> to vector<16xf32>
      %swap3A_1418 = vector.shape_cast %sub3A_1413 : vector<16xf32> to vector<1x16xf32>
      tpu.vector_store %arg7[%swap3A_1414, %swap3A_1415], %swap3A_1418 {strides = array<i32>} : memref<26x128xf32, #tpu.memory_space<vmem>>, vector<1x16xf32>,
      %get3A_1419 = arith.index_cast %scan3A_1314 : i32 to index
      %get3A_1420 = arith.constant 112 : index
      %get3A_1421 = tpu.vector_load %arg7[%get3A_1419, %get3A_1420] {strides = array<i32>} : memref<26x128xf32, #tpu.memory_space<vmem>>, vector<1x16xf32>,
      %get3A_1422 = vector.shape_cast %get3A_1421 : vector<1x16xf32> to vector<16xf32>
      %mul3A_1423 = arith.constant 2.000000e+00 : f32
      %mul3A_1424 = vector.broadcast %mul3A_1423 : f32 to vector<16xf32>
      %mul3A_1425 = arith.mulf %mul3A_1424, %get3A_1422 : vector<16xf32>
      %sub3A_1426 = arith.constant 1.000000e+00 : f32
      %sub3A_1427 = vector.broadcast %sub3A_1426 : f32 to vector<16xf32>
      %sub3A_1428 = arith.subf %sub3A_1427, %mul3A_1425 : vector<16xf32>
      %swap3A_1429 = arith.index_cast %scan3A_1314 : i32 to index
      %swap3A_1430 = arith.constant 112 : index
      %swap3A_1431 = tpu.vector_load %arg7[%swap3A_1429, %swap3A_1430] {strides = array<i32>} : memref<26x128xf32, #tpu.memory_space<vmem>>, vector<1x16xf32>,
      %swap3A_1432 = vector.shape_cast %swap3A_1431 : vector<1x16xf32> to vector<16xf32>
      %swap3A_1433 = vector.shape_cast %sub3A_1428 : vector<16xf32> to vector<1x16xf32>
      tpu.vector_store %arg7[%swap3A_1429, %swap3A_1430], %swap3A_1433 {strides = array<i32>} : memref<26x128xf32, #tpu.memory_space<vmem>>, vector<1x16xf32>,
    }
    %scan3A_1301 = arith.constant 26 : i32
    %mul3A_1302 = arith.constant 100 : i32
    %mul3A_1303 = arith.muli %arg1, %mul3A_1302 : i32
    %scan3A_1304 = arith.constant 0 : i32
    %scan3A_1305 = arith.constant 1664 : i32
    %scan3A_1306 = arith.addi %scan3A_1304, %scan3A_1305 : i32
    %scan3A_1307 = arith.constant 1 : i32
    scf.for %scan3A_1314 = %scan3A_1304 to %scan3A_1306 step %scan3A_1307  : i32 {
      %mul3A_1315 = arith.constant 16 : i32
      %mul3A_1316 = arith.muli %scan3A_1314, %mul3A_1315 : i32
      %get3A_1317 = arith.index_cast %mul3A_1316 : i32 to index
      %get3A_1318 = tpu.vector_load %arg9[%get3A_1317] {strides = array<i32>} : memref<26624xf32, #tpu.memory_space<vmem>>, vector<16xf32>,
      %get3A_1319 = vector.shape_cast %get3A_1318 : vector<16xf32> to vector<16xf32>
      %mul3A_1320 = arith.constant 1.000000e+02 : f32
      %mul3A_1321 = vector.broadcast %mul3A_1320 : f32 to vector<16xf32>
      %mul3A_1322 = arith.mulf %get3A_1319, %mul3A_1321 : vector<16xf32>
      %convert_element_type3A = arith.fptosi %mul3A_1322 : vector<16xf32> to vector<16xi32>
      %max3A = arith.constant 0 : i32
      %max3A_1323 = vector.broadcast %max3A : i32 to vector<16xi32>
      %max3A_1324 = arith.maxsi %convert_element_type3A, %max3A_1323 : vector<16xi32>
      %min3A = arith.constant 99 : i32
      %min3A_1325 = vector.broadcast %min3A : i32 to vector<16xi32>
      %min3A_1326 = arith.minsi %max3A_1324, %min3A_1325 : vector<16xi32>
      %add3A_1327 = vector.broadcast %mul3A_1303 : i32 to vector<16xi32>
      %add3A_1328 = arith.addi %min3A_1326, %add3A_1327 : vector<16xi32>
      %mul3A_1329 = arith.constant 16 : i32
      %mul3A_1330 = arith.muli %scan3A_1314, %mul3A_1329 : i32
      %swap3A_1331 = arith.index_cast %mul3A_1330 : i32 to index
      %swap3A_1332 = tpu.vector_load %arg10[%swap3A_1331] {strides = array<i32>} : memref<26624xi32, #tpu.memory_space<vmem>>, vector<16xi32>,
      %swap3A_1333 = vector.shape_cast %swap3A_1332 : vector<16xi32> to vector<16xi32>
      %swap3A_1334 = vector.shape_cast %add3A_1328 : vector<16xi32> to vector<16xi32>
      tpu.vector_store %arg10[%swap3A_1331], %swap3A_1334 {strides = array<i32>} : memref<26624xi32, #tpu.memory_space<vmem>>, vector<16xi32>,
    }
    %scan3A_1308 = arith.constant 1664 : i32
    %scan3A_1309 = arith.constant 0 : i32
    %scan3A_1310 = arith.constant 256 : i32
    %scan3A_1311 = arith.addi %scan3A_1309, %scan3A_1310 : i32
    %scan3A_1312 = arith.constant 1 : i32
    scf.for %scan3A_1314 = %scan3A_1309 to %scan3A_1311 step %scan3A_1312  : i32 {
      %mul3A_1315 = arith.constant 104 : i32
      %mul3A_1316 = arith.muli %scan3A_1314, %mul3A_1315 : i32
      %dma_start3A = tpu.memref_slice %arg10[%mul3A_1316] : memref<26624xi32, #tpu.memory_space<vmem>> -> memref<104xi32, #tpu.memory_space<vmem>>
      %dma_start3A_1317 = arith.constant 0 : i32
      %dma_start3A_1318 = arith.constant 0 : i32
      %dma_start3A_1319 = tpu.memref_slice %arg6[%dma_start3A_1317, %dma_start3A_1318] : memref<1600x128xf32, #tpu.memory_space<vmem_shared>> -> memref<1600x128xf32, #tpu.memory_space<vmem_shared>>
      tpu.enqueue_indirect_dma source(%dma_start3A_1319 : memref<1600x128xf32, #tpu.memory_space<vmem_shared>>) target(%arg11 : memref<104x128xf32, #tpu.memory_space<vmem>>) offsets(%dma_start3A : memref<104xi32, #tpu.memory_space<vmem>>) semaphore(%arg13 : memref<!tpu.dma_semaphore, #tpu.memory_space<semaphore_mem>>)
      %dma_wait3A = tpu.memref_slice %arg10[%mul3A_1316] : memref<26624xi32, #tpu.memory_space<vmem>> -> memref<104xi32, #tpu.memory_space<vmem>>
      %dma_wait3A_1320 = arith.constant 0 : i32
      %dma_wait3A_1321 = arith.constant 0 : i32
      %dma_wait3A_1322 = tpu.memref_slice %arg6[%dma_wait3A_1320, %dma_wait3A_1321] : memref<1600x128xf32, #tpu.memory_space<vmem_shared>> -> memref<1600x128xf32, #tpu.memory_space<vmem_shared>>
      tpu.wait_indirect_dma semaphore(%arg13 : memref<!tpu.dma_semaphore, #tpu.memory_space<semaphore_mem>>) src(%dma_wait3A_1322 : memref<1600x128xf32, #tpu.memory_space<vmem_shared>>) dst(%arg11 : memref<104x128xf32, #tpu.memory_space<vmem>>)
      %get3A_1323 = arith.constant 0 : index
      %get3A_1324 = tpu.vector_load %arg8[%get3A_1323] {strides = array<i32>} : memref<128xf32, #tpu.memory_space<vmem>>, vector<16xf32>,
      %get3A_1325 = vector.shape_cast %get3A_1324 : vector<16xf32> to vector<16xf32>
      %swap3A_1326 = arith.constant 0 : i32
      %swap3A_1327 = arith.index_cast %swap3A_1326 : i32 to index
      %swap3A_1328 = arith.constant 0 : index
      %swap3A_1329 = tpu.vector_load %arg12[%swap3A_1327, %swap3A_1328] {strides = array<i32>} : memref<4x128xf32, #tpu.memory_space<vmem>>, vector<1x16xf32>,
      %swap3A_1330 = vector.shape_cast %swap3A_1329 : vector<1x16xf32> to vector<16xf32>
      %swap3A_1331 = vector.shape_cast %get3A_1325 : vector<16xf32> to vector<1x16xf32>
      tpu.vector_store %arg12[%swap3A_1327, %swap3A_1328], %swap3A_1331 {strides = array<i32>} : memref<4x128xf32, #tpu.memory_space<vmem>>, vector<1x16xf32>,
      %get3A_1332 = arith.constant 16 : index
      %get3A_1333 = tpu.vector_load %arg8[%get3A_1332] {strides = array<i32>} : memref<128xf32, #tpu.memory_space<vmem>>, vector<16xf32>,
      %get3A_1334 = vector.shape_cast %get3A_1333 : vector<16xf32> to vector<16xf32>
      %swap3A_1335 = arith.constant 0 : i32
      %swap3A_1336 = arith.index_cast %swap3A_1335 : i32 to index
      %swap3A_1337 = arith.constant 16 : index
      %swap3A_1338 = tpu.vector_load %arg12[%swap3A_1336, %swap3A_1337] {strides = array<i32>} : memref<4x128xf32, #tpu.memory_space<vmem>>, vector<1x16xf32>,
      %swap3A_1339 = vector.shape_cast %swap3A_1338 : vector<1x16xf32> to vector<16xf32>
      %swap3A_1340 = vector.shape_cast %get3A_1334 : vector<16xf32> to vector<1x16xf32>
      tpu.vector_store %arg12[%swap3A_1336, %swap3A_1337], %swap3A_1340 {strides = array<i32>} : memref<4x128xf32, #tpu.memory_space<vmem>>, vector<1x16xf32>,
      %get3A_1341 = arith.constant 32 : index
      %get3A_1342 = tpu.vector_load %arg8[%get3A_1341] {strides = array<i32>} : memref<128xf32, #tpu.memory_space<vmem>>, vector<16xf32>,
      %get3A_1343 = vector.shape_cast %get3A_1342 : vector<16xf32> to vector<16xf32>
      %swap3A_1344 = arith.constant 0 : i32
      %swap3A_1345 = arith.index_cast %swap3A_1344 : i32 to index
      %swap3A_1346 = arith.constant 32 : index
      %swap3A_1347 = tpu.vector_load %arg12[%swap3A_1345, %swap3A_1346] {strides = array<i32>} : memref<4x128xf32, #tpu.memory_space<vmem>>, vector<1x16xf32>,
      %swap3A_1348 = vector.shape_cast %swap3A_1347 : vector<1x16xf32> to vector<16xf32>
      %swap3A_1349 = vector.shape_cast %get3A_1343 : vector<16xf32> to vector<1x16xf32>
      tpu.vector_store %arg12[%swap3A_1345, %swap3A_1346], %swap3A_1349 {strides = array<i32>} : memref<4x128xf32, #tpu.memory_space<vmem>>, vector<1x16xf32>,
      %get3A_1350 = arith.constant 48 : index
      %get3A_1351 = tpu.vector_load %arg8[%get3A_1350] {strides = array<i32>} : memref<128xf32, #tpu.memory_space<vmem>>, vector<16xf32>,
      %get3A_1352 = vector.shape_cast %get3A_1351 : vector<16xf32> to vector<16xf32>
      %swap3A_1353 = arith.constant 0 : i32
      %swap3A_1354 = arith.index_cast %swap3A_1353 : i32 to index
      %swap3A_1355 = arith.constant 48 : index
      %swap3A_1356 = tpu.vector_load %arg12[%swap3A_1354, %swap3A_1355] {strides = array<i32>} : memref<4x128xf32, #tpu.memory_space<vmem>>, vector<1x16xf32>,
      %swap3A_1357 = vector.shape_cast %swap3A_1356 : vector<1x16xf32> to vector<16xf32>
      %swap3A_1358 = vector.shape_cast %get3A_1352 : vector<16xf32> to vector<1x16xf32>
      tpu.vector_store %arg12[%swap3A_1354, %swap3A_1355], %swap3A_1358 {strides = array<i32>} : memref<4x128xf32, #tpu.memory_space<vmem>>, vector<1x16xf32>,
      %get3A_1359 = arith.constant 64 : index
      %get3A_1360 = tpu.vector_load %arg8[%get3A_1359] {strides = array<i32>} : memref<128xf32, #tpu.memory_space<vmem>>, vector<16xf32>,
      %get3A_1361 = vector.shape_cast %get3A_1360 : vector<16xf32> to vector<16xf32>
      %swap3A_1362 = arith.constant 0 : i32
      %swap3A_1363 = arith.index_cast %swap3A_1362 : i32 to index
      %swap3A_1364 = arith.constant 64 : index
      %swap3A_1365 = tpu.vector_load %arg12[%swap3A_1363, %swap3A_1364] {strides = array<i32>} : memref<4x128xf32, #tpu.memory_space<vmem>>, vector<1x16xf32>,
      %swap3A_1366 = vector.shape_cast %swap3A_1365 : vector<1x16xf32> to vector<16xf32>
      %swap3A_1367 = vector.shape_cast %get3A_1361 : vector<16xf32> to vector<1x16xf32>
      tpu.vector_store %arg12[%swap3A_1363, %swap3A_1364], %swap3A_1367 {strides = array<i32>} : memref<4x128xf32, #tpu.memory_space<vmem>>, vector<1x16xf32>,
      %get3A_1368 = arith.constant 80 : index
      %get3A_1369 = tpu.vector_load %arg8[%get3A_1368] {strides = array<i32>} : memref<128xf32, #tpu.memory_space<vmem>>, vector<16xf32>,
      %get3A_1370 = vector.shape_cast %get3A_1369 : vector<16xf32> to vector<16xf32>
      %swap3A_1371 = arith.constant 0 : i32
      %swap3A_1372 = arith.index_cast %swap3A_1371 : i32 to index
      %swap3A_1373 = arith.constant 80 : index
      %swap3A_1374 = tpu.vector_load %arg12[%swap3A_1372, %swap3A_1373] {strides = array<i32>} : memref<4x128xf32, #tpu.memory_space<vmem>>, vector<1x16xf32>,
      %swap3A_1375 = vector.shape_cast %swap3A_1374 : vector<1x16xf32> to vector<16xf32>
      %swap3A_1376 = vector.shape_cast %get3A_1370 : vector<16xf32> to vector<1x16xf32>
      tpu.vector_store %arg12[%swap3A_1372, %swap3A_1373], %swap3A_1376 {strides = array<i32>} : memref<4x128xf32, #tpu.memory_space<vmem>>, vector<1x16xf32>,
      %get3A_1377 = arith.constant 96 : index
      %get3A_1378 = tpu.vector_load %arg8[%get3A_1377] {strides = array<i32>} : memref<128xf32, #tpu.memory_space<vmem>>, vector<16xf32>,
      %get3A_1379 = vector.shape_cast %get3A_1378 : vector<16xf32> to vector<16xf32>
      %swap3A_1380 = arith.constant 0 : i32
      %swap3A_1381 = arith.index_cast %swap3A_1380 : i32 to index
      %swap3A_1382 = arith.constant 96 : index
      %swap3A_1383 = tpu.vector_load %arg12[%swap3A_1381, %swap3A_1382] {strides = array<i32>} : memref<4x128xf32, #tpu.memory_space<vmem>>, vector<1x16xf32>,
      %swap3A_1384 = vector.shape_cast %swap3A_1383 : vector<1x16xf32> to vector<16xf32>
      %swap3A_1385 = vector.shape_cast %get3A_1379 : vector<16xf32> to vector<1x16xf32>
      tpu.vector_store %arg12[%swap3A_1381, %swap3A_1382], %swap3A_1385 {strides = array<i32>} : memref<4x128xf32, #tpu.memory_space<vmem>>, vector<1x16xf32>,
      %get3A_1386 = arith.constant 112 : index
      %get3A_1387 = tpu.vector_load %arg8[%get3A_1386] {strides = array<i32>} : memref<128xf32, #tpu.memory_space<vmem>>, vector<16xf32>,
      %get3A_1388 = vector.shape_cast %get3A_1387 : vector<16xf32> to vector<16xf32>
      %swap3A_1389 = arith.constant 0 : i32
      %swap3A_1390 = arith.index_cast %swap3A_1389 : i32 to index
      %swap3A_1391 = arith.constant 112 : index
      %swap3A_1392 = tpu.vector_load %arg12[%swap3A_1390, %swap3A_1391] {strides = array<i32>} : memref<4x128xf32, #tpu.memory_space<vmem>>, vector<1x16xf32>,
      %swap3A_1393 = vector.shape_cast %swap3A_1392 : vector<1x16xf32> to vector<16xf32>
      %swap3A_1394 = vector.shape_cast %get3A_1388 : vector<16xf32> to vector<1x16xf32>
      tpu.vector_store %arg12[%swap3A_1390, %swap3A_1391], %swap3A_1394 {strides = array<i32>} : memref<4x128xf32, #tpu.memory_space<vmem>>, vector<1x16xf32>,
      %get3A_1395 = arith.constant 0 : index
      %get3A_1396 = tpu.vector_load %arg8[%get3A_1395] {strides = array<i32>} : memref<128xf32, #tpu.memory_space<vmem>>, vector<16xf32>,
      %get3A_1397 = vector.shape_cast %get3A_1396 : vector<16xf32> to vector<16xf32>
      %swap3A_1398 = arith.constant 1 : i32
      %swap3A_1399 = arith.index_cast %swap3A_1398 : i32 to index
      %swap3A_1400 = arith.constant 0 : index
      %swap3A_1401 = tpu.vector_load %arg12[%swap3A_1399, %swap3A_1400] {strides = array<i32>} : memref<4x128xf32, #tpu.memory_space<vmem>>, vector<1x16xf32>,
      %swap3A_1402 = vector.shape_cast %swap3A_1401 : vector<1x16xf32> to vector<16xf32>
      %swap3A_1403 = vector.shape_cast %get3A_1397 : vector<16xf32> to vector<1x16xf32>
      tpu.vector_store %arg12[%swap3A_1399, %swap3A_1400], %swap3A_1403 {strides = array<i32>} : memref<4x128xf32, #tpu.memory_space<vmem>>, vector<1x16xf32>,
      %get3A_1404 = arith.constant 16 : index
      %get3A_1405 = tpu.vector_load %arg8[%get3A_1404] {strides = array<i32>} : memref<128xf32, #tpu.memory_space<vmem>>, vector<16xf32>,
      %get3A_1406 = vector.shape_cast %get3A_1405 : vector<16xf32> to vector<16xf32>
      %swap3A_1407 = arith.constant 1 : i32
      %swap3A_1408 = arith.index_cast %swap3A_1407 : i32 to index
      %swap3A_1409 = arith.constant 16 : index
      %swap3A_1410 = tpu.vector_load %arg12[%swap3A_1408, %swap3A_1409] {strides = array<i32>} : memref<4x128xf32, #tpu.memory_space<vmem>>, vector<1x16xf32>,
      %swap3A_1411 = vector.shape_cast %swap3A_1410 : vector<1x16xf32> to vector<16xf32>
      %swap3A_1412 = vector.shape_cast %get3A_1406 : vector<16xf32> to vector<1x16xf32>
      tpu.vector_store %arg12[%swap3A_1408, %swap3A_1409], %swap3A_1412 {strides = array<i32>} : memref<4x128xf32, #tpu.memory_space<vmem>>, vector<1x16xf32>,
      %get3A_1413 = arith.constant 32 : index
      %get3A_1414 = tpu.vector_load %arg8[%get3A_1413] {strides = array<i32>} : memref<128xf32, #tpu.memory_space<vmem>>, vector<16xf32>,
      %get3A_1415 = vector.shape_cast %get3A_1414 : vector<16xf32> to vector<16xf32>
      %swap3A_1416 = arith.constant 1 : i32
      %swap3A_1417 = arith.index_cast %swap3A_1416 : i32 to index
      %swap3A_1418 = arith.constant 32 : index
      %swap3A_1419 = tpu.vector_load %arg12[%swap3A_1417, %swap3A_1418] {strides = array<i32>} : memref<4x128xf32, #tpu.memory_space<vmem>>, vector<1x16xf32>,
      %swap3A_1420 = vector.shape_cast %swap3A_1419 : vector<1x16xf32> to vector<16xf32>
      %swap3A_1421 = vector.shape_cast %get3A_1415 : vector<16xf32> to vector<1x16xf32>
      tpu.vector_store %arg12[%swap3A_1417, %swap3A_1418], %swap3A_1421 {strides = array<i32>} : memref<4x128xf32, #tpu.memory_space<vmem>>, vector<1x16xf32>,
      %get3A_1422 = arith.constant 48 : index
      %get3A_1423 = tpu.vector_load %arg8[%get3A_1422] {strides = array<i32>} : memref<128xf32, #tpu.memory_space<vmem>>, vector<16xf32>,
      %get3A_1424 = vector.shape_cast %get3A_1423 : vector<16xf32> to vector<16xf32>
      %swap3A_1425 = arith.constant 1 : i32
      %swap3A_1426 = arith.index_cast %swap3A_1425 : i32 to index
      %swap3A_1427 = arith.constant 48 : index
      %swap3A_1428 = tpu.vector_load %arg12[%swap3A_1426, %swap3A_1427] {strides = array<i32>} : memref<4x128xf32, #tpu.memory_space<vmem>>, vector<1x16xf32>,
      %swap3A_1429 = vector.shape_cast %swap3A_1428 : vector<1x16xf32> to vector<16xf32>
      %swap3A_1430 = vector.shape_cast %get3A_1424 : vector<16xf32> to vector<1x16xf32>
      tpu.vector_store %arg12[%swap3A_1426, %swap3A_1427], %swap3A_1430 {strides = array<i32>} : memref<4x128xf32, #tpu.memory_space<vmem>>, vector<1x16xf32>,
      %get3A_1431 = arith.constant 64 : index
      %get3A_1432 = tpu.vector_load %arg8[%get3A_1431] {strides = array<i32>} : memref<128xf32, #tpu.memory_space<vmem>>, vector<16xf32>,
      %get3A_1433 = vector.shape_cast %get3A_1432 : vector<16xf32> to vector<16xf32>
      %swap3A_1434 = arith.constant 1 : i32
      %swap3A_1435 = arith.index_cast %swap3A_1434 : i32 to index
      %swap3A_1436 = arith.constant 64 : index
      %swap3A_1437 = tpu.vector_load %arg12[%swap3A_1435, %swap3A_1436] {strides = array<i32>} : memref<4x128xf32, #tpu.memory_space<vmem>>, vector<1x16xf32>,
      %swap3A_1438 = vector.shape_cast %swap3A_1437 : vector<1x16xf32> to vector<16xf32>
      %swap3A_1439 = vector.shape_cast %get3A_1433 : vector<16xf32> to vector<1x16xf32>
      tpu.vector_store %arg12[%swap3A_1435, %swap3A_1436], %swap3A_1439 {strides = array<i32>} : memref<4x128xf32, #tpu.memory_space<vmem>>, vector<1x16xf32>,
      %get3A_1440 = arith.constant 80 : index
      %get3A_1441 = tpu.vector_load %arg8[%get3A_1440] {strides = array<i32>} : memref<128xf32, #tpu.memory_space<vmem>>, vector<16xf32>,
      %get3A_1442 = vector.shape_cast %get3A_1441 : vector<16xf32> to vector<16xf32>
      %swap3A_1443 = arith.constant 1 : i32
      %swap3A_1444 = arith.index_cast %swap3A_1443 : i32 to index
      %swap3A_1445 = arith.constant 80 : index
      %swap3A_1446 = tpu.vector_load %arg12[%swap3A_1444, %swap3A_1445] {strides = array<i32>} : memref<4x128xf32, #tpu.memory_space<vmem>>, vector<1x16xf32>,
      %swap3A_1447 = vector.shape_cast %swap3A_1446 : vector<1x16xf32> to vector<16xf32>
      %swap3A_1448 = vector.shape_cast %get3A_1442 : vector<16xf32> to vector<1x16xf32>
      tpu.vector_store %arg12[%swap3A_1444, %swap3A_1445], %swap3A_1448 {strides = array<i32>} : memref<4x128xf32, #tpu.memory_space<vmem>>, vector<1x16xf32>,
      %get3A_1449 = arith.constant 96 : index
      %get3A_1450 = tpu.vector_load %arg8[%get3A_1449] {strides = array<i32>} : memref<128xf32, #tpu.memory_space<vmem>>, vector<16xf32>,
      %get3A_1451 = vector.shape_cast %get3A_1450 : vector<16xf32> to vector<16xf32>
      %swap3A_1452 = arith.constant 1 : i32
      %swap3A_1453 = arith.index_cast %swap3A_1452 : i32 to index
      %swap3A_1454 = arith.constant 96 : index
      %swap3A_1455 = tpu.vector_load %arg12[%swap3A_1453, %swap3A_1454] {strides = array<i32>} : memref<4x128xf32, #tpu.memory_space<vmem>>, vector<1x16xf32>,
      %swap3A_1456 = vector.shape_cast %swap3A_1455 : vector<1x16xf32> to vector<16xf32>
      %swap3A_1457 = vector.shape_cast %get3A_1451 : vector<16xf32> to vector<1x16xf32>
      tpu.vector_store %arg12[%swap3A_1453, %swap3A_1454], %swap3A_1457 {strides = array<i32>} : memref<4x128xf32, #tpu.memory_space<vmem>>, vector<1x16xf32>,
      %get3A_1458 = arith.constant 112 : index
      %get3A_1459 = tpu.vector_load %arg8[%get3A_1458] {strides = array<i32>} : memref<128xf32, #tpu.memory_space<vmem>>, vector<16xf32>,
      %get3A_1460 = vector.shape_cast %get3A_1459 : vector<16xf32> to vector<16xf32>
      %swap3A_1461 = arith.constant 1 : i32
      %swap3A_1462 = arith.index_cast %swap3A_1461 : i32 to index
      %swap3A_1463 = arith.constant 112 : index
      %swap3A_1464 = tpu.vector_load %arg12[%swap3A_1462, %swap3A_1463] {strides = array<i32>} : memref<4x128xf32, #tpu.memory_space<vmem>>, vector<1x16xf32>,
      %swap3A_1465 = vector.shape_cast %swap3A_1464 : vector<1x16xf32> to vector<16xf32>
      %swap3A_1466 = vector.shape_cast %get3A_1460 : vector<16xf32> to vector<1x16xf32>
      tpu.vector_store %arg12[%swap3A_1462, %swap3A_1463], %swap3A_1466 {strides = array<i32>} : memref<4x128xf32, #tpu.memory_space<vmem>>, vector<1x16xf32>,
      %get3A_1467 = arith.constant 0 : index
      %get3A_1468 = tpu.vector_load %arg8[%get3A_1467] {strides = array<i32>} : memref<128xf32, #tpu.memory_space<vmem>>, vector<16xf32>,
      %get3A_1469 = vector.shape_cast %get3A_1468 : vector<16xf32> to vector<16xf32>
      %swap3A_1470 = arith.constant 2 : i32
      %swap3A_1471 = arith.index_cast %swap3A_1470 : i32 to index
      %swap3A_1472 = arith.constant 0 : index
      %swap3A_1473 = tpu.vector_load %arg12[%swap3A_1471, %swap3A_1472] {strides = array<i32>} : memref<4x128xf32, #tpu.memory_space<vmem>>, vector<1x16xf32>,
      %swap3A_1474 = vector.shape_cast %swap3A_1473 : vector<1x16xf32> to vector<16xf32>
      %swap3A_1475 = vector.shape_cast %get3A_1469 : vector<16xf32> to vector<1x16xf32>
      tpu.vector_store %arg12[%swap3A_1471, %swap3A_1472], %swap3A_1475 {strides = array<i32>} : memref<4x128xf32, #tpu.memory_space<vmem>>, vector<1x16xf32>,
      %get3A_1476 = arith.constant 16 : index
      %get3A_1477 = tpu.vector_load %arg8[%get3A_1476] {strides = array<i32>} : memref<128xf32, #tpu.memory_space<vmem>>, vector<16xf32>,
      %get3A_1478 = vector.shape_cast %get3A_1477 : vector<16xf32> to vector<16xf32>
      %swap3A_1479 = arith.constant 2 : i32
      %swap3A_1480 = arith.index_cast %swap3A_1479 : i32 to index
      %swap3A_1481 = arith.constant 16 : index
      %swap3A_1482 = tpu.vector_load %arg12[%swap3A_1480, %swap3A_1481] {strides = array<i32>} : memref<4x128xf32, #tpu.memory_space<vmem>>, vector<1x16xf32>,
      %swap3A_1483 = vector.shape_cast %swap3A_1482 : vector<1x16xf32> to vector<16xf32>
      %swap3A_1484 = vector.shape_cast %get3A_1478 : vector<16xf32> to vector<1x16xf32>
      tpu.vector_store %arg12[%swap3A_1480, %swap3A_1481], %swap3A_1484 {strides = array<i32>} : memref<4x128xf32, #tpu.memory_space<vmem>>, vector<1x16xf32>,
      %get3A_1485 = arith.constant 32 : index
      %get3A_1486 = tpu.vector_load %arg8[%get3A_1485] {strides = array<i32>} : memref<128xf32, #tpu.memory_space<vmem>>, vector<16xf32>,
      %get3A_1487 = vector.shape_cast %get3A_1486 : vector<16xf32> to vector<16xf32>
      %swap3A_1488 = arith.constant 2 : i32
      %swap3A_1489 = arith.index_cast %swap3A_1488 : i32 to index
      %swap3A_1490 = arith.constant 32 : index
      %swap3A_1491 = tpu.vector_load %arg12[%swap3A_1489, %swap3A_1490] {strides = array<i32>} : memref<4x128xf32, #tpu.memory_space<vmem>>, vector<1x16xf32>,
      %swap3A_1492 = vector.shape_cast %swap3A_1491 : vector<1x16xf32> to vector<16xf32>
      %swap3A_1493 = vector.shape_cast %get3A_1487 : vector<16xf32> to vector<1x16xf32>
      tpu.vector_store %arg12[%swap3A_1489, %swap3A_1490], %swap3A_1493 {strides = array<i32>} : memref<4x128xf32, #tpu.memory_space<vmem>>, vector<1x16xf32>,
      %get3A_1494 = arith.constant 48 : index
      %get3A_1495 = tpu.vector_load %arg8[%get3A_1494] {strides = array<i32>} : memref<128xf32, #tpu.memory_space<vmem>>, vector<16xf32>,
      %get3A_1496 = vector.shape_cast %get3A_1495 : vector<16xf32> to vector<16xf32>
      %swap3A_1497 = arith.constant 2 : i32
      %swap3A_1498 = arith.index_cast %swap3A_1497 : i32 to index
      %swap3A_1499 = arith.constant 48 : index
      %swap3A_1500 = tpu.vector_load %arg12[%swap3A_1498, %swap3A_1499] {strides = array<i32>} : memref<4x128xf32, #tpu.memory_space<vmem>>, vector<1x16xf32>,
      %swap3A_1501 = vector.shape_cast %swap3A_1500 : vector<1x16xf32> to vector<16xf32>
      %swap3A_1502 = vector.shape_cast %get3A_1496 : vector<16xf32> to vector<1x16xf32>
      tpu.vector_store %arg12[%swap3A_1498, %swap3A_1499], %swap3A_1502 {strides = array<i32>} : memref<4x128xf32, #tpu.memory_space<vmem>>, vector<1x16xf32>,
      %get3A_1503 = arith.constant 64 : index
      %get3A_1504 = tpu.vector_load %arg8[%get3A_1503] {strides = array<i32>} : memref<128xf32, #tpu.memory_space<vmem>>, vector<16xf32>,
      %get3A_1505 = vector.shape_cast %get3A_1504 : vector<16xf32> to vector<16xf32>
      %swap3A_1506 = arith.constant 2 : i32
      %swap3A_1507 = arith.index_cast %swap3A_1506 : i32 to index
      %swap3A_1508 = arith.constant 64 : index
      %swap3A_1509 = tpu.vector_load %arg12[%swap3A_1507, %swap3A_1508] {strides = array<i32>} : memref<4x128xf32, #tpu.memory_space<vmem>>, vector<1x16xf32>,
      %swap3A_1510 = vector.shape_cast %swap3A_1509 : vector<1x16xf32> to vector<16xf32>
      %swap3A_1511 = vector.shape_cast %get3A_1505 : vector<16xf32> to vector<1x16xf32>
      tpu.vector_store %arg12[%swap3A_1507, %swap3A_1508], %swap3A_1511 {strides = array<i32>} : memref<4x128xf32, #tpu.memory_space<vmem>>, vector<1x16xf32>,
      %get3A_1512 = arith.constant 80 : index
      %get3A_1513 = tpu.vector_load %arg8[%get3A_1512] {strides = array<i32>} : memref<128xf32, #tpu.memory_space<vmem>>, vector<16xf32>,
      %get3A_1514 = vector.shape_cast %get3A_1513 : vector<16xf32> to vector<16xf32>
      %swap3A_1515 = arith.constant 2 : i32
      %swap3A_1516 = arith.index_cast %swap3A_1515 : i32 to index
      %swap3A_1517 = arith.constant 80 : index
      %swap3A_1518 = tpu.vector_load %arg12[%swap3A_1516, %swap3A_1517] {strides = array<i32>} : memref<4x128xf32, #tpu.memory_space<vmem>>, vector<1x16xf32>,
      %swap3A_1519 = vector.shape_cast %swap3A_1518 : vector<1x16xf32> to vector<16xf32>
      %swap3A_1520 = vector.shape_cast %get3A_1514 : vector<16xf32> to vector<1x16xf32>
      tpu.vector_store %arg12[%swap3A_1516, %swap3A_1517], %swap3A_1520 {strides = array<i32>} : memref<4x128xf32, #tpu.memory_space<vmem>>, vector<1x16xf32>,
      %get3A_1521 = arith.constant 96 : index
      %get3A_1522 = tpu.vector_load %arg8[%get3A_1521] {strides = array<i32>} : memref<128xf32, #tpu.memory_space<vmem>>, vector<16xf32>,
      %get3A_1523 = vector.shape_cast %get3A_1522 : vector<16xf32> to vector<16xf32>
      %swap3A_1524 = arith.constant 2 : i32
      %swap3A_1525 = arith.index_cast %swap3A_1524 : i32 to index
      %swap3A_1526 = arith.constant 96 : index
      %swap3A_1527 = tpu.vector_load %arg12[%swap3A_1525, %swap3A_1526] {strides = array<i32>} : memref<4x128xf32, #tpu.memory_space<vmem>>, vector<1x16xf32>,
      %swap3A_1528 = vector.shape_cast %swap3A_1527 : vector<1x16xf32> to vector<16xf32>
      %swap3A_1529 = vector.shape_cast %get3A_1523 : vector<16xf32> to vector<1x16xf32>
      tpu.vector_store %arg12[%swap3A_1525, %swap3A_1526], %swap3A_1529 {strides = array<i32>} : memref<4x128xf32, #tpu.memory_space<vmem>>, vector<1x16xf32>,
      %get3A_1530 = arith.constant 112 : index
      %get3A_1531 = tpu.vector_load %arg8[%get3A_1530] {strides = array<i32>} : memref<128xf32, #tpu.memory_space<vmem>>, vector<16xf32>,
      %get3A_1532 = vector.shape_cast %get3A_1531 : vector<16xf32> to vector<16xf32>
      %swap3A_1533 = arith.constant 2 : i32
      %swap3A_1534 = arith.index_cast %swap3A_1533 : i32 to index
      %swap3A_1535 = arith.constant 112 : index
      %swap3A_1536 = tpu.vector_load %arg12[%swap3A_1534, %swap3A_1535] {strides = array<i32>} : memref<4x128xf32, #tpu.memory_space<vmem>>, vector<1x16xf32>,
      %swap3A_1537 = vector.shape_cast %swap3A_1536 : vector<1x16xf32> to vector<16xf32>
      %swap3A_1538 = vector.shape_cast %get3A_1532 : vector<16xf32> to vector<1x16xf32>
      tpu.vector_store %arg12[%swap3A_1534, %swap3A_1535], %swap3A_1538 {strides = array<i32>} : memref<4x128xf32, #tpu.memory_space<vmem>>, vector<1x16xf32>,
      %get3A_1539 = arith.constant 0 : index
      %get3A_1540 = tpu.vector_load %arg8[%get3A_1539] {strides = array<i32>} : memref<128xf32, #tpu.memory_space<vmem>>, vector<16xf32>,
      %get3A_1541 = vector.shape_cast %get3A_1540 : vector<16xf32> to vector<16xf32>
      %swap3A_1542 = arith.constant 3 : i32
      %swap3A_1543 = arith.index_cast %swap3A_1542 : i32 to index
      %swap3A_1544 = arith.constant 0 : index
      %swap3A_1545 = tpu.vector_load %arg12[%swap3A_1543, %swap3A_1544] {strides = array<i32>} : memref<4x128xf32, #tpu.memory_space<vmem>>, vector<1x16xf32>,
      %swap3A_1546 = vector.shape_cast %swap3A_1545 : vector<1x16xf32> to vector<16xf32>
      %swap3A_1547 = vector.shape_cast %get3A_1541 : vector<16xf32> to vector<1x16xf32>
      tpu.vector_store %arg12[%swap3A_1543, %swap3A_1544], %swap3A_1547 {strides = array<i32>} : memref<4x128xf32, #tpu.memory_space<vmem>>, vector<1x16xf32>,
      %get3A_1548 = arith.constant 16 : index
      %get3A_1549 = tpu.vector_load %arg8[%get3A_1548] {strides = array<i32>} : memref<128xf32, #tpu.memory_space<vmem>>, vector<16xf32>,
      %get3A_1550 = vector.shape_cast %get3A_1549 : vector<16xf32> to vector<16xf32>
      %swap3A_1551 = arith.constant 3 : i32
      %swap3A_1552 = arith.index_cast %swap3A_1551 : i32 to index
      %swap3A_1553 = arith.constant 16 : index
      %swap3A_1554 = tpu.vector_load %arg12[%swap3A_1552, %swap3A_1553] {strides = array<i32>} : memref<4x128xf32, #tpu.memory_space<vmem>>, vector<1x16xf32>,
      %swap3A_1555 = vector.shape_cast %swap3A_1554 : vector<1x16xf32> to vector<16xf32>
      %swap3A_1556 = vector.shape_cast %get3A_1550 : vector<16xf32> to vector<1x16xf32>
      tpu.vector_store %arg12[%swap3A_1552, %swap3A_1553], %swap3A_1556 {strides = array<i32>} : memref<4x128xf32, #tpu.memory_space<vmem>>, vector<1x16xf32>,
      %get3A_1557 = arith.constant 32 : index
      %get3A_1558 = tpu.vector_load %arg8[%get3A_1557] {strides = array<i32>} : memref<128xf32, #tpu.memory_space<vmem>>, vector<16xf32>,
      %get3A_1559 = vector.shape_cast %get3A_1558 : vector<16xf32> to vector<16xf32>
      %swap3A_1560 = arith.constant 3 : i32
      %swap3A_1561 = arith.index_cast %swap3A_1560 : i32 to index
      %swap3A_1562 = arith.constant 32 : index
      %swap3A_1563 = tpu.vector_load %arg12[%swap3A_1561, %swap3A_1562] {strides = array<i32>} : memref<4x128xf32, #tpu.memory_space<vmem>>, vector<1x16xf32>,
      %swap3A_1564 = vector.shape_cast %swap3A_1563 : vector<1x16xf32> to vector<16xf32>
      %swap3A_1565 = vector.shape_cast %get3A_1559 : vector<16xf32> to vector<1x16xf32>
      tpu.vector_store %arg12[%swap3A_1561, %swap3A_1562], %swap3A_1565 {strides = array<i32>} : memref<4x128xf32, #tpu.memory_space<vmem>>, vector<1x16xf32>,
      %get3A_1566 = arith.constant 48 : index
      %get3A_1567 = tpu.vector_load %arg8[%get3A_1566] {strides = array<i32>} : memref<128xf32, #tpu.memory_space<vmem>>, vector<16xf32>,
      %get3A_1568 = vector.shape_cast %get3A_1567 : vector<16xf32> to vector<16xf32>
      %swap3A_1569 = arith.constant 3 : i32
      %swap3A_1570 = arith.index_cast %swap3A_1569 : i32 to index
      %swap3A_1571 = arith.constant 48 : index
      %swap3A_1572 = tpu.vector_load %arg12[%swap3A_1570, %swap3A_1571] {strides = array<i32>} : memref<4x128xf32, #tpu.memory_space<vmem>>, vector<1x16xf32>,
      %swap3A_1573 = vector.shape_cast %swap3A_1572 : vector<1x16xf32> to vector<16xf32>
      %swap3A_1574 = vector.shape_cast %get3A_1568 : vector<16xf32> to vector<1x16xf32>
      tpu.vector_store %arg12[%swap3A_1570, %swap3A_1571], %swap3A_1574 {strides = array<i32>} : memref<4x128xf32, #tpu.memory_space<vmem>>, vector<1x16xf32>,
      %get3A_1575 = arith.constant 64 : index
      %get3A_1576 = tpu.vector_load %arg8[%get3A_1575] {strides = array<i32>} : memref<128xf32, #tpu.memory_space<vmem>>, vector<16xf32>,
      %get3A_1577 = vector.shape_cast %get3A_1576 : vector<16xf32> to vector<16xf32>
      %swap3A_1578 = arith.constant 3 : i32
      %swap3A_1579 = arith.index_cast %swap3A_1578 : i32 to index
      %swap3A_1580 = arith.constant 64 : index
      %swap3A_1581 = tpu.vector_load %arg12[%swap3A_1579, %swap3A_1580] {strides = array<i32>} : memref<4x128xf32, #tpu.memory_space<vmem>>, vector<1x16xf32>,
      %swap3A_1582 = vector.shape_cast %swap3A_1581 : vector<1x16xf32> to vector<16xf32>
      %swap3A_1583 = vector.shape_cast %get3A_1577 : vector<16xf32> to vector<1x16xf32>
      tpu.vector_store %arg12[%swap3A_1579, %swap3A_1580], %swap3A_1583 {strides = array<i32>} : memref<4x128xf32, #tpu.memory_space<vmem>>, vector<1x16xf32>,
      %get3A_1584 = arith.constant 80 : index
      %get3A_1585 = tpu.vector_load %arg8[%get3A_1584] {strides = array<i32>} : memref<128xf32, #tpu.memory_space<vmem>>, vector<16xf32>,
      %get3A_1586 = vector.shape_cast %get3A_1585 : vector<16xf32> to vector<16xf32>
      %swap3A_1587 = arith.constant 3 : i32
      %swap3A_1588 = arith.index_cast %swap3A_1587 : i32 to index
      %swap3A_1589 = arith.constant 80 : index
      %swap3A_1590 = tpu.vector_load %arg12[%swap3A_1588, %swap3A_1589] {strides = array<i32>} : memref<4x128xf32, #tpu.memory_space<vmem>>, vector<1x16xf32>,
      %swap3A_1591 = vector.shape_cast %swap3A_1590 : vector<1x16xf32> to vector<16xf32>
      %swap3A_1592 = vector.shape_cast %get3A_1586 : vector<16xf32> to vector<1x16xf32>
      tpu.vector_store %arg12[%swap3A_1588, %swap3A_1589], %swap3A_1592 {strides = array<i32>} : memref<4x128xf32, #tpu.memory_space<vmem>>, vector<1x16xf32>,
      %get3A_1593 = arith.constant 96 : index
      %get3A_1594 = tpu.vector_load %arg8[%get3A_1593] {strides = array<i32>} : memref<128xf32, #tpu.memory_space<vmem>>, vector<16xf32>,
      %get3A_1595 = vector.shape_cast %get3A_1594 : vector<16xf32> to vector<16xf32>
      %swap3A_1596 = arith.constant 3 : i32
      %swap3A_1597 = arith.index_cast %swap3A_1596 : i32 to index
      %swap3A_1598 = arith.constant 96 : index
      %swap3A_1599 = tpu.vector_load %arg12[%swap3A_1597, %swap3A_1598] {strides = array<i32>} : memref<4x128xf32, #tpu.memory_space<vmem>>, vector<1x16xf32>,
      %swap3A_1600 = vector.shape_cast %swap3A_1599 : vector<1x16xf32> to vector<16xf32>
      %swap3A_1601 = vector.shape_cast %get3A_1595 : vector<16xf32> to vector<1x16xf32>
      tpu.vector_store %arg12[%swap3A_1597, %swap3A_1598], %swap3A_1601 {strides = array<i32>} : memref<4x128xf32, #tpu.memory_space<vmem>>, vector<1x16xf32>,
      %get3A_1602 = arith.constant 112 : index
      %get3A_1603 = tpu.vector_load %arg8[%get3A_1602] {strides = array<i32>} : memref<128xf32, #tpu.memory_space<vmem>>, vector<16xf32>,
      %get3A_1604 = vector.shape_cast %get3A_1603 : vector<16xf32> to vector<16xf32>
      %swap3A_1605 = arith.constant 3 : i32
      %swap3A_1606 = arith.index_cast %swap3A_1605 : i32 to index
      %swap3A_1607 = arith.constant 112 : index
      %swap3A_1608 = tpu.vector_load %arg12[%swap3A_1606, %swap3A_1607] {strides = array<i32>} : memref<4x128xf32, #tpu.memory_space<vmem>>, vector<1x16xf32>,
      %swap3A_1609 = vector.shape_cast %swap3A_1608 : vector<1x16xf32> to vector<16xf32>
      %swap3A_1610 = vector.shape_cast %get3A_1604 : vector<16xf32> to vector<1x16xf32>
      tpu.vector_store %arg12[%swap3A_1606, %swap3A_1607], %swap3A_1610 {strides = array<i32>} : memref<4x128xf32, #tpu.memory_space<vmem>>, vector<1x16xf32>,
      %scan3A_1611 = arith.constant 0 : i32
      %scan3A_1612 = arith.constant 26 : i32
      %scan3A_1613 = arith.addi %scan3A_1611, %scan3A_1612 : i32
      %scan3A_1614 = arith.constant 1 : i32
      scf.for %scan3A_1618 = %scan3A_1611 to %scan3A_1613 step %scan3A_1614  : i32 {
        %add3A_1619 = arith.constant 0 : i32
        %add3A_1620 = arith.addi %add3A_1619, %scan3A_1618 : i32
        %get3A_1621 = arith.index_cast %add3A_1620 : i32 to index
        %get3A_1622 = arith.constant 0 : index
        %get3A_1623 = tpu.vector_load %arg11[%get3A_1621, %get3A_1622] {strides = array<i32>} : memref<104x128xf32, #tpu.memory_space<vmem>>, vector<1x16xf32>,
        %get3A_1624 = vector.shape_cast %get3A_1623 : vector<1x16xf32> to vector<16xf32>
        %get3A_1625 = arith.index_cast %scan3A_1618 : i32 to index
        %get3A_1626 = arith.constant 0 : index
        %get3A_1627 = tpu.vector_load %arg7[%get3A_1625, %get3A_1626] {strides = array<i32>} : memref<26x128xf32, #tpu.memory_space<vmem>>, vector<1x16xf32>,
        %get3A_1628 = vector.shape_cast %get3A_1627 : vector<1x16xf32> to vector<16xf32>
        %mul3A_1629 = arith.mulf %get3A_1624, %get3A_1628 : vector<16xf32>
        %swap3A_1630 = arith.constant 0 : i32
        %swap3A_1631 = arith.index_cast %swap3A_1630 : i32 to index
        %swap3A_1632 = arith.constant 0 : index
        %swap3A_1633 = tpu.vector_load %arg12[%swap3A_1631, %swap3A_1632] {strides = array<i32>} : memref<4x128xf32, #tpu.memory_space<vmem>>, vector<1x16xf32>,
        %swap3A_1634 = vector.shape_cast %swap3A_1633 : vector<1x16xf32> to vector<16xf32>
        %swap3A_1635 = vector.shape_cast %mul3A_1629 : vector<16xf32> to vector<1x16xf32>
        tpu.vector_store %arg12[%swap3A_1631, %swap3A_1632], %swap3A_1635 {add = true, strides = array<i32>} : memref<4x128xf32, #tpu.memory_space<vmem>>, vector<1x16xf32>,
        %add3A_1636 = arith.constant 0 : i32
        %add3A_1637 = arith.addi %add3A_1636, %scan3A_1618 : i32
        %get3A_1638 = arith.index_cast %add3A_1637 : i32 to index
        %get3A_1639 = arith.constant 16 : index
        %get3A_1640 = tpu.vector_load %arg11[%get3A_1638, %get3A_1639] {strides = array<i32>} : memref<104x128xf32, #tpu.memory_space<vmem>>, vector<1x16xf32>,
        %get3A_1641 = vector.shape_cast %get3A_1640 : vector<1x16xf32> to vector<16xf32>
        %get3A_1642 = arith.index_cast %scan3A_1618 : i32 to index
        %get3A_1643 = arith.constant 16 : index
        %get3A_1644 = tpu.vector_load %arg7[%get3A_1642, %get3A_1643] {strides = array<i32>} : memref<26x128xf32, #tpu.memory_space<vmem>>, vector<1x16xf32>,
        %get3A_1645 = vector.shape_cast %get3A_1644 : vector<1x16xf32> to vector<16xf32>
        %mul3A_1646 = arith.mulf %get3A_1641, %get3A_1645 : vector<16xf32>
        %swap3A_1647 = arith.constant 0 : i32
        %swap3A_1648 = arith.index_cast %swap3A_1647 : i32 to index
        %swap3A_1649 = arith.constant 16 : index
        %swap3A_1650 = tpu.vector_load %arg12[%swap3A_1648, %swap3A_1649] {strides = array<i32>} : memref<4x128xf32, #tpu.memory_space<vmem>>, vector<1x16xf32>,
        %swap3A_1651 = vector.shape_cast %swap3A_1650 : vector<1x16xf32> to vector<16xf32>
        %swap3A_1652 = vector.shape_cast %mul3A_1646 : vector<16xf32> to vector<1x16xf32>
        tpu.vector_store %arg12[%swap3A_1648, %swap3A_1649], %swap3A_1652 {add = true, strides = array<i32>} : memref<4x128xf32, #tpu.memory_space<vmem>>, vector<1x16xf32>,
        %add3A_1653 = arith.constant 0 : i32
        %add3A_1654 = arith.addi %add3A_1653, %scan3A_1618 : i32
        %get3A_1655 = arith.index_cast %add3A_1654 : i32 to index
        %get3A_1656 = arith.constant 32 : index
        %get3A_1657 = tpu.vector_load %arg11[%get3A_1655, %get3A_1656] {strides = array<i32>} : memref<104x128xf32, #tpu.memory_space<vmem>>, vector<1x16xf32>,
        %get3A_1658 = vector.shape_cast %get3A_1657 : vector<1x16xf32> to vector<16xf32>
        %get3A_1659 = arith.index_cast %scan3A_1618 : i32 to index
        %get3A_1660 = arith.constant 32 : index
        %get3A_1661 = tpu.vector_load %arg7[%get3A_1659, %get3A_1660] {strides = array<i32>} : memref<26x128xf32, #tpu.memory_space<vmem>>, vector<1x16xf32>,
        %get3A_1662 = vector.shape_cast %get3A_1661 : vector<1x16xf32> to vector<16xf32>
        %mul3A_1663 = arith.mulf %get3A_1658, %get3A_1662 : vector<16xf32>
        %swap3A_1664 = arith.constant 0 : i32
        %swap3A_1665 = arith.index_cast %swap3A_1664 : i32 to index
        %swap3A_1666 = arith.constant 32 : index
        %swap3A_1667 = tpu.vector_load %arg12[%swap3A_1665, %swap3A_1666] {strides = array<i32>} : memref<4x128xf32, #tpu.memory_space<vmem>>, vector<1x16xf32>,
        %swap3A_1668 = vector.shape_cast %swap3A_1667 : vector<1x16xf32> to vector<16xf32>
        %swap3A_1669 = vector.shape_cast %mul3A_1663 : vector<16xf32> to vector<1x16xf32>
        tpu.vector_store %arg12[%swap3A_1665, %swap3A_1666], %swap3A_1669 {add = true, strides = array<i32>} : memref<4x128xf32, #tpu.memory_space<vmem>>, vector<1x16xf32>,
        %add3A_1670 = arith.constant 0 : i32
        %add3A_1671 = arith.addi %add3A_1670, %scan3A_1618 : i32
        %get3A_1672 = arith.index_cast %add3A_1671 : i32 to index
        %get3A_1673 = arith.constant 48 : index
        %get3A_1674 = tpu.vector_load %arg11[%get3A_1672, %get3A_1673] {strides = array<i32>} : memref<104x128xf32, #tpu.memory_space<vmem>>, vector<1x16xf32>,
        %get3A_1675 = vector.shape_cast %get3A_1674 : vector<1x16xf32> to vector<16xf32>
        %get3A_1676 = arith.index_cast %scan3A_1618 : i32 to index
        %get3A_1677 = arith.constant 48 : index
        %get3A_1678 = tpu.vector_load %arg7[%get3A_1676, %get3A_1677] {strides = array<i32>} : memref<26x128xf32, #tpu.memory_space<vmem>>, vector<1x16xf32>,
        %get3A_1679 = vector.shape_cast %get3A_1678 : vector<1x16xf32> to vector<16xf32>
        %mul3A_1680 = arith.mulf %get3A_1675, %get3A_1679 : vector<16xf32>
        %swap3A_1681 = arith.constant 0 : i32
        %swap3A_1682 = arith.index_cast %swap3A_1681 : i32 to index
        %swap3A_1683 = arith.constant 48 : index
        %swap3A_1684 = tpu.vector_load %arg12[%swap3A_1682, %swap3A_1683] {strides = array<i32>} : memref<4x128xf32, #tpu.memory_space<vmem>>, vector<1x16xf32>,
        %swap3A_1685 = vector.shape_cast %swap3A_1684 : vector<1x16xf32> to vector<16xf32>
        %swap3A_1686 = vector.shape_cast %mul3A_1680 : vector<16xf32> to vector<1x16xf32>
        tpu.vector_store %arg12[%swap3A_1682, %swap3A_1683], %swap3A_1686 {add = true, strides = array<i32>} : memref<4x128xf32, #tpu.memory_space<vmem>>, vector<1x16xf32>,
        %add3A_1687 = arith.constant 0 : i32
        %add3A_1688 = arith.addi %add3A_1687, %scan3A_1618 : i32
        %get3A_1689 = arith.index_cast %add3A_1688 : i32 to index
        %get3A_1690 = arith.constant 64 : index
        %get3A_1691 = tpu.vector_load %arg11[%get3A_1689, %get3A_1690] {strides = array<i32>} : memref<104x128xf32, #tpu.memory_space<vmem>>, vector<1x16xf32>,
        %get3A_1692 = vector.shape_cast %get3A_1691 : vector<1x16xf32> to vector<16xf32>
        %get3A_1693 = arith.index_cast %scan3A_1618 : i32 to index
        %get3A_1694 = arith.constant 64 : index
        %get3A_1695 = tpu.vector_load %arg7[%get3A_1693, %get3A_1694] {strides = array<i32>} : memref<26x128xf32, #tpu.memory_space<vmem>>, vector<1x16xf32>,
        %get3A_1696 = vector.shape_cast %get3A_1695 : vector<1x16xf32> to vector<16xf32>
        %mul3A_1697 = arith.mulf %get3A_1692, %get3A_1696 : vector<16xf32>
        %swap3A_1698 = arith.constant 0 : i32
        %swap3A_1699 = arith.index_cast %swap3A_1698 : i32 to index
        %swap3A_1700 = arith.constant 64 : index
        %swap3A_1701 = tpu.vector_load %arg12[%swap3A_1699, %swap3A_1700] {strides = array<i32>} : memref<4x128xf32, #tpu.memory_space<vmem>>, vector<1x16xf32>,
        %swap3A_1702 = vector.shape_cast %swap3A_1701 : vector<1x16xf32> to vector<16xf32>
        %swap3A_1703 = vector.shape_cast %mul3A_1697 : vector<16xf32> to vector<1x16xf32>
        tpu.vector_store %arg12[%swap3A_1699, %swap3A_1700], %swap3A_1703 {add = true, strides = array<i32>} : memref<4x128xf32, #tpu.memory_space<vmem>>, vector<1x16xf32>,
        %add3A_1704 = arith.constant 0 : i32
        %add3A_1705 = arith.addi %add3A_1704, %scan3A_1618 : i32
        %get3A_1706 = arith.index_cast %add3A_1705 : i32 to index
        %get3A_1707 = arith.constant 80 : index
        %get3A_1708 = tpu.vector_load %arg11[%get3A_1706, %get3A_1707] {strides = array<i32>} : memref<104x128xf32, #tpu.memory_space<vmem>>, vector<1x16xf32>,
        %get3A_1709 = vector.shape_cast %get3A_1708 : vector<1x16xf32> to vector<16xf32>
        %get3A_1710 = arith.index_cast %scan3A_1618 : i32 to index
        %get3A_1711 = arith.constant 80 : index
        %get3A_1712 = tpu.vector_load %arg7[%get3A_1710, %get3A_1711] {strides = array<i32>} : memref<26x128xf32, #tpu.memory_space<vmem>>, vector<1x16xf32>,
        %get3A_1713 = vector.shape_cast %get3A_1712 : vector<1x16xf32> to vector<16xf32>
        %mul3A_1714 = arith.mulf %get3A_1709, %get3A_1713 : vector<16xf32>
        %swap3A_1715 = arith.constant 0 : i32
        %swap3A_1716 = arith.index_cast %swap3A_1715 : i32 to index
        %swap3A_1717 = arith.constant 80 : index
        %swap3A_1718 = tpu.vector_load %arg12[%swap3A_1716, %swap3A_1717] {strides = array<i32>} : memref<4x128xf32, #tpu.memory_space<vmem>>, vector<1x16xf32>,
        %swap3A_1719 = vector.shape_cast %swap3A_1718 : vector<1x16xf32> to vector<16xf32>
        %swap3A_1720 = vector.shape_cast %mul3A_1714 : vector<16xf32> to vector<1x16xf32>
        tpu.vector_store %arg12[%swap3A_1716, %swap3A_1717], %swap3A_1720 {add = true, strides = array<i32>} : memref<4x128xf32, #tpu.memory_space<vmem>>, vector<1x16xf32>,
        %add3A_1721 = arith.constant 0 : i32
        %add3A_1722 = arith.addi %add3A_1721, %scan3A_1618 : i32
        %get3A_1723 = arith.index_cast %add3A_1722 : i32 to index
        %get3A_1724 = arith.constant 96 : index
        %get3A_1725 = tpu.vector_load %arg11[%get3A_1723, %get3A_1724] {strides = array<i32>} : memref<104x128xf32, #tpu.memory_space<vmem>>, vector<1x16xf32>,
        %get3A_1726 = vector.shape_cast %get3A_1725 : vector<1x16xf32> to vector<16xf32>
        %get3A_1727 = arith.index_cast %scan3A_1618 : i32 to index
        %get3A_1728 = arith.constant 96 : index
        %get3A_1729 = tpu.vector_load %arg7[%get3A_1727, %get3A_1728] {strides = array<i32>} : memref<26x128xf32, #tpu.memory_space<vmem>>, vector<1x16xf32>,
        %get3A_1730 = vector.shape_cast %get3A_1729 : vector<1x16xf32> to vector<16xf32>
        %mul3A_1731 = arith.mulf %get3A_1726, %get3A_1730 : vector<16xf32>
        %swap3A_1732 = arith.constant 0 : i32
        %swap3A_1733 = arith.index_cast %swap3A_1732 : i32 to index
        %swap3A_1734 = arith.constant 96 : index
        %swap3A_1735 = tpu.vector_load %arg12[%swap3A_1733, %swap3A_1734] {strides = array<i32>} : memref<4x128xf32, #tpu.memory_space<vmem>>, vector<1x16xf32>,
        %swap3A_1736 = vector.shape_cast %swap3A_1735 : vector<1x16xf32> to vector<16xf32>
        %swap3A_1737 = vector.shape_cast %mul3A_1731 : vector<16xf32> to vector<1x16xf32>
        tpu.vector_store %arg12[%swap3A_1733, %swap3A_1734], %swap3A_1737 {add = true, strides = array<i32>} : memref<4x128xf32, #tpu.memory_space<vmem>>, vector<1x16xf32>,
        %add3A_1738 = arith.constant 0 : i32
        %add3A_1739 = arith.addi %add3A_1738, %scan3A_1618 : i32
        %get3A_1740 = arith.index_cast %add3A_1739 : i32 to index
        %get3A_1741 = arith.constant 112 : index
        %get3A_1742 = tpu.vector_load %arg11[%get3A_1740, %get3A_1741] {strides = array<i32>} : memref<104x128xf32, #tpu.memory_space<vmem>>, vector<1x16xf32>,
        %get3A_1743 = vector.shape_cast %get3A_1742 : vector<1x16xf32> to vector<16xf32>
        %get3A_1744 = arith.index_cast %scan3A_1618 : i32 to index
        %get3A_1745 = arith.constant 112 : index
        %get3A_1746 = tpu.vector_load %arg7[%get3A_1744, %get3A_1745] {strides = array<i32>} : memref<26x128xf32, #tpu.memory_space<vmem>>, vector<1x16xf32>,
        %get3A_1747 = vector.shape_cast %get3A_1746 : vector<1x16xf32> to vector<16xf32>
        %mul3A_1748 = arith.mulf %get3A_1743, %get3A_1747 : vector<16xf32>
        %swap3A_1749 = arith.constant 0 : i32
        %swap3A_1750 = arith.index_cast %swap3A_1749 : i32 to index
        %swap3A_1751 = arith.constant 112 : index
        %swap3A_1752 = tpu.vector_load %arg12[%swap3A_1750, %swap3A_1751] {strides = array<i32>} : memref<4x128xf32, #tpu.memory_space<vmem>>, vector<1x16xf32>,
        %swap3A_1753 = vector.shape_cast %swap3A_1752 : vector<1x16xf32> to vector<16xf32>
        %swap3A_1754 = vector.shape_cast %mul3A_1748 : vector<16xf32> to vector<1x16xf32>
        tpu.vector_store %arg12[%swap3A_1750, %swap3A_1751], %swap3A_1754 {add = true, strides = array<i32>} : memref<4x128xf32, #tpu.memory_space<vmem>>, vector<1x16xf32>,
        %add3A_1755 = arith.constant 26 : i32
        %add3A_1756 = arith.addi %add3A_1755, %scan3A_1618 : i32
        %get3A_1757 = arith.index_cast %add3A_1756 : i32 to index
        %get3A_1758 = arith.constant 0 : index
        %get3A_1759 = tpu.vector_load %arg11[%get3A_1757, %get3A_1758] {strides = array<i32>} : memref<104x128xf32, #tpu.memory_space<vmem>>, vector<1x16xf32>,
        %get3A_1760 = vector.shape_cast %get3A_1759 : vector<1x16xf32> to vector<16xf32>
        %get3A_1761 = arith.index_cast %scan3A_1618 : i32 to index
        %get3A_1762 = arith.constant 0 : index
        %get3A_1763 = tpu.vector_load %arg7[%get3A_1761, %get3A_1762] {strides = array<i32>} : memref<26x128xf32, #tpu.memory_space<vmem>>, vector<1x16xf32>,
        %get3A_1764 = vector.shape_cast %get3A_1763 : vector<1x16xf32> to vector<16xf32>
        %mul3A_1765 = arith.mulf %get3A_1760, %get3A_1764 : vector<16xf32>
        %swap3A_1766 = arith.constant 1 : i32
        %swap3A_1767 = arith.index_cast %swap3A_1766 : i32 to index
        %swap3A_1768 = arith.constant 0 : index
        %swap3A_1769 = tpu.vector_load %arg12[%swap3A_1767, %swap3A_1768] {strides = array<i32>} : memref<4x128xf32, #tpu.memory_space<vmem>>, vector<1x16xf32>,
        %swap3A_1770 = vector.shape_cast %swap3A_1769 : vector<1x16xf32> to vector<16xf32>
        %swap3A_1771 = vector.shape_cast %mul3A_1765 : vector<16xf32> to vector<1x16xf32>
        tpu.vector_store %arg12[%swap3A_1767, %swap3A_1768], %swap3A_1771 {add = true, strides = array<i32>} : memref<4x128xf32, #tpu.memory_space<vmem>>, vector<1x16xf32>,
        %add3A_1772 = arith.constant 26 : i32
        %add3A_1773 = arith.addi %add3A_1772, %scan3A_1618 : i32
        %get3A_1774 = arith.index_cast %add3A_1773 : i32 to index
        %get3A_1775 = arith.constant 16 : index
        %get3A_1776 = tpu.vector_load %arg11[%get3A_1774, %get3A_1775] {strides = array<i32>} : memref<104x128xf32, #tpu.memory_space<vmem>>, vector<1x16xf32>,
        %get3A_1777 = vector.shape_cast %get3A_1776 : vector<1x16xf32> to vector<16xf32>
        %get3A_1778 = arith.index_cast %scan3A_1618 : i32 to index
        %get3A_1779 = arith.constant 16 : index
        %get3A_1780 = tpu.vector_load %arg7[%get3A_1778, %get3A_1779] {strides = array<i32>} : memref<26x128xf32, #tpu.memory_space<vmem>>, vector<1x16xf32>,
        %get3A_1781 = vector.shape_cast %get3A_1780 : vector<1x16xf32> to vector<16xf32>
        %mul3A_1782 = arith.mulf %get3A_1777, %get3A_1781 : vector<16xf32>
        %swap3A_1783 = arith.constant 1 : i32
        %swap3A_1784 = arith.index_cast %swap3A_1783 : i32 to index
        %swap3A_1785 = arith.constant 16 : index
        %swap3A_1786 = tpu.vector_load %arg12[%swap3A_1784, %swap3A_1785] {strides = array<i32>} : memref<4x128xf32, #tpu.memory_space<vmem>>, vector<1x16xf32>,
        %swap3A_1787 = vector.shape_cast %swap3A_1786 : vector<1x16xf32> to vector<16xf32>
        %swap3A_1788 = vector.shape_cast %mul3A_1782 : vector<16xf32> to vector<1x16xf32>
        tpu.vector_store %arg12[%swap3A_1784, %swap3A_1785], %swap3A_1788 {add = true, strides = array<i32>} : memref<4x128xf32, #tpu.memory_space<vmem>>, vector<1x16xf32>,
        %add3A_1789 = arith.constant 26 : i32
        %add3A_1790 = arith.addi %add3A_1789, %scan3A_1618 : i32
        %get3A_1791 = arith.index_cast %add3A_1790 : i32 to index
        %get3A_1792 = arith.constant 32 : index
        %get3A_1793 = tpu.vector_load %arg11[%get3A_1791, %get3A_1792] {strides = array<i32>} : memref<104x128xf32, #tpu.memory_space<vmem>>, vector<1x16xf32>,
        %get3A_1794 = vector.shape_cast %get3A_1793 : vector<1x16xf32> to vector<16xf32>
        %get3A_1795 = arith.index_cast %scan3A_1618 : i32 to index
        %get3A_1796 = arith.constant 32 : index
        %get3A_1797 = tpu.vector_load %arg7[%get3A_1795, %get3A_1796] {strides = array<i32>} : memref<26x128xf32, #tpu.memory_space<vmem>>, vector<1x16xf32>,
        %get3A_1798 = vector.shape_cast %get3A_1797 : vector<1x16xf32> to vector<16xf32>
        %mul3A_1799 = arith.mulf %get3A_1794, %get3A_1798 : vector<16xf32>
        %swap3A_1800 = arith.constant 1 : i32
        %swap3A_1801 = arith.index_cast %swap3A_1800 : i32 to index
        %swap3A_1802 = arith.constant 32 : index
        %swap3A_1803 = tpu.vector_load %arg12[%swap3A_1801, %swap3A_1802] {strides = array<i32>} : memref<4x128xf32, #tpu.memory_space<vmem>>, vector<1x16xf32>,
        %swap3A_1804 = vector.shape_cast %swap3A_1803 : vector<1x16xf32> to vector<16xf32>
        %swap3A_1805 = vector.shape_cast %mul3A_1799 : vector<16xf32> to vector<1x16xf32>
        tpu.vector_store %arg12[%swap3A_1801, %swap3A_1802], %swap3A_1805 {add = true, strides = array<i32>} : memref<4x128xf32, #tpu.memory_space<vmem>>, vector<1x16xf32>,
        %add3A_1806 = arith.constant 26 : i32
        %add3A_1807 = arith.addi %add3A_1806, %scan3A_1618 : i32
        %get3A_1808 = arith.index_cast %add3A_1807 : i32 to index
        %get3A_1809 = arith.constant 48 : index
        %get3A_1810 = tpu.vector_load %arg11[%get3A_1808, %get3A_1809] {strides = array<i32>} : memref<104x128xf32, #tpu.memory_space<vmem>>, vector<1x16xf32>,
        %get3A_1811 = vector.shape_cast %get3A_1810 : vector<1x16xf32> to vector<16xf32>
        %get3A_1812 = arith.index_cast %scan3A_1618 : i32 to index
        %get3A_1813 = arith.constant 48 : index
        %get3A_1814 = tpu.vector_load %arg7[%get3A_1812, %get3A_1813] {strides = array<i32>} : memref<26x128xf32, #tpu.memory_space<vmem>>, vector<1x16xf32>,
        %get3A_1815 = vector.shape_cast %get3A_1814 : vector<1x16xf32> to vector<16xf32>
        %mul3A_1816 = arith.mulf %get3A_1811, %get3A_1815 : vector<16xf32>
        %swap3A_1817 = arith.constant 1 : i32
        %swap3A_1818 = arith.index_cast %swap3A_1817 : i32 to index
        %swap3A_1819 = arith.constant 48 : index
        %swap3A_1820 = tpu.vector_load %arg12[%swap3A_1818, %swap3A_1819] {strides = array<i32>} : memref<4x128xf32, #tpu.memory_space<vmem>>, vector<1x16xf32>,
        %swap3A_1821 = vector.shape_cast %swap3A_1820 : vector<1x16xf32> to vector<16xf32>
        %swap3A_1822 = vector.shape_cast %mul3A_1816 : vector<16xf32> to vector<1x16xf32>
        tpu.vector_store %arg12[%swap3A_1818, %swap3A_1819], %swap3A_1822 {add = true, strides = array<i32>} : memref<4x128xf32, #tpu.memory_space<vmem>>, vector<1x16xf32>,
        %add3A_1823 = arith.constant 26 : i32
        %add3A_1824 = arith.addi %add3A_1823, %scan3A_1618 : i32
        %get3A_1825 = arith.index_cast %add3A_1824 : i32 to index
        %get3A_1826 = arith.constant 64 : index
        %get3A_1827 = tpu.vector_load %arg11[%get3A_1825, %get3A_1826] {strides = array<i32>} : memref<104x128xf32, #tpu.memory_space<vmem>>, vector<1x16xf32>,
        %get3A_1828 = vector.shape_cast %get3A_1827 : vector<1x16xf32> to vector<16xf32>
        %get3A_1829 = arith.index_cast %scan3A_1618 : i32 to index
        %get3A_1830 = arith.constant 64 : index
        %get3A_1831 = tpu.vector_load %arg7[%get3A_1829, %get3A_1830] {strides = array<i32>} : memref<26x128xf32, #tpu.memory_space<vmem>>, vector<1x16xf32>,
        %get3A_1832 = vector.shape_cast %get3A_1831 : vector<1x16xf32> to vector<16xf32>
        %mul3A_1833 = arith.mulf %get3A_1828, %get3A_1832 : vector<16xf32>
        %swap3A_1834 = arith.constant 1 : i32
        %swap3A_1835 = arith.index_cast %swap3A_1834 : i32 to index
        %swap3A_1836 = arith.constant 64 : index
        %swap3A_1837 = tpu.vector_load %arg12[%swap3A_1835, %swap3A_1836] {strides = array<i32>} : memref<4x128xf32, #tpu.memory_space<vmem>>, vector<1x16xf32>,
        %swap3A_1838 = vector.shape_cast %swap3A_1837 : vector<1x16xf32> to vector<16xf32>
        %swap3A_1839 = vector.shape_cast %mul3A_1833 : vector<16xf32> to vector<1x16xf32>
        tpu.vector_store %arg12[%swap3A_1835, %swap3A_1836], %swap3A_1839 {add = true, strides = array<i32>} : memref<4x128xf32, #tpu.memory_space<vmem>>, vector<1x16xf32>,
        %add3A_1840 = arith.constant 26 : i32
        %add3A_1841 = arith.addi %add3A_1840, %scan3A_1618 : i32
        %get3A_1842 = arith.index_cast %add3A_1841 : i32 to index
        %get3A_1843 = arith.constant 80 : index
        %get3A_1844 = tpu.vector_load %arg11[%get3A_1842, %get3A_1843] {strides = array<i32>} : memref<104x128xf32, #tpu.memory_space<vmem>>, vector<1x16xf32>,
        %get3A_1845 = vector.shape_cast %get3A_1844 : vector<1x16xf32> to vector<16xf32>
        %get3A_1846 = arith.index_cast %scan3A_1618 : i32 to index
        %get3A_1847 = arith.constant 80 : index
        %get3A_1848 = tpu.vector_load %arg7[%get3A_1846, %get3A_1847] {strides = array<i32>} : memref<26x128xf32, #tpu.memory_space<vmem>>, vector<1x16xf32>,
        %get3A_1849 = vector.shape_cast %get3A_1848 : vector<1x16xf32> to vector<16xf32>
        %mul3A_1850 = arith.mulf %get3A_1845, %get3A_1849 : vector<16xf32>
        %swap3A_1851 = arith.constant 1 : i32
        %swap3A_1852 = arith.index_cast %swap3A_1851 : i32 to index
        %swap3A_1853 = arith.constant 80 : index
        %swap3A_1854 = tpu.vector_load %arg12[%swap3A_1852, %swap3A_1853] {strides = array<i32>} : memref<4x128xf32, #tpu.memory_space<vmem>>, vector<1x16xf32>,
        %swap3A_1855 = vector.shape_cast %swap3A_1854 : vector<1x16xf32> to vector<16xf32>
        %swap3A_1856 = vector.shape_cast %mul3A_1850 : vector<16xf32> to vector<1x16xf32>
        tpu.vector_store %arg12[%swap3A_1852, %swap3A_1853], %swap3A_1856 {add = true, strides = array<i32>} : memref<4x128xf32, #tpu.memory_space<vmem>>, vector<1x16xf32>,
        %add3A_1857 = arith.constant 26 : i32
        %add3A_1858 = arith.addi %add3A_1857, %scan3A_1618 : i32
        %get3A_1859 = arith.index_cast %add3A_1858 : i32 to index
        %get3A_1860 = arith.constant 96 : index
        %get3A_1861 = tpu.vector_load %arg11[%get3A_1859, %get3A_1860] {strides = array<i32>} : memref<104x128xf32, #tpu.memory_space<vmem>>, vector<1x16xf32>,
        %get3A_1862 = vector.shape_cast %get3A_1861 : vector<1x16xf32> to vector<16xf32>
        %get3A_1863 = arith.index_cast %scan3A_1618 : i32 to index
        %get3A_1864 = arith.constant 96 : index
        %get3A_1865 = tpu.vector_load %arg7[%get3A_1863, %get3A_1864] {strides = array<i32>} : memref<26x128xf32, #tpu.memory_space<vmem>>, vector<1x16xf32>,
        %get3A_1866 = vector.shape_cast %get3A_1865 : vector<1x16xf32> to vector<16xf32>
        %mul3A_1867 = arith.mulf %get3A_1862, %get3A_1866 : vector<16xf32>
        %swap3A_1868 = arith.constant 1 : i32
        %swap3A_1869 = arith.index_cast %swap3A_1868 : i32 to index
        %swap3A_1870 = arith.constant 96 : index
        %swap3A_1871 = tpu.vector_load %arg12[%swap3A_1869, %swap3A_1870] {strides = array<i32>} : memref<4x128xf32, #tpu.memory_space<vmem>>, vector<1x16xf32>,
        %swap3A_1872 = vector.shape_cast %swap3A_1871 : vector<1x16xf32> to vector<16xf32>
        %swap3A_1873 = vector.shape_cast %mul3A_1867 : vector<16xf32> to vector<1x16xf32>
        tpu.vector_store %arg12[%swap3A_1869, %swap3A_1870], %swap3A_1873 {add = true, strides = array<i32>} : memref<4x128xf32, #tpu.memory_space<vmem>>, vector<1x16xf32>,
        %add3A_1874 = arith.constant 26 : i32
        %add3A_1875 = arith.addi %add3A_1874, %scan3A_1618 : i32
        %get3A_1876 = arith.index_cast %add3A_1875 : i32 to index
        %get3A_1877 = arith.constant 112 : index
        %get3A_1878 = tpu.vector_load %arg11[%get3A_1876, %get3A_1877] {strides = array<i32>} : memref<104x128xf32, #tpu.memory_space<vmem>>, vector<1x16xf32>,
        %get3A_1879 = vector.shape_cast %get3A_1878 : vector<1x16xf32> to vector<16xf32>
        %get3A_1880 = arith.index_cast %scan3A_1618 : i32 to index
        %get3A_1881 = arith.constant 112 : index
        %get3A_1882 = tpu.vector_load %arg7[%get3A_1880, %get3A_1881] {strides = array<i32>} : memref<26x128xf32, #tpu.memory_space<vmem>>, vector<1x16xf32>,
        %get3A_1883 = vector.shape_cast %get3A_1882 : vector<1x16xf32> to vector<16xf32>
        %mul3A_1884 = arith.mulf %get3A_1879, %get3A_1883 : vector<16xf32>
        %swap3A_1885 = arith.constant 1 : i32
        %swap3A_1886 = arith.index_cast %swap3A_1885 : i32 to index
        %swap3A_1887 = arith.constant 112 : index
        %swap3A_1888 = tpu.vector_load %arg12[%swap3A_1886, %swap3A_1887] {strides = array<i32>} : memref<4x128xf32, #tpu.memory_space<vmem>>, vector<1x16xf32>,
        %swap3A_1889 = vector.shape_cast %swap3A_1888 : vector<1x16xf32> to vector<16xf32>
        %swap3A_1890 = vector.shape_cast %mul3A_1884 : vector<16xf32> to vector<1x16xf32>
        tpu.vector_store %arg12[%swap3A_1886, %swap3A_1887], %swap3A_1890 {add = true, strides = array<i32>} : memref<4x128xf32, #tpu.memory_space<vmem>>, vector<1x16xf32>,
        %add3A_1891 = arith.constant 52 : i32
        %add3A_1892 = arith.addi %add3A_1891, %scan3A_1618 : i32
        %get3A_1893 = arith.index_cast %add3A_1892 : i32 to index
        %get3A_1894 = arith.constant 0 : index
        %get3A_1895 = tpu.vector_load %arg11[%get3A_1893, %get3A_1894] {strides = array<i32>} : memref<104x128xf32, #tpu.memory_space<vmem>>, vector<1x16xf32>,
        %get3A_1896 = vector.shape_cast %get3A_1895 : vector<1x16xf32> to vector<16xf32>
        %get3A_1897 = arith.index_cast %scan3A_1618 : i32 to index
        %get3A_1898 = arith.constant 0 : index
        %get3A_1899 = tpu.vector_load %arg7[%get3A_1897, %get3A_1898] {strides = array<i32>} : memref<26x128xf32, #tpu.memory_space<vmem>>, vector<1x16xf32>,
        %get3A_1900 = vector.shape_cast %get3A_1899 : vector<1x16xf32> to vector<16xf32>
        %mul3A_1901 = arith.mulf %get3A_1896, %get3A_1900 : vector<16xf32>
        %swap3A_1902 = arith.constant 2 : i32
        %swap3A_1903 = arith.index_cast %swap3A_1902 : i32 to index
        %swap3A_1904 = arith.constant 0 : index
        %swap3A_1905 = tpu.vector_load %arg12[%swap3A_1903, %swap3A_1904] {strides = array<i32>} : memref<4x128xf32, #tpu.memory_space<vmem>>, vector<1x16xf32>,
        %swap3A_1906 = vector.shape_cast %swap3A_1905 : vector<1x16xf32> to vector<16xf32>
        %swap3A_1907 = vector.shape_cast %mul3A_1901 : vector<16xf32> to vector<1x16xf32>
        tpu.vector_store %arg12[%swap3A_1903, %swap3A_1904], %swap3A_1907 {add = true, strides = array<i32>} : memref<4x128xf32, #tpu.memory_space<vmem>>, vector<1x16xf32>,
        %add3A_1908 = arith.constant 52 : i32
        %add3A_1909 = arith.addi %add3A_1908, %scan3A_1618 : i32
        %get3A_1910 = arith.index_cast %add3A_1909 : i32 to index
        %get3A_1911 = arith.constant 16 : index
        %get3A_1912 = tpu.vector_load %arg11[%get3A_1910, %get3A_1911] {strides = array<i32>} : memref<104x128xf32, #tpu.memory_space<vmem>>, vector<1x16xf32>,
        %get3A_1913 = vector.shape_cast %get3A_1912 : vector<1x16xf32> to vector<16xf32>
        %get3A_1914 = arith.index_cast %scan3A_1618 : i32 to index
        %get3A_1915 = arith.constant 16 : index
        %get3A_1916 = tpu.vector_load %arg7[%get3A_1914, %get3A_1915] {strides = array<i32>} : memref<26x128xf32, #tpu.memory_space<vmem>>, vector<1x16xf32>,
        %get3A_1917 = vector.shape_cast %get3A_1916 : vector<1x16xf32> to vector<16xf32>
        %mul3A_1918 = arith.mulf %get3A_1913, %get3A_1917 : vector<16xf32>
        %swap3A_1919 = arith.constant 2 : i32
        %swap3A_1920 = arith.index_cast %swap3A_1919 : i32 to index
        %swap3A_1921 = arith.constant 16 : index
        %swap3A_1922 = tpu.vector_load %arg12[%swap3A_1920, %swap3A_1921] {strides = array<i32>} : memref<4x128xf32, #tpu.memory_space<vmem>>, vector<1x16xf32>,
        %swap3A_1923 = vector.shape_cast %swap3A_1922 : vector<1x16xf32> to vector<16xf32>
        %swap3A_1924 = vector.shape_cast %mul3A_1918 : vector<16xf32> to vector<1x16xf32>
        tpu.vector_store %arg12[%swap3A_1920, %swap3A_1921], %swap3A_1924 {add = true, strides = array<i32>} : memref<4x128xf32, #tpu.memory_space<vmem>>, vector<1x16xf32>,
        %add3A_1925 = arith.constant 52 : i32
        %add3A_1926 = arith.addi %add3A_1925, %scan3A_1618 : i32
        %get3A_1927 = arith.index_cast %add3A_1926 : i32 to index
        %get3A_1928 = arith.constant 32 : index
        %get3A_1929 = tpu.vector_load %arg11[%get3A_1927, %get3A_1928] {strides = array<i32>} : memref<104x128xf32, #tpu.memory_space<vmem>>, vector<1x16xf32>,
        %get3A_1930 = vector.shape_cast %get3A_1929 : vector<1x16xf32> to vector<16xf32>
        %get3A_1931 = arith.index_cast %scan3A_1618 : i32 to index
        %get3A_1932 = arith.constant 32 : index
        %get3A_1933 = tpu.vector_load %arg7[%get3A_1931, %get3A_1932] {strides = array<i32>} : memref<26x128xf32, #tpu.memory_space<vmem>>, vector<1x16xf32>,
        %get3A_1934 = vector.shape_cast %get3A_1933 : vector<1x16xf32> to vector<16xf32>
        %mul3A_1935 = arith.mulf %get3A_1930, %get3A_1934 : vector<16xf32>
        %swap3A_1936 = arith.constant 2 : i32
        %swap3A_1937 = arith.index_cast %swap3A_1936 : i32 to index
        %swap3A_1938 = arith.constant 32 : index
        %swap3A_1939 = tpu.vector_load %arg12[%swap3A_1937, %swap3A_1938] {strides = array<i32>} : memref<4x128xf32, #tpu.memory_space<vmem>>, vector<1x16xf32>,
        %swap3A_1940 = vector.shape_cast %swap3A_1939 : vector<1x16xf32> to vector<16xf32>
        %swap3A_1941 = vector.shape_cast %mul3A_1935 : vector<16xf32> to vector<1x16xf32>
        tpu.vector_store %arg12[%swap3A_1937, %swap3A_1938], %swap3A_1941 {add = true, strides = array<i32>} : memref<4x128xf32, #tpu.memory_space<vmem>>, vector<1x16xf32>,
        %add3A_1942 = arith.constant 52 : i32
        %add3A_1943 = arith.addi %add3A_1942, %scan3A_1618 : i32
        %get3A_1944 = arith.index_cast %add3A_1943 : i32 to index
        %get3A_1945 = arith.constant 48 : index
        %get3A_1946 = tpu.vector_load %arg11[%get3A_1944, %get3A_1945] {strides = array<i32>} : memref<104x128xf32, #tpu.memory_space<vmem>>, vector<1x16xf32>,
        %get3A_1947 = vector.shape_cast %get3A_1946 : vector<1x16xf32> to vector<16xf32>
        %get3A_1948 = arith.index_cast %scan3A_1618 : i32 to index
        %get3A_1949 = arith.constant 48 : index
        %get3A_1950 = tpu.vector_load %arg7[%get3A_1948, %get3A_1949] {strides = array<i32>} : memref<26x128xf32, #tpu.memory_space<vmem>>, vector<1x16xf32>,
        %get3A_1951 = vector.shape_cast %get3A_1950 : vector<1x16xf32> to vector<16xf32>
        %mul3A_1952 = arith.mulf %get3A_1947, %get3A_1951 : vector<16xf32>
        %swap3A_1953 = arith.constant 2 : i32
        %swap3A_1954 = arith.index_cast %swap3A_1953 : i32 to index
        %swap3A_1955 = arith.constant 48 : index
        %swap3A_1956 = tpu.vector_load %arg12[%swap3A_1954, %swap3A_1955] {strides = array<i32>} : memref<4x128xf32, #tpu.memory_space<vmem>>, vector<1x16xf32>,
        %swap3A_1957 = vector.shape_cast %swap3A_1956 : vector<1x16xf32> to vector<16xf32>
        %swap3A_1958 = vector.shape_cast %mul3A_1952 : vector<16xf32> to vector<1x16xf32>
        tpu.vector_store %arg12[%swap3A_1954, %swap3A_1955], %swap3A_1958 {add = true, strides = array<i32>} : memref<4x128xf32, #tpu.memory_space<vmem>>, vector<1x16xf32>,
        %add3A_1959 = arith.constant 52 : i32
        %add3A_1960 = arith.addi %add3A_1959, %scan3A_1618 : i32
        %get3A_1961 = arith.index_cast %add3A_1960 : i32 to index
        %get3A_1962 = arith.constant 64 : index
        %get3A_1963 = tpu.vector_load %arg11[%get3A_1961, %get3A_1962] {strides = array<i32>} : memref<104x128xf32, #tpu.memory_space<vmem>>, vector<1x16xf32>,
        %get3A_1964 = vector.shape_cast %get3A_1963 : vector<1x16xf32> to vector<16xf32>
        %get3A_1965 = arith.index_cast %scan3A_1618 : i32 to index
        %get3A_1966 = arith.constant 64 : index
        %get3A_1967 = tpu.vector_load %arg7[%get3A_1965, %get3A_1966] {strides = array<i32>} : memref<26x128xf32, #tpu.memory_space<vmem>>, vector<1x16xf32>,
        %get3A_1968 = vector.shape_cast %get3A_1967 : vector<1x16xf32> to vector<16xf32>
        %mul3A_1969 = arith.mulf %get3A_1964, %get3A_1968 : vector<16xf32>
        %swap3A_1970 = arith.constant 2 : i32
        %swap3A_1971 = arith.index_cast %swap3A_1970 : i32 to index
        %swap3A_1972 = arith.constant 64 : index
        %swap3A_1973 = tpu.vector_load %arg12[%swap3A_1971, %swap3A_1972] {strides = array<i32>} : memref<4x128xf32, #tpu.memory_space<vmem>>, vector<1x16xf32>,
        %swap3A_1974 = vector.shape_cast %swap3A_1973 : vector<1x16xf32> to vector<16xf32>
        %swap3A_1975 = vector.shape_cast %mul3A_1969 : vector<16xf32> to vector<1x16xf32>
        tpu.vector_store %arg12[%swap3A_1971, %swap3A_1972], %swap3A_1975 {add = true, strides = array<i32>} : memref<4x128xf32, #tpu.memory_space<vmem>>, vector<1x16xf32>,
        %add3A_1976 = arith.constant 52 : i32
        %add3A_1977 = arith.addi %add3A_1976, %scan3A_1618 : i32
        %get3A_1978 = arith.index_cast %add3A_1977 : i32 to index
        %get3A_1979 = arith.constant 80 : index
        %get3A_1980 = tpu.vector_load %arg11[%get3A_1978, %get3A_1979] {strides = array<i32>} : memref<104x128xf32, #tpu.memory_space<vmem>>, vector<1x16xf32>,
        %get3A_1981 = vector.shape_cast %get3A_1980 : vector<1x16xf32> to vector<16xf32>
        %get3A_1982 = arith.index_cast %scan3A_1618 : i32 to index
        %get3A_1983 = arith.constant 80 : index
        %get3A_1984 = tpu.vector_load %arg7[%get3A_1982, %get3A_1983] {strides = array<i32>} : memref<26x128xf32, #tpu.memory_space<vmem>>, vector<1x16xf32>,
        %get3A_1985 = vector.shape_cast %get3A_1984 : vector<1x16xf32> to vector<16xf32>
        %mul3A_1986 = arith.mulf %get3A_1981, %get3A_1985 : vector<16xf32>
        %swap3A_1987 = arith.constant 2 : i32
        %swap3A_1988 = arith.index_cast %swap3A_1987 : i32 to index
        %swap3A_1989 = arith.constant 80 : index
        %swap3A_1990 = tpu.vector_load %arg12[%swap3A_1988, %swap3A_1989] {strides = array<i32>} : memref<4x128xf32, #tpu.memory_space<vmem>>, vector<1x16xf32>,
        %swap3A_1991 = vector.shape_cast %swap3A_1990 : vector<1x16xf32> to vector<16xf32>
        %swap3A_1992 = vector.shape_cast %mul3A_1986 : vector<16xf32> to vector<1x16xf32>
        tpu.vector_store %arg12[%swap3A_1988, %swap3A_1989], %swap3A_1992 {add = true, strides = array<i32>} : memref<4x128xf32, #tpu.memory_space<vmem>>, vector<1x16xf32>,
        %add3A_1993 = arith.constant 52 : i32
        %add3A_1994 = arith.addi %add3A_1993, %scan3A_1618 : i32
        %get3A_1995 = arith.index_cast %add3A_1994 : i32 to index
        %get3A_1996 = arith.constant 96 : index
        %get3A_1997 = tpu.vector_load %arg11[%get3A_1995, %get3A_1996] {strides = array<i32>} : memref<104x128xf32, #tpu.memory_space<vmem>>, vector<1x16xf32>,
        %get3A_1998 = vector.shape_cast %get3A_1997 : vector<1x16xf32> to vector<16xf32>
        %get3A_1999 = arith.index_cast %scan3A_1618 : i32 to index
        %get3A_2000 = arith.constant 96 : index
        %get3A_2001 = tpu.vector_load %arg7[%get3A_1999, %get3A_2000] {strides = array<i32>} : memref<26x128xf32, #tpu.memory_space<vmem>>, vector<1x16xf32>,
        %get3A_2002 = vector.shape_cast %get3A_2001 : vector<1x16xf32> to vector<16xf32>
        %mul3A_2003 = arith.mulf %get3A_1998, %get3A_2002 : vector<16xf32>
        %swap3A_2004 = arith.constant 2 : i32
        %swap3A_2005 = arith.index_cast %swap3A_2004 : i32 to index
        %swap3A_2006 = arith.constant 96 : index
        %swap3A_2007 = tpu.vector_load %arg12[%swap3A_2005, %swap3A_2006] {strides = array<i32>} : memref<4x128xf32, #tpu.memory_space<vmem>>, vector<1x16xf32>,
        %swap3A_2008 = vector.shape_cast %swap3A_2007 : vector<1x16xf32> to vector<16xf32>
        %swap3A_2009 = vector.shape_cast %mul3A_2003 : vector<16xf32> to vector<1x16xf32>
        tpu.vector_store %arg12[%swap3A_2005, %swap3A_2006], %swap3A_2009 {add = true, strides = array<i32>} : memref<4x128xf32, #tpu.memory_space<vmem>>, vector<1x16xf32>,
        %add3A_2010 = arith.constant 52 : i32
        %add3A_2011 = arith.addi %add3A_2010, %scan3A_1618 : i32
        %get3A_2012 = arith.index_cast %add3A_2011 : i32 to index
        %get3A_2013 = arith.constant 112 : index
        %get3A_2014 = tpu.vector_load %arg11[%get3A_2012, %get3A_2013] {strides = array<i32>} : memref<104x128xf32, #tpu.memory_space<vmem>>, vector<1x16xf32>,
        %get3A_2015 = vector.shape_cast %get3A_2014 : vector<1x16xf32> to vector<16xf32>
        %get3A_2016 = arith.index_cast %scan3A_1618 : i32 to index
        %get3A_2017 = arith.constant 112 : index
        %get3A_2018 = tpu.vector_load %arg7[%get3A_2016, %get3A_2017] {strides = array<i32>} : memref<26x128xf32, #tpu.memory_space<vmem>>, vector<1x16xf32>,
        %get3A_2019 = vector.shape_cast %get3A_2018 : vector<1x16xf32> to vector<16xf32>
        %mul3A_2020 = arith.mulf %get3A_2015, %get3A_2019 : vector<16xf32>
        %swap3A_2021 = arith.constant 2 : i32
        %swap3A_2022 = arith.index_cast %swap3A_2021 : i32 to index
        %swap3A_2023 = arith.constant 112 : index
        %swap3A_2024 = tpu.vector_load %arg12[%swap3A_2022, %swap3A_2023] {strides = array<i32>} : memref<4x128xf32, #tpu.memory_space<vmem>>, vector<1x16xf32>,
        %swap3A_2025 = vector.shape_cast %swap3A_2024 : vector<1x16xf32> to vector<16xf32>
        %swap3A_2026 = vector.shape_cast %mul3A_2020 : vector<16xf32> to vector<1x16xf32>
        tpu.vector_store %arg12[%swap3A_2022, %swap3A_2023], %swap3A_2026 {add = true, strides = array<i32>} : memref<4x128xf32, #tpu.memory_space<vmem>>, vector<1x16xf32>,
        %add3A_2027 = arith.constant 78 : i32
        %add3A_2028 = arith.addi %add3A_2027, %scan3A_1618 : i32
        %get3A_2029 = arith.index_cast %add3A_2028 : i32 to index
        %get3A_2030 = arith.constant 0 : index
        %get3A_2031 = tpu.vector_load %arg11[%get3A_2029, %get3A_2030] {strides = array<i32>} : memref<104x128xf32, #tpu.memory_space<vmem>>, vector<1x16xf32>,
        %get3A_2032 = vector.shape_cast %get3A_2031 : vector<1x16xf32> to vector<16xf32>
        %get3A_2033 = arith.index_cast %scan3A_1618 : i32 to index
        %get3A_2034 = arith.constant 0 : index
        %get3A_2035 = tpu.vector_load %arg7[%get3A_2033, %get3A_2034] {strides = array<i32>} : memref<26x128xf32, #tpu.memory_space<vmem>>, vector<1x16xf32>,
        %get3A_2036 = vector.shape_cast %get3A_2035 : vector<1x16xf32> to vector<16xf32>
        %mul3A_2037 = arith.mulf %get3A_2032, %get3A_2036 : vector<16xf32>
        %swap3A_2038 = arith.constant 3 : i32
        %swap3A_2039 = arith.index_cast %swap3A_2038 : i32 to index
        %swap3A_2040 = arith.constant 0 : index
        %swap3A_2041 = tpu.vector_load %arg12[%swap3A_2039, %swap3A_2040] {strides = array<i32>} : memref<4x128xf32, #tpu.memory_space<vmem>>, vector<1x16xf32>,
        %swap3A_2042 = vector.shape_cast %swap3A_2041 : vector<1x16xf32> to vector<16xf32>
        %swap3A_2043 = vector.shape_cast %mul3A_2037 : vector<16xf32> to vector<1x16xf32>
        tpu.vector_store %arg12[%swap3A_2039, %swap3A_2040], %swap3A_2043 {add = true, strides = array<i32>} : memref<4x128xf32, #tpu.memory_space<vmem>>, vector<1x16xf32>,
        %add3A_2044 = arith.constant 78 : i32
        %add3A_2045 = arith.addi %add3A_2044, %scan3A_1618 : i32
        %get3A_2046 = arith.index_cast %add3A_2045 : i32 to index
        %get3A_2047 = arith.constant 16 : index
        %get3A_2048 = tpu.vector_load %arg11[%get3A_2046, %get3A_2047] {strides = array<i32>} : memref<104x128xf32, #tpu.memory_space<vmem>>, vector<1x16xf32>,
        %get3A_2049 = vector.shape_cast %get3A_2048 : vector<1x16xf32> to vector<16xf32>
        %get3A_2050 = arith.index_cast %scan3A_1618 : i32 to index
        %get3A_2051 = arith.constant 16 : index
        %get3A_2052 = tpu.vector_load %arg7[%get3A_2050, %get3A_2051] {strides = array<i32>} : memref<26x128xf32, #tpu.memory_space<vmem>>, vector<1x16xf32>,
        %get3A_2053 = vector.shape_cast %get3A_2052 : vector<1x16xf32> to vector<16xf32>
        %mul3A_2054 = arith.mulf %get3A_2049, %get3A_2053 : vector<16xf32>
        %swap3A_2055 = arith.constant 3 : i32
        %swap3A_2056 = arith.index_cast %swap3A_2055 : i32 to index
        %swap3A_2057 = arith.constant 16 : index
        %swap3A_2058 = tpu.vector_load %arg12[%swap3A_2056, %swap3A_2057] {strides = array<i32>} : memref<4x128xf32, #tpu.memory_space<vmem>>, vector<1x16xf32>,
        %swap3A_2059 = vector.shape_cast %swap3A_2058 : vector<1x16xf32> to vector<16xf32>
        %swap3A_2060 = vector.shape_cast %mul3A_2054 : vector<16xf32> to vector<1x16xf32>
        tpu.vector_store %arg12[%swap3A_2056, %swap3A_2057], %swap3A_2060 {add = true, strides = array<i32>} : memref<4x128xf32, #tpu.memory_space<vmem>>, vector<1x16xf32>,
        %add3A_2061 = arith.constant 78 : i32
        %add3A_2062 = arith.addi %add3A_2061, %scan3A_1618 : i32
        %get3A_2063 = arith.index_cast %add3A_2062 : i32 to index
        %get3A_2064 = arith.constant 32 : index
        %get3A_2065 = tpu.vector_load %arg11[%get3A_2063, %get3A_2064] {strides = array<i32>} : memref<104x128xf32, #tpu.memory_space<vmem>>, vector<1x16xf32>,
        %get3A_2066 = vector.shape_cast %get3A_2065 : vector<1x16xf32> to vector<16xf32>
        %get3A_2067 = arith.index_cast %scan3A_1618 : i32 to index
        %get3A_2068 = arith.constant 32 : index
        %get3A_2069 = tpu.vector_load %arg7[%get3A_2067, %get3A_2068] {strides = array<i32>} : memref<26x128xf32, #tpu.memory_space<vmem>>, vector<1x16xf32>,
        %get3A_2070 = vector.shape_cast %get3A_2069 : vector<1x16xf32> to vector<16xf32>
        %mul3A_2071 = arith.mulf %get3A_2066, %get3A_2070 : vector<16xf32>
        %swap3A_2072 = arith.constant 3 : i32
        %swap3A_2073 = arith.index_cast %swap3A_2072 : i32 to index
        %swap3A_2074 = arith.constant 32 : index
        %swap3A_2075 = tpu.vector_load %arg12[%swap3A_2073, %swap3A_2074] {strides = array<i32>} : memref<4x128xf32, #tpu.memory_space<vmem>>, vector<1x16xf32>,
        %swap3A_2076 = vector.shape_cast %swap3A_2075 : vector<1x16xf32> to vector<16xf32>
        %swap3A_2077 = vector.shape_cast %mul3A_2071 : vector<16xf32> to vector<1x16xf32>
        tpu.vector_store %arg12[%swap3A_2073, %swap3A_2074], %swap3A_2077 {add = true, strides = array<i32>} : memref<4x128xf32, #tpu.memory_space<vmem>>, vector<1x16xf32>,
        %add3A_2078 = arith.constant 78 : i32
        %add3A_2079 = arith.addi %add3A_2078, %scan3A_1618 : i32
        %get3A_2080 = arith.index_cast %add3A_2079 : i32 to index
        %get3A_2081 = arith.constant 48 : index
        %get3A_2082 = tpu.vector_load %arg11[%get3A_2080, %get3A_2081] {strides = array<i32>} : memref<104x128xf32, #tpu.memory_space<vmem>>, vector<1x16xf32>,
        %get3A_2083 = vector.shape_cast %get3A_2082 : vector<1x16xf32> to vector<16xf32>
        %get3A_2084 = arith.index_cast %scan3A_1618 : i32 to index
        %get3A_2085 = arith.constant 48 : index
        %get3A_2086 = tpu.vector_load %arg7[%get3A_2084, %get3A_2085] {strides = array<i32>} : memref<26x128xf32, #tpu.memory_space<vmem>>, vector<1x16xf32>,
        %get3A_2087 = vector.shape_cast %get3A_2086 : vector<1x16xf32> to vector<16xf32>
        %mul3A_2088 = arith.mulf %get3A_2083, %get3A_2087 : vector<16xf32>
        %swap3A_2089 = arith.constant 3 : i32
        %swap3A_2090 = arith.index_cast %swap3A_2089 : i32 to index
        %swap3A_2091 = arith.constant 48 : index
        %swap3A_2092 = tpu.vector_load %arg12[%swap3A_2090, %swap3A_2091] {strides = array<i32>} : memref<4x128xf32, #tpu.memory_space<vmem>>, vector<1x16xf32>,
        %swap3A_2093 = vector.shape_cast %swap3A_2092 : vector<1x16xf32> to vector<16xf32>
        %swap3A_2094 = vector.shape_cast %mul3A_2088 : vector<16xf32> to vector<1x16xf32>
        tpu.vector_store %arg12[%swap3A_2090, %swap3A_2091], %swap3A_2094 {add = true, strides = array<i32>} : memref<4x128xf32, #tpu.memory_space<vmem>>, vector<1x16xf32>,
        %add3A_2095 = arith.constant 78 : i32
        %add3A_2096 = arith.addi %add3A_2095, %scan3A_1618 : i32
        %get3A_2097 = arith.index_cast %add3A_2096 : i32 to index
        %get3A_2098 = arith.constant 64 : index
        %get3A_2099 = tpu.vector_load %arg11[%get3A_2097, %get3A_2098] {strides = array<i32>} : memref<104x128xf32, #tpu.memory_space<vmem>>, vector<1x16xf32>,
        %get3A_2100 = vector.shape_cast %get3A_2099 : vector<1x16xf32> to vector<16xf32>
        %get3A_2101 = arith.index_cast %scan3A_1618 : i32 to index
        %get3A_2102 = arith.constant 64 : index
        %get3A_2103 = tpu.vector_load %arg7[%get3A_2101, %get3A_2102] {strides = array<i32>} : memref<26x128xf32, #tpu.memory_space<vmem>>, vector<1x16xf32>,
        %get3A_2104 = vector.shape_cast %get3A_2103 : vector<1x16xf32> to vector<16xf32>
        %mul3A_2105 = arith.mulf %get3A_2100, %get3A_2104 : vector<16xf32>
        %swap3A_2106 = arith.constant 3 : i32
        %swap3A_2107 = arith.index_cast %swap3A_2106 : i32 to index
        %swap3A_2108 = arith.constant 64 : index
        %swap3A_2109 = tpu.vector_load %arg12[%swap3A_2107, %swap3A_2108] {strides = array<i32>} : memref<4x128xf32, #tpu.memory_space<vmem>>, vector<1x16xf32>,
        %swap3A_2110 = vector.shape_cast %swap3A_2109 : vector<1x16xf32> to vector<16xf32>
        %swap3A_2111 = vector.shape_cast %mul3A_2105 : vector<16xf32> to vector<1x16xf32>
        tpu.vector_store %arg12[%swap3A_2107, %swap3A_2108], %swap3A_2111 {add = true, strides = array<i32>} : memref<4x128xf32, #tpu.memory_space<vmem>>, vector<1x16xf32>,
        %add3A_2112 = arith.constant 78 : i32
        %add3A_2113 = arith.addi %add3A_2112, %scan3A_1618 : i32
        %get3A_2114 = arith.index_cast %add3A_2113 : i32 to index
        %get3A_2115 = arith.constant 80 : index
        %get3A_2116 = tpu.vector_load %arg11[%get3A_2114, %get3A_2115] {strides = array<i32>} : memref<104x128xf32, #tpu.memory_space<vmem>>, vector<1x16xf32>,
        %get3A_2117 = vector.shape_cast %get3A_2116 : vector<1x16xf32> to vector<16xf32>
        %get3A_2118 = arith.index_cast %scan3A_1618 : i32 to index
        %get3A_2119 = arith.constant 80 : index
        %get3A_2120 = tpu.vector_load %arg7[%get3A_2118, %get3A_2119] {strides = array<i32>} : memref<26x128xf32, #tpu.memory_space<vmem>>, vector<1x16xf32>,
        %get3A_2121 = vector.shape_cast %get3A_2120 : vector<1x16xf32> to vector<16xf32>
        %mul3A_2122 = arith.mulf %get3A_2117, %get3A_2121 : vector<16xf32>
        %swap3A_2123 = arith.constant 3 : i32
        %swap3A_2124 = arith.index_cast %swap3A_2123 : i32 to index
        %swap3A_2125 = arith.constant 80 : index
        %swap3A_2126 = tpu.vector_load %arg12[%swap3A_2124, %swap3A_2125] {strides = array<i32>} : memref<4x128xf32, #tpu.memory_space<vmem>>, vector<1x16xf32>,
        %swap3A_2127 = vector.shape_cast %swap3A_2126 : vector<1x16xf32> to vector<16xf32>
        %swap3A_2128 = vector.shape_cast %mul3A_2122 : vector<16xf32> to vector<1x16xf32>
        tpu.vector_store %arg12[%swap3A_2124, %swap3A_2125], %swap3A_2128 {add = true, strides = array<i32>} : memref<4x128xf32, #tpu.memory_space<vmem>>, vector<1x16xf32>,
        %add3A_2129 = arith.constant 78 : i32
        %add3A_2130 = arith.addi %add3A_2129, %scan3A_1618 : i32
        %get3A_2131 = arith.index_cast %add3A_2130 : i32 to index
        %get3A_2132 = arith.constant 96 : index
        %get3A_2133 = tpu.vector_load %arg11[%get3A_2131, %get3A_2132] {strides = array<i32>} : memref<104x128xf32, #tpu.memory_space<vmem>>, vector<1x16xf32>,
        %get3A_2134 = vector.shape_cast %get3A_2133 : vector<1x16xf32> to vector<16xf32>
        %get3A_2135 = arith.index_cast %scan3A_1618 : i32 to index
        %get3A_2136 = arith.constant 96 : index
        %get3A_2137 = tpu.vector_load %arg7[%get3A_2135, %get3A_2136] {strides = array<i32>} : memref<26x128xf32, #tpu.memory_space<vmem>>, vector<1x16xf32>,
        %get3A_2138 = vector.shape_cast %get3A_2137 : vector<1x16xf32> to vector<16xf32>
        %mul3A_2139 = arith.mulf %get3A_2134, %get3A_2138 : vector<16xf32>
        %swap3A_2140 = arith.constant 3 : i32
        %swap3A_2141 = arith.index_cast %swap3A_2140 : i32 to index
        %swap3A_2142 = arith.constant 96 : index
        %swap3A_2143 = tpu.vector_load %arg12[%swap3A_2141, %swap3A_2142] {strides = array<i32>} : memref<4x128xf32, #tpu.memory_space<vmem>>, vector<1x16xf32>,
        %swap3A_2144 = vector.shape_cast %swap3A_2143 : vector<1x16xf32> to vector<16xf32>
        %swap3A_2145 = vector.shape_cast %mul3A_2139 : vector<16xf32> to vector<1x16xf32>
        tpu.vector_store %arg12[%swap3A_2141, %swap3A_2142], %swap3A_2145 {add = true, strides = array<i32>} : memref<4x128xf32, #tpu.memory_space<vmem>>, vector<1x16xf32>,
        %add3A_2146 = arith.constant 78 : i32
        %add3A_2147 = arith.addi %add3A_2146, %scan3A_1618 : i32
        %get3A_2148 = arith.index_cast %add3A_2147 : i32 to index
        %get3A_2149 = arith.constant 112 : index
        %get3A_2150 = tpu.vector_load %arg11[%get3A_2148, %get3A_2149] {strides = array<i32>} : memref<104x128xf32, #tpu.memory_space<vmem>>, vector<1x16xf32>,
        %get3A_2151 = vector.shape_cast %get3A_2150 : vector<1x16xf32> to vector<16xf32>
        %get3A_2152 = arith.index_cast %scan3A_1618 : i32 to index
        %get3A_2153 = arith.constant 112 : index
        %get3A_2154 = tpu.vector_load %arg7[%get3A_2152, %get3A_2153] {strides = array<i32>} : memref<26x128xf32, #tpu.memory_space<vmem>>, vector<1x16xf32>,
        %get3A_2155 = vector.shape_cast %get3A_2154 : vector<1x16xf32> to vector<16xf32>
        %mul3A_2156 = arith.mulf %get3A_2151, %get3A_2155 : vector<16xf32>
        %swap3A_2157 = arith.constant 3 : i32
        %swap3A_2158 = arith.index_cast %swap3A_2157 : i32 to index
        %swap3A_2159 = arith.constant 112 : index
        %swap3A_2160 = tpu.vector_load %arg12[%swap3A_2158, %swap3A_2159] {strides = array<i32>} : memref<4x128xf32, #tpu.memory_space<vmem>>, vector<1x16xf32>,
        %swap3A_2161 = vector.shape_cast %swap3A_2160 : vector<1x16xf32> to vector<16xf32>
        %swap3A_2162 = vector.shape_cast %mul3A_2156 : vector<16xf32> to vector<1x16xf32>
        tpu.vector_store %arg12[%swap3A_2158, %swap3A_2159], %swap3A_2162 {add = true, strides = array<i32>} : memref<4x128xf32, #tpu.memory_space<vmem>>, vector<1x16xf32>,
      }
      %scan3A_1615 = arith.constant 26 : i32
      %mul3A_1616 = arith.constant 4 : i32
      %mul3A_1617 = arith.muli %scan3A_1314, %mul3A_1616 : i32
      "tpu.region"() ({
        %run_scoped3A = tpu.sem_alloc : memref<!tpu.dma_semaphore, #tpu.memory_space<semaphore_mem>>
        %dma_start3A_1618 = tpu.memref_slice %arg5[%mul3A_1617, %mul3A_2] : memref<1024x4096xf32, #tpu.memory_space<hbm>> -> memref<4x128xf32, #tpu.memory_space<hbm>>
        %dma_start3A_1619 = tpu.memref_slice %arg5[%mul3A_1617, %mul3A_2] : memref<1024x4096xf32, #tpu.memory_space<hbm>> -> memref<4x128xf32, #tpu.memory_space<hbm>>
        tpu.enqueue_dma source(%arg12 : memref<4x128xf32, #tpu.memory_space<vmem>>) target(%dma_start3A_1619 : memref<4x128xf32, #tpu.memory_space<hbm>>) target_semaphore(%run_scoped3A : memref<!tpu.dma_semaphore, #tpu.memory_space<semaphore_mem>>)
        %dma_wait3A_1620 = tpu.memref_slice %arg5[%mul3A_1617, %mul3A_2] : memref<1024x4096xf32, #tpu.memory_space<hbm>> -> memref<4x128xf32, #tpu.memory_space<hbm>>
        %dma_wait3A_1621 = tpu.memref_slice %arg5[%mul3A_1617, %mul3A_2] : memref<1024x4096xf32, #tpu.memory_space<hbm>> -> memref<4x128xf32, #tpu.memory_space<hbm>>
        tpu.wait_dma2 semaphore(%run_scoped3A : memref<!tpu.dma_semaphore, #tpu.memory_space<semaphore_mem>>) src(%arg12 : memref<4x128xf32, #tpu.memory_space<vmem>>) dst(%dma_wait3A_1621 : memref<4x128xf32, #tpu.memory_space<hbm>>)
        tpu.yield
      }) : () -> ()
    }
    %scan3A_1313 = arith.constant 256 : i32
    return
  }
}

</mosaic_0001>

<sc_bundles>
// kernel: kernel.3.cloned.1.call-start
scs
__scs_entry_jumppad:
0x0: {  	(pc) =	sbr.rel $0x88, $3  }
0x1: {  	(tag) =	ssettag $0x0;
	lr =	simm.s32 $0x1  }
0x2: {  	[smem:$0x3F9E] =	sst lr;
	_ =	strace $0xD0000000  }
0x3: {  	_ = 	snop  }
0x4: {  	_ = 	snop  }
0x5: {  	_ = 	snop  }
0x6: {  	_ = 	snop  }
0x7: {  	_ = 	snop  }
__scs_overlays_trampoline_lowered:
0x8: {  	[smem:$0x3FAD] =	sst s0  }
0x9: {  	[smem:$0x3FAE] =	sst s1  }
0xa: {  	[smem:$0x3FAF] =	sst s2  }
0xb: {  	[smem:$0x3FB0] =	sst s3  }
0xc: {  	[smem:$0x3FB1] =	sst s4  }
0xd: {  	[smem:$0x3FB2] =	sst s5  }
0xe: {  	[smem:$0x3FB3] =	sst s6  }
0xf: {  	[smem:$0x3FB4] =	sst s7  }
0x10: {  	[smem:$0x3FB5] =	sst s8  }
0x11: {  	[smem:$0x3FB6] =	sst s9;
	s0 =	simm.s32 @!p0 $0x0  }
0x12: {  	s1 =	sld [smem:$0x3F9C];
	s0 =	simm.s32 @p0 $0x1  }
0x13: {  	[smem:$0x3FB7] =	sst s0;
	s0 =	simm.s32 @!p1 $0x0  }
0x14: {  	s2 =	sld [smem:$0x3F9B];
	s0 =	simm.s32 @p1 $0x1  }
0x15: {  	[smem:$0x3FB8] =	sst s0;
	s0 =	simm.s32 @!p2 $0x0  }
0x16: {  	s3 =	sld [smem:$0x3FDB];
	s0 =	simm.s32 @p2 $0x1  }
0x17: {  	s4 =	simm.s32 $0x1BF5;
	[smem:$0x3FBA] =	sst s0  }
0x18: {  	s0 =	sld [smem:$0x3F9D];
	_ =	swait.ge [sflag:s4], $0x0  }
0x19: {  	s7 =	sld [smem:$0x3F9E]  }
0x1a: {  	s8 =	sadd.s32 $0xFFFFE003, lr  }
0x1b: {  	s9 =	sadd.s32 $0xFFFFFEF7, lr;
	s5 =	simm.s32 $0xFFFFFFFF;
	p2 =	slt.u32 s8, $0xFFFFF086  }
0x1c: {  	p1 =	slt.u32 s9, $0xF7A;
	s5 =	simm.s32 @!p2 $0x0  }
0x1d: {  	s5 =	simm.s32 @p1 $0x1;
	p0 =	seq.s32 s7, s2  }
0x1e: {  	s7 =	smul.u32 @!p0 $0xF7A, s2;
	p2 =	seq.s32 @!p0 s5, $0x0  }
0x1f: {  	s9 =	smul.u32 $0xF7A, s1;
	s8 =	simm.s32 @!p0 $0x1BF5;
	p2 =	por !p2, p0  }
0x20: {  	[sflag:s8] =	ssyncset.s32 @!p0 $0xFFFFF086;
	s6 =	sadd.s32 @!p0 s3, s7;
	s7 =	simm.s32 @!p0 $0x108  }
0x21: {  	s3 =	sadd.s32 s3, s9;
	s6 =	sadd.s32 @!p0 $0x88, s6;
	s7 =	simm.s32 @p2 $0x1082  }
0x22: {  	[simem:s7], [sflag:s8] =	dma.local @!p0 [hbm:s6], $0xF7A  }
0x23: {  	s9 =	sor.u32 $0xD0000000, s2;
	s6 =	simm.s32 $0x108;
	_ =	swait.ge @!p0 [sflag:s8], $0x0  }
0x24: {  	s3 =	sadd.s32 $0x88, s3;
	s6 =	simm.s32 @!p1 $0x1082;
	[sflag:s4] =	ssyncset.s32 $0xFFFFF086  }
0x25: {  	[simem:s6], [sflag:s4] =	dma.local [hbm:s3], $0xF7A  }
0x26: {  	[smem:$0x3F9E] =	sst s1;
	(tag) =	ssettag s2;
	_ =	strace s9  }
0x27: {  	s1 =	sld [smem:$0x3FAE]  }
0x28: {  	s2 =	sld [smem:$0x3FAF]  }
0x29: {  	s4 =	sld [smem:$0x3FB1]  }
0x2a: {  	p0 =	seq.s32 s5, $0x0;
	s5 =	sld [smem:$0x3FB2]  }
0x2b: {  	s6 =	sld [smem:$0x3FB3]  }
0x2c: {  	s7 =	sld [smem:$0x3FB4]  }
0x2d: {  	s3 =	simm.s32 $0x108;
	s8 =	sld [smem:$0x3FB5]  }
0x2e: {  	s3 =	simm.s32 @!p0 $0x1082;
	s9 =	sld [smem:$0x3FB6]  }
0x2f: {  	lr =	sadd.s32 s0, s3;
	s0 =	sld [smem:$0x3FAD]  }
0x30: {  	s3 =	sld [smem:$0x3FB0]  }
0x31: {  	[smem:$0x3FB9] =	sst s10  }
0x32: {  	s10 =	sld [smem:$0x3FB7];
	_ =	sdelay $0x3  }
0x33: {  	p0 =	seq.s32 s10, $0x1;
	s10 =	sld [smem:$0x3FB9];
	_ =	sdelay $0x3  }
0x34: {  	[smem:$0x3FB9] =	sst s10  }
0x35: {  	s10 =	sld [smem:$0x3FB8];
	_ =	sdelay $0x3  }
0x36: {  	p1 =	seq.s32 s10, $0x1;
	s10 =	sld [smem:$0x3FB9];
	_ =	sdelay $0x3  }
0x37: {  	[smem:$0x3FB9] =	sst s10  }
0x38: {  	s10 =	sld [smem:$0x3FBA]  }
0x39: {  	_ = 	snop;
	(pc) =	sbr.ind lr, $3  }
0x3a: {  	_ = 	snop  }
0x3b: {  	_ = 	snop  }
0x3c: {  	p2 =	seq.s32 s10, $0x1;
	s10 =	sld [smem:$0x3FB9]  }
0x3d: {  	_ =	shalt  }
0x3e: {  	_ =	shalt  }
0x3f: {  	_ =	shalt  }
0x40: {  	_ =	shalt  }
0x41: {  	_ =	shalt  }
0x42: {  	_ =	shalt  }
0x43: {  	_ =	shalt  }
0x44: {  	_ =	shalt  }
0x45: {  	_ =	shalt  }
0x46: {  	_ =	shalt  }
0x47: {  	_ =	shalt  }
0x48: {  	_ =	shalt  }
0x49: {  	_ =	shalt  }
0x4a: {  	_ =	shalt  }
0x4b: {  	_ =	shalt  }
0x4c: {  	_ =	shalt  }
0x4d: {  	_ =	shalt  }
0x4e: {  	_ =	shalt  }
0x4f: {  	_ =	shalt  }
0x50: {  	_ =	shalt  }
0x51: {  	_ =	shalt  }
0x52: {  	_ =	shalt  }
0x53: {  	_ =	shalt  }
0x54: {  	_ =	shalt  }
0x55: {  	_ =	shalt  }
0x56: {  	_ =	shalt  }
0x57: {  	_ =	shalt  }
0x58: {  	_ =	shalt  }
0x59: {  	_ =	shalt  }
0x5a: {  	_ =	shalt  }
0x5b: {  	_ =	shalt  }
0x5c: {  	_ =	shalt  }
0x5d: {  	_ =	shalt  }
0x5e: {  	_ =	shalt  }
0x5f: {  	_ =	shalt  }
0x60: {  	_ =	shalt  }
0x61: {  	_ =	shalt  }
0x62: {  	_ =	shalt  }
0x63: {  	_ =	shalt  }
0x64: {  	_ =	shalt  }
0x65: {  	_ =	shalt  }
0x66: {  	_ =	shalt  }
0x67: {  	_ =	shalt  }
0x68: {  	_ =	shalt  }
0x69: {  	_ =	shalt  }
0x6a: {  	_ =	shalt  }
0x6b: {  	_ =	shalt  }
0x6c: {  	_ =	shalt  }
0x6d: {  	_ =	shalt  }
0x6e: {  	_ =	shalt  }
0x6f: {  	_ =	shalt  }
0x70: {  	_ =	shalt  }
0x71: {  	_ =	shalt  }
0x72: {  	_ =	shalt  }
0x73: {  	_ =	shalt  }
0x74: {  	_ =	shalt  }
0x75: {  	_ =	shalt  }
0x76: {  	_ =	shalt  }
0x77: {  	_ =	shalt  }
0x78: {  	_ =	shalt  }
0x79: {  	_ =	shalt  }
0x7a: {  	_ =	shalt  }
0x7b: {  	_ =	shalt  }
0x7c: {  	_ =	shalt  }
0x7d: {  	_ =	shalt  }
0x7e: {  	_ =	shalt  }
0x7f: {  	_ =	shalt  }
0x80: {  	_ =	shalt  }
0x81: {  	_ =	shalt  }
0x82: {  	_ =	shalt  }
0x83: {  	_ =	shalt  }
0x84: {  	_ =	shalt  }
0x85: {  	_ =	shalt  }
0x86: {  	_ =	shalt  }
0x87: {  	_ =	shalt  }
.Lfunc_end0:
.L_simem_size_0:
called_computation_lowered:
.L_overlay_start_0:
0x88: {  	s2 =	sld [smem:$0x3FD9]  }
0x89: {  	s3 =	sld [smem:$0x3FFE];
	_ =	sdelay $0x1  }
0x8a: {  	s1 =	srdreg.scid  }
0x8b: {  	s0 =	sand.u32 $0x1, s1  }
0x8c: {  	s17 =	sshll.u32 s0, $0xA;
	s2 =	sadd.s32 s3, s2  }
0x8d: {  	s2 =	sadd.s32 s2, s17  }
0x8e: {  	[smem:$0x3FC5] =	sst s2  }
0x8f: {  	_ = 	snop  }
0x90: {  	s2 =	sld [smem:$0x3FC8]  }
0x91: {  	s18 =	sld [smem:$0x3FC7]  }
0x92: {  	s4 =	sld [smem:$0x3FD0];
	(tm) =	ssettm $0x1  }
0x93: {  	s5 =	sld [smem:$0x3FFB];
	_ =	sdelay $0x3  }
0x94: {  	_ =	strace s5  }
0x95: {  	s5 =	sld [smem:$0x3FFC];
	_ =	sdelay $0x3  }
0x96: {  	_ =	strace s5  }
0x97: {  	s5 =	sld [smem:$0x3FFD];
	_ =	sdelay $0x3  }
0x98: {  	_ =	strace s5  }
0x99: {  	_ =	strace $0x8FFFFFFF  }
0x9a: {  	s19 =	sld [smem:$0x3FDB];
	_ =	sdelay $0x1  }
0x9b: {  	s6 =	simm.s32 $_scs_section_size  }
0x9c: {  	s7 =	simm.s32 $_size__tile_overlayer_lowered;
	s8 =	simm.s32 $_tile_overlayer_lowered  }
0x9d: {  	s22 =	simm.s32 $0x1BFF;
	s21 =	sshll.u32 s8, $0x1;
	s5 =	sadd.s32 s6, s19  }
0x9e: {  	s9 =	simm.s32 $0x0;
	s20 =	sshll.u32 s7, $0x1;
	s7 =	sadd.s32 s21, s5  }
0x9f: {  	[timem:s9], [sflag:s22] =	dma.local [hbm:s7], s20  }
0xa0: {  	_ =	swait.ge [sflag:s22], s20  }
0xa1: {  	s6 =	ssub.s32 $0x0, s20;
	[sflag:s22] =	ssyncset.done $0x0  }
0xa2: {  	[sflag:s22] =	ssyncadd.s32 s6;
	_ =	sdelay $0x1  }
0xa3: {  	s23 =	simm.s32 $0x1B8B  }
0xa4: {  	_ =	swait.ge [sflag:s23], $0x1  }
0xa5: {  	[sflag:s23] =	ssyncset.done $0x0  }
0xa6: {  	s25 =	simm.s32 $0x1B8E;
	s24 =	sld [smem:$0x3FFE];
	[sflag:s23] =	ssyncadd.s32 $0xFFFFFFFF  }
0xa7: {  	s26 =	simm.s32 $execute0_lowered;
	[smem:$0x3FD2] =	sst s25  }
0xa8: {  	s7 =	sshll.u32 s26, $0x1;
	_ =	strace $0x80000046;
	[dreg:$0x1] =	wrdreg $0xFFFFFFFF  }
0xa9: {  	s28 =	simm.s32 $_size_execute0_lowered;
	s5 =	sadd.s32 s5, s7;
	[dreg:$0x0] =	wrdreg $0x0  }
0xaa: {  	s7 =	sshll.u32 s28, $0x1;
	[dreg:$0x2] =	wrdreg s5  }
0xab: {  	[dreg:$0x3] =	wrdreg s7  }
0xac: {  	[dreg:$0x4] =	wrdreg $0xC0  }
0xad: {  	_ =	task [dreg:s9], $0x5FFFF  }
0xae: {  	[dreg:$0x1] =	wrdreg $0xFFFFFFFF  }
0xaf: {  	[dreg:$0x0] =	wrdreg $0x60  }
0xb0: {  	[dreg:$0x2] =	wrdreg s24  }
0xb1: {  	[dreg:$0x3] =	wrdreg s2  }
0xb2: {  	[dreg:$0x4] =	wrdreg s18  }
0xb3: {  	[dreg:$0x5] =	wrdreg s4  }
0xb4: {  	[dreg:$0x6] =	wrdreg $0x0  }
0xb5: {  	[dreg:$0x7] =	wrdreg $0x9  }
0xb6: {  	_ =	task.clear_ibuf [dreg:s9], $0x8FFFF;
	_ =	strace $0x90000046  }
0xb7: {  	s29 =	simm.s32 $0x9;
	_ =	strace $0x80000048  }
0xb8: {  	_ =	swait.ge [sflag:s29], $0x1  }
0xb9: {  	[sflag:s29] =	ssyncadd.s32 $0xFFFFFFFF  }
0xba: {  	_ =	strace $0x90000048  }
0xbb: {  	_ =	sfence  }
0xbc: {  	s30 =	sld [smem:$0x0];
	_ =	sdelay $0x2  }
0xbd: {  	s31 =	sshll.u32 s1, $0xD;
	s1 =	sshrl.u32 s1, $0x2  }
0xbe: {  	s3 =	sand.u32 $0x4000, s31;
	s1 =	sadd.s32 s1, s30  }
0xbf: {  	s0 =	sor.u32 s3, s0;
	s1 =	sshll.u32 s1, $0x11  }
0xc0: {  	s0 =	sor.u32 s1, s0  }
0xc1: {  	s0 =	sadd.s32 $0x8F2B, s0  }
0xc2: {  	[sflag:s0] =	ssyncadd.remote.s32 $0x1  }
0xc3: {  	_ =	sfence.sel $0xFFFF  }
0xc4: {  	[dreg:$0x0] =	wrdreg $0xFFFFFFFF;
	(pc) =	sbr.abs _section_cstart, $3  }
0xc5: {  	[dreg:$0x1] =	wrdreg $0xFFFFFFFF  }
0xc6: {  	_ =	task.clear_ibuf [dreg:s9], $0x2FFFF;
	_ =	strace $0x9FFFFFFF  }
0xc7: {  	(tm) =	ssettm $0x7FFFFFFF  }
tec
execute0_lowered:
.L_overlay_start_1:
0x0: {  	(tag) =	ssettag $0x1  }
0x1: {  	s0 =	rddreg [dreg:$0x0]  }
0x2: {  	s1 =	rddreg [dreg:$0x1]  }
0x3: {  	s2 =	rddreg [dreg:$0x2]  }
0x4: {  	s8 =	rddreg [dreg:$0x4];
	s3 =	srdreg.scid  }
0x5: {  	s4 =	simm.s32 $0x0;
	s9 =	stileid.u32;
	s25 =	simm.s32 $0x14690  }
0x6: {  	s26 =	simm.s32 $0x146A0;
	s28 =	simm.s32 $0x146B0;
	s29 =	simm.s32 $0x146C0  }
0x7: {  	s30 =	simm.s32 $0x146D0;
	s31 =	simm.s32 $0x146E0;
	s12 =	simm.s32 $0x14710  }
0x8: {  	s13 =	simm.s32 $0x14720;
	s10 =	simm.s32 $0x147A0;
	s11 =	simm.s32 $0x147B0  }
0x9: {  	s3 =	sand.u32 $0x1, s3;
	[smem:$0x7FF] =	sst s4;
	s0 =	sadd.s32 $0x400, s0  }
0xa: {  	s7 =	smul.u32 $0xC800, s9;
	_ =	strace $0x80000047;
	[dreg:$0xa] =	wrdreg s0  }
0xb: {  	s6 =	sshll.u32 s9, $0xA;
	s17 =	smul.u32 $0x64, s9;
	[dreg:$0x6] =	wrdreg s25  }
0xc: {  	s20 =	sshll.u32 s9, $0x6;
	s9 =	simm.s32 $0x14800;
	[dreg:$0x7] =	wrdreg s26  }
0xd: {  	s14 =	ssub.s32 $0x2, s3;
	s3 =	sshll.u32 s3, $0xE;
	[dreg:$0x8] =	wrdreg s28  }
0xe: {  	[dreg:$0x9] =	wrdreg s29;
	s25 =	simm.s32 $0x14850;
	s5 =	sshrl.u32 s14, $0x1  }
0xf: {  	s16 =	sor.u32 s6, s3;
	s18 =	sshrl.u32 s7, $0x2;
	s3 =	simm.s32 $0x14860  }
0x10: {  	s7 =	simm.s32 $0x147F0;
	s15 =	ssub.s32 s14, s5;
	[dreg:$0xb] =	wrdreg s16  }
0x11: {  	s5 =	sshrl.u32 s16, $0x3;
	s4 =	sadd.s32 s18, s8;
	s14 =	simm.s32 $0x14730  }
0x12: {  	s18 =	simm.s32 $0x14740;
	s16 =	simm.s32 $0x147D0;
	s8 =	simm.s32 $0x14810  }
0x13: {  	s19 =	sadd.s32 s2, s5;
	s2 =	sor.u32 $0x1C02, s20;
	s21 =	sadd.s32 $0x3000, s4  }
0x14: {  	s1 =	sadd.s32 s1, s5;
	s0 =	smax.u32 s15, $0x1;
	[dreg:$0xd] =	wrdreg s2  }
0x15: {  	s22 =	sshrl.u32 s4, $0x3;
	s4 =	simm.s32 $0x14700;
	[dreg:$0xf] =	wrdreg s0  }
0x16: {  	s20 =	simm.s32 $0x14760;
	s5 =	simm.s32 $0x14790;
	[dreg:$0x10] =	wrdreg s22  }
0x17: {  	s15 =	simm.s32 $0x147C0;
	[dreg:$0xc] =	wrdreg s19;
	s23 =	sadd.s32 $0xC000, s19  }
0x18: {  	s24 =	sshrl.u32 s21, $0x3;
	[dreg:$0xe] =	wrdreg s1;
	s1 =	sadd.s32 $0x3000, s1  }
0x19: {  	s0 =	simm.s32 $0x0;
	s19 =	simm.s32 $0x14750;
	[dreg:$0x11] =	wrdreg s23  }
0x1a: {  	s22 =	simm.s32 $0x14770;
	s21 =	simm.s32 $0x147E0;
	[dreg:$0x12] =	wrdreg s24  }
0x1b: {  	v0 =	vmov s17;
	[dreg:$0x13] =	wrdreg s1;
	s24 =	simm.s32 $0x14840;
	s23 =	simm.s32 $0x14780  }
.LBB2_1:
0x1c: {  	s6 =	rddreg [dreg:$0xc]  }
0x1d: {  	s2 =	rddreg [dreg:$0xd]  }
0x1e: {  	s26 =	rddreg [dreg:$0x10]  }
0x1f: {  	s29 =	simm.s32 $0x8;
	s17 =	simm.s32 $0x80;
	s28 =	simm.s32 $0x1000  }
0x20: {  	[spmem:s26@s17], [sflag:s2] =	dma.strided [hbm:s6@s28], $0x600, s29, $0x10   }
0x21: {  	s6 =	rddreg [dreg:$0x11]  }
0x22: {  	s1 =	simm.s32 $0x2;
	s17 =	rddreg [dreg:$0x12]  }
0x23: {  	[spmem:s17], [sflag:s2] =	dma.local [hbm:s6], $0x40  }
0x24: {  	_ =	swait.ge [sflag:s1], $0x640  }
0x25: {  	s26 =	simm.s32 $0x400;
	s28 =	simm.s32 $0x3200;
	[sflag:s1] =	ssyncset.done $0x0  }
0x26: {  	s2 =	simm.s32 $0x8000;
	s17 =	rddreg [dreg:$0xe];
	[sflag:s1] =	ssyncadd.s32 $0xFFFFF9C0  }
0x27: {  	[tilespmem:s28], [sflag:$0x2] =	stream.strided.gather [hbm4b:s17+s26], $0xC00, s2, s26, $0x38;
	[tilespmem:$0x14880] =	vst v63  }
0x28: {  	s6 =	simm.s32 $0x0;
	s29 =	rddreg [dreg:$0x13];
	s2 =	simm.s32 $0x3E00  }
0x29: {  	[tilespmem:s2], [sflag:$0x2] =	stream.linear.gather [hbm4b:s29+s6], $0x100, $0x38;
	[tilespmem:$0x14880] =	vst v63  }
0x2a: {  	_ =	swait.ge [sflag:s1], $0xD00  }
0x2b: {  	[sflag:s1] =	ssyncset.done $0x0  }
0x2c: {  	s29 =	simm.s32 $0x4280;
	s28 =	rddreg [dreg:$0xa];
	[sflag:s1] =	ssyncadd.s32 $0xFFFFF300  }
0x2d: {  	[tilespmem:s29], [sflag:$0x2] =	stream.linear.gather [hbm4b:s28+s6], $0x6800, $0x38;
	[tilespmem:$0x14880] =	vst v63  }
0x2e: {  	_ =	swait.ge [sflag:s1], $0x6800  }
0x2f: {  	[sflag:s1] =	ssyncset.done $0x0  }
0x30: {  	[sflag:s1] =	ssyncadd.s32 $0xFFFF9800  }
0x31: {  	[bflag:$0x0] =	sbarrier.arrive $0xFFFF  }
0x32: {  	v1 =	vld [tilespmem:$0x3600];
	_ =	sdelay $0x4  }
0x33: {  	[tilespmem:$0x1FC90] =	vst v1;
	v1 =	vld [tilespmem:$0x3680];
	_ =	sdelay $0x4  }
0x34: {  	[tilespmem:$0x1FCA0] =	vst v1;
	v1 =	vld [tilespmem:$0x3700];
	_ =	sdelay $0x4  }
0x35: {  	[tilespmem:$0x1FCB0] =	vst v1;
	v1 =	vld [tilespmem:$0x3780];
	_ =	sdelay $0x4  }
0x36: {  	[tilespmem:$0x1FCC0] =	vst v1;
	v1 =	vld [tilespmem:$0x3800];
	_ =	sdelay $0x4  }
0x37: {  	[tilespmem:$0x1FCD0] =	vst v1;
	v1 =	vld [tilespmem:$0x3880];
	_ =	sdelay $0x4  }
0x38: {  	[tilespmem:$0x1FCE0] =	vst v1;
	v1 =	vld [tilespmem:$0x3900];
	_ =	sdelay $0x4  }
0x39: {  	[tilespmem:$0x1FD00] =	vst v1;
	v1 =	vld [tilespmem:$0x3980];
	_ =	sdelay $0x4  }
0x3a: {  	[tilespmem:$0x1FD20] =	vst v1;
	v1 =	vld [tilespmem:$0x3A00];
	_ =	sdelay $0x4  }
0x3b: {  	[tilespmem:$0x1FD40] =	vst v1;
	v1 =	vld [tilespmem:$0x3A80];
	_ =	sdelay $0x4  }
0x3c: {  	[tilespmem:$0x1FD60] =	vst v1;
	v1 =	vld [tilespmem:$0x3B00];
	_ =	sdelay $0x4  }
0x3d: {  	[tilespmem:$0x1FD80] =	vst v1;
	v1 =	vld [tilespmem:$0x3B80];
	_ =	sdelay $0x4  }
0x3e: {  	[tilespmem:$0x1FDA0] =	vst v1;
	v1 =	vld [tilespmem:$0x3C00];
	_ =	sdelay $0x4  }
0x3f: {  	[tilespmem:$0x1FDD0] =	vst v1;
	v1 =	vld [tilespmem:$0x3C80];
	_ =	sdelay $0x4  }
0x40: {  	[tilespmem:$0x1FE00] =	vst v1;
	v1 =	vld [tilespmem:$0x3D00];
	_ =	sdelay $0x4  }
0x41: {  	[tilespmem:$0x1FE30] =	vst v1;
	v1 =	vld [tilespmem:$0x3D80];
	_ =	sdelay $0x4  }
0x42: {  	[tilespmem:$0x1FE60] =	vst v1;
	v1 =	vld [tilespmem:$0x3E00];
	_ =	sdelay $0x4  }
0x43: {  	[tilespmem:$0x1FEA0] =	vst v1;
	v1 =	vld [tilespmem:$0x3E80];
	_ =	sdelay $0x4  }
0x44: {  	[tilespmem:$0x1FEE0] =	vst v1;
	v1 =	vld [tilespmem:$0x3890];
	_ =	sdelay $0x4  }
0x45: {  	[tilespmem:$0x1FCF0] =	vst v1;
	v1 =	vld [tilespmem:$0x3910];
	_ =	sdelay $0x4  }
0x46: {  	[tilespmem:$0x1FD10] =	vst v1;
	v1 =	vld [tilespmem:$0x3990];
	_ =	sdelay $0x4  }
0x47: {  	[tilespmem:$0x1FD30] =	vst v1;
	v1 =	vld [tilespmem:$0x3A10];
	_ =	sdelay $0x4  }
0x48: {  	[tilespmem:$0x1FD50] =	vst v1;
	v1 =	vld [tilespmem:$0x3A90];
	_ =	sdelay $0x4  }
0x49: {  	[tilespmem:$0x1FD70] =	vst v1;
	v1 =	vld [tilespmem:$0x3B10];
	_ =	sdelay $0x4  }
0x4a: {  	[tilespmem:$0x1FD90] =	vst v1;
	v1 =	vld [tilespmem:$0x3B90];
	_ =	sdelay $0x4  }
0x4b: {  	[tilespmem:$0x1FDC0] =	vst v1;
	v1 =	vld [tilespmem:$0x3C10];
	_ =	sdelay $0x4  }
0x4c: {  	[tilespmem:$0x1FDF0] =	vst v1;
	v1 =	vld [tilespmem:$0x3C90];
	_ =	sdelay $0x4  }
0x4d: {  	[tilespmem:$0x1FE20] =	vst v1;
	v1 =	vld [tilespmem:$0x3D10];
	_ =	sdelay $0x4  }
0x4e: {  	[tilespmem:$0x1FE50] =	vst v1;
	v1 =	vld [tilespmem:$0x3D90];
	_ =	sdelay $0x4  }
0x4f: {  	[tilespmem:$0x1FE80] =	vst v1;
	v1 =	vld [tilespmem:$0x3E10];
	_ =	sdelay $0x4  }
0x50: {  	[tilespmem:$0x1FEC0] =	vst v1;
	v1 =	vld [tilespmem:$0x3E90];
	_ =	sdelay $0x4  }
0x51: {  	[tilespmem:$0x1FF00] =	vst v1;
	v1 =	vld [tilespmem:$0x3B20];
	_ =	sdelay $0x4  }
0x52: {  	[tilespmem:$0x1FDB0] =	vst v1;
	v1 =	vld [tilespmem:$0x3BA0];
	_ =	sdelay $0x4  }
0x53: {  	[tilespmem:$0x1FDE0] =	vst v1;
	v1 =	vld [tilespmem:$0x3C20];
	_ =	sdelay $0x4  }
0x54: {  	[tilespmem:$0x1FE10] =	vst v1;
	v1 =	vld [tilespmem:$0x3CA0];
	_ =	sdelay $0x4  }
0x55: {  	[tilespmem:$0x1FE40] =	vst v1;
	v1 =	vld [tilespmem:$0x3D20];
	_ =	sdelay $0x4  }
0x56: {  	[tilespmem:$0x1FE70] =	vst v1;
	v1 =	vld [tilespmem:$0x3DA0];
	_ =	sdelay $0x4  }
0x57: {  	[tilespmem:$0x1FEB0] =	vst v1;
	v1 =	vld [tilespmem:$0x3E20];
	_ =	sdelay $0x4  }
0x58: {  	[tilespmem:$0x1FEF0] =	vst v1;
	v1 =	vld [tilespmem:$0x3EA0];
	_ =	sdelay $0x3  }
0x59: {  	v30 =	vld [tilespmem:$0x3210]  }
0x5a: {  	[tilespmem:$0x1FF20] =	vst v1;
	v1 =	vld [tilespmem:$0x3D30]  }
0x5b: {  	v32 =	vld [tilespmem:$0x3290]  }
0x5c: {  	v37 =	vld [tilespmem:$0x3230];
	_ =	sdelay $0x1  }
0x5d: {  	v4 =	vld [tilespmem:$0x32B0]  }
0x5e: {  	v2 =	vadd.f32 $0.0e+00, v30;
	[tilespmem:$0x1FE90] =	vst v1;
	v1 =	vld [tilespmem:$0x3DB0]  }
0x5f: {  	v5 =	vld [tilespmem:$0x3330]  }
0x60: {  	v2 =	vadd.f32 v32, v2;
	v32 =	vadd.f32 $0.0e+00, v37;
	_ =	sdelay $0x1  }
0x61: {  	v4 =	vadd.f32 v4, v32  }
0x62: {  	[tilespmem:$0x1FED0] =	vst v1;
	v1 =	vld [tilespmem:$0x3E30]  }
0x63: {  	v4 =	vadd.f32 v5, v4;
	v5 =	vld [tilespmem:$0x3840];
	_ =	sdelay $0x3  }
0x64: {  	[tilespmem:$0x1FF10] =	vst v1;
	v1 =	vld [tilespmem:$0x3EB0]  }
0x65: {  	[tilespmem:$0x1FF70] =	vst v5;
	v5 =	vld [tilespmem:$0x38C0];
	_ =	sdelay $0x3  }
0x66: {  	[tilespmem:$0x1FF40] =	vst v1;
	v1 =	vld [tilespmem:$0x3240]  }
0x67: {  	[tilespmem:$0x1FF80] =	vst v5;
	v5 =	vld [tilespmem:$0x3940];
	_ =	sdelay $0x3  }
0x68: {  	[tilespmem:$0x1FF30] =	vst v1;
	v1 =	vld [tilespmem:$0x32C0]  }
0x69: {  	[tilespmem:$0x1FF90] =	vst v5;
	v5 =	vld [tilespmem:$0x39C0];
	_ =	sdelay $0x2  }
0x6a: {  	v40 =	vld [tilespmem:$0x3200]  }
0x6b: {  	[tilespmem:$0x1FF50] =	vst v1;
	v1 =	vld [tilespmem:$0x3340]  }
0x6c: {  	[tilespmem:$0x1FFA0] =	vst v5;
	v5 =	vld [tilespmem:$0x3A40]  }
0x6d: {  	v3 =	vld [tilespmem:$0x3280];
	_ =	sdelay $0x1  }
0x6e: {  	v39 =	vld [tilespmem:$0x3300]  }
0x6f: {  	v44 =	vld [tilespmem:$0x3380];
	[tilespmem:$0x1FF60] =	vst v1;
	v1 =	vadd.f32 $0.0e+00, v40  }
0x70: {  	[tilespmem:$0x1FFB0] =	vst v5;
	v5 =	vld [tilespmem:$0x3AC0]  }
0x71: {  	v1 =	vadd.f32 v3, v1  }
0x72: {  	v47 =	vld [tilespmem:$0x3400]  }
0x73: {  	v1 =	vadd.f32 v39, v1  }
0x74: {  	v52 =	vld [tilespmem:$0x3480]  }
0x75: {  	[tilespmem:$0x1FFC0] =	vst v5;
	v5 =	vld [tilespmem:$0x3B40];
	v1 =	vadd.f32 v44, v1  }
0x76: {  	v56 =	vld [tilespmem:$0x3500]  }
0x77: {  	v1 =	vadd.f32 v47, v1  }
0x78: {  	v60 =	vld [tilespmem:$0x3580]  }
0x79: {  	v1 =	vadd.f32 v52, v1  }
0x7a: {  	[tilespmem:$0x1FFD0] =	vst v5;
	v5 =	vld [tilespmem:$0x1FC90]  }
0x7b: {  	v18 =	vld [tilespmem:$0x3310];
	v1 =	vadd.f32 v56, v1  }
0x7c: {  	v22 =	vld [tilespmem:$0x3390]  }
0x7d: {  	v26 =	vld [tilespmem:$0x3410];
	v1 =	vadd.f32 v60, v1  }
0x7e: {  	v29 =	vld [tilespmem:$0x3490]  }
0x7f: {  	v1 =	vadd.f32 v5, v1;
	v5 =	vld [tilespmem:$0x3BC0]  }
0x80: {  	v34 =	vld [tilespmem:$0x3510]  }
0x81: {  	v41 =	vld [tilespmem:$0x3590]  }
0x82: {  	v45 =	vld [tilespmem:$0x3610]  }
0x83: {  	v49 =	vld [tilespmem:$0x3690]  }
0x84: {  	[tilespmem:$0x1FFE0] =	vst v5;
	v5 =	vld [tilespmem:$0x3C40]  }
0x85: {  	v54 =	vld [tilespmem:$0x3710]  }
0x86: {  	v57 =	vld [tilespmem:$0x3790]  }
0x87: {  	v61 =	vld [tilespmem:$0x3810]  }
0x88: {  	v35 =	vld [tilespmem:$0x3220]  }
0x89: {  	[tilespmem:$0x1FFF0] =	vst v5;
	v5 =	vld [tilespmem:$0x1FCA0]  }
0x8a: {  	v23 =	vld [tilespmem:$0x32A0]  }
0x8b: {  	v21 =	vld [tilespmem:$0x3320]  }
0x8c: {  	v11 =	vld [tilespmem:$0x33A0]  }
0x8d: {  	v13 =	vld [tilespmem:$0x3420]  }
0x8e: {  	v1 =	vadd.f32 v5, v1;
	v5 =	vld [tilespmem:$0x1FCB0]  }
0x8f: {  	v15 =	vld [tilespmem:$0x34A0]  }
0x90: {  	v17 =	vld [tilespmem:$0x3520]  }
0x91: {  	v20 =	vld [tilespmem:$0x35A0];
	v2 =	vadd.f32 v18, v2  }
0x92: {  	v25 =	vld [tilespmem:$0x3620]  }
0x93: {  	v2 =	vadd.f32 v22, v2;
	v1 =	vadd.f32 v5, v1;
	v5 =	vld [tilespmem:$0x1FCC0]  }
0x94: {  	v28 =	vld [tilespmem:$0x36A0]  }
0x95: {  	v33 =	vld [tilespmem:$0x3720];
	v2 =	vadd.f32 v26, v2  }
0x96: {  	v38 =	vld [tilespmem:$0x37A0]  }
0x97: {  	v43 =	vld [tilespmem:$0x3820];
	v2 =	vadd.f32 v29, v2  }
0x98: {  	v1 =	vadd.f32 v5, v1;
	v5 =	vld [tilespmem:$0x1FCD0]  }
0x99: {  	v48 =	vld [tilespmem:$0x38A0];
	v2 =	vadd.f32 v34, v2  }
0x9a: {  	v51 =	vld [tilespmem:$0x3920]  }
0x9b: {  	v55 =	vld [tilespmem:$0x39A0];
	v2 =	vadd.f32 v41, v2  }
0x9c: {  	v59 =	vld [tilespmem:$0x3A20]  }
0x9d: {  	v2 =	vadd.f32 v45, v2;
	v1 =	vadd.f32 v5, v1;
	v5 =	vld [tilespmem:$0x1FCE0]  }
0x9e: {  	v63 =	vld [tilespmem:$0x3AA0]  }
0x9f: {  	v6 =	vld [tilespmem:$0x33B0];
	v2 =	vadd.f32 v49, v2  }
0xa0: {  	v7 =	vld [tilespmem:$0x3430]  }
0xa1: {  	v8 =	vld [tilespmem:$0x34B0];
	v2 =	vadd.f32 v54, v2  }
0xa2: {  	v1 =	vadd.f32 v5, v1;
	v5 =	vld [tilespmem:$0x1FCF0]  }
0xa3: {  	v9 =	vld [tilespmem:$0x3530];
	v2 =	vadd.f32 v57, v2  }
0xa4: {  	v10 =	vld [tilespmem:$0x35B0]  }
0xa5: {  	v12 =	vld [tilespmem:$0x3630];
	v2 =	vadd.f32 v61, v2  }
0xa6: {  	v14 =	vld [tilespmem:$0x36B0]  }
0xa7: {  	v2 =	vadd.f32 v5, v2;
	v5 =	vld [tilespmem:$0x1FD00]  }
0xa8: {  	v16 =	vld [tilespmem:$0x3730]  }
0xa9: {  	v19 =	vld [tilespmem:$0x37B0]  }
0xaa: {  	v24 =	vld [tilespmem:$0x3830]  }
0xab: {  	v27 =	vld [tilespmem:$0x38B0]  }
0xac: {  	v1 =	vadd.f32 v5, v1;
	v5 =	vld [tilespmem:$0x1FD10]  }
0xad: {  	v31 =	vld [tilespmem:$0x3930]  }
0xae: {  	v36 =	vld [tilespmem:$0x39B0];
	v4 =	vadd.f32 v6, v4  }
0xaf: {  	v42 =	vld [tilespmem:$0x3A30]  }
0xb0: {  	v46 =	vld [tilespmem:$0x3AB0];
	v4 =	vadd.f32 v7, v4  }
0xb1: {  	v2 =	vadd.f32 v5, v2;
	v5 =	vld [tilespmem:$0x1FD20]  }
0xb2: {  	v50 =	vld [tilespmem:$0x3B30];
	v4 =	vadd.f32 v8, v4  }
0xb3: {  	v53 =	vld [tilespmem:$0x3BB0]  }
0xb4: {  	v58 =	vld [tilespmem:$0x3C30];
	v4 =	vadd.f32 v9, v4  }
0xb5: {  	v62 =	vld [tilespmem:$0x3CB0]  }
0xb6: {  	v4 =	vadd.f32 v10, v4;
	v1 =	vadd.f32 v5, v1;
	v5 =	vld [tilespmem:$0x1FD30]  }
0xb7: {  	v30 =	vld [tilespmem:$0x3440]  }
0xb8: {  	v37 =	vld [tilespmem:$0x3540];
	v4 =	vadd.f32 v12, v4  }
0xb9: {  	v32 =	vld [tilespmem:$0x3640]  }
0xba: {  	v22 =	vld [tilespmem:$0x3740];
	v4 =	vadd.f32 v14, v4  }
0xbb: {  	v2 =	vadd.f32 v5, v2;
	v5 =	vld [tilespmem:$0x1FD40]  }
0xbc: {  	v26 =	vld [tilespmem:$0x3550];
	v4 =	vadd.f32 v16, v4  }
0xbd: {  	v29 =	vld [tilespmem:$0x36D0]  }
0xbe: {  	v34 =	vld [tilespmem:$0x3850];
	v4 =	vadd.f32 v19, v4  }
0xbf: {  	v8 =	vld [tilespmem:$0x3A50];
	v3 =	vadd.f32 $0.0e+00, v35  }
0xc0: {  	v4 =	vadd.f32 v24, v4;
	v1 =	vadd.f32 v5, v1;
	v5 =	vld [tilespmem:$0x1FD50]  }
0xc1: {  	v10 =	vld [tilespmem:$0x3CD0];
	v3 =	vadd.f32 v23, v3  }
0xc2: {  	v49 =	vld [tilespmem:$0x3E40];
	v4 =	vadd.f32 v27, v4  }
0xc3: {  	v12 =	vld [tilespmem:$0x3950];
	v3 =	vadd.f32 v21, v3  }
0xc4: {  	v14 =	vld [tilespmem:$0x3250];
	v4 =	vadd.f32 v31, v4  }
0xc5: {  	v3 =	vadd.f32 v11, v3;
	v2 =	vadd.f32 v5, v2;
	v5 =	vld [tilespmem:$0x1FD60]  }
0xc6: {  	v16 =	vld [tilespmem:$0x3350];
	v4 =	vadd.f32 v36, v4  }
0xc7: {  	v19 =	vld [tilespmem:$0x33D0];
	v3 =	vadd.f32 v13, v3  }
0xc8: {  	v61 =	vld [tilespmem:$0x3360];
	v4 =	vadd.f32 v42, v4  }
0xc9: {  	v24 =	vld [tilespmem:$0x3450];
	v3 =	vadd.f32 v15, v3  }
0xca: {  	v4 =	vadd.f32 v46, v4;
	v1 =	vadd.f32 v5, v1;
	v5 =	vld [tilespmem:$0x1FD70]  }
0xcb: {  	v27 =	vld [tilespmem:$0x35D0];
	v3 =	vadd.f32 v17, v3  }
0xcc: {  	v31 =	vld [tilespmem:$0x3750];
	v4 =	vadd.f32 v50, v4  }
0xcd: {  	v36 =	vld [tilespmem:$0x38D0];
	v3 =	vadd.f32 v20, v3  }
0xce: {  	v50 =	vld [tilespmem:$0x3260];
	v4 =	vadd.f32 v53, v4  }
0xcf: {  	v3 =	vadd.f32 v25, v3;
	v2 =	vadd.f32 v5, v2;
	v5 =	vld [tilespmem:$0x1FD80]  }
0xd0: {  	v4 =	vadd.f32 v58, v4;
	v58 =	vld [tilespmem:$0x32F0]  }
0xd1: {  	v7 =	vld [tilespmem:$0x1FE00];
	v3 =	vadd.f32 v28, v3  }
0xd2: {  	v45 =	vld [tilespmem:$0x1FEA0]  }
0xd3: {  	v18 =	vld [tilespmem:$0x1FE20];
	v3 =	vadd.f32 v33, v3  }
0xd4: {  	v1 =	vadd.f32 v5, v1;
	v5 =	vld [tilespmem:$0x1FD90]  }
0xd5: {  	v46 =	vld [tilespmem:$0x1FEC0];
	v3 =	vadd.f32 v38, v3  }
0xd6: {  	v54 =	vld [tilespmem:$0x1FF20]  }
0xd7: {  	v53 =	vld [tilespmem:$0x1FF10];
	v3 =	vadd.f32 v43, v3  }
0xd8: {  	v4 =	vadd.f32 v62, v4;
	v62 =	vld [tilespmem:$0x1FF50]  }
0xd9: {  	v3 =	vadd.f32 v48, v3;
	v2 =	vadd.f32 v5, v2;
	v5 =	vld [tilespmem:$0x1FDA0]  }
0xda: {  	v40 =	vld [tilespmem:$0x33C0]  }
0xdb: {  	v35 =	vld [tilespmem:$0x34C0];
	v3 =	vadd.f32 v51, v3  }
0xdc: {  	v23 =	vld [tilespmem:$0x35C0]  }
0xdd: {  	v39 =	vld [tilespmem:$0x37C0];
	v3 =	vadd.f32 v55, v3  }
0xde: {  	v1 =	vadd.f32 v5, v1;
	v5 =	vld [tilespmem:$0x1FDB0]  }
0xdf: {  	v21 =	vld [tilespmem:$0x36C0];
	v3 =	vadd.f32 v59, v3  }
0xe0: {  	v44 =	vld [tilespmem:$0x1FE90]  }
0xe1: {  	v47 =	vld [tilespmem:$0x3EC0];
	v3 =	vadd.f32 v63, v3  }
0xe2: {  	v15 =	vld [tilespmem:$0x32D0]  }
0xe3: {  	v3 =	vadd.f32 v5, v3;
	v5 =	vld [tilespmem:$0x1FDC0]  }
0xe4: {  	v11 =	vld [tilespmem:$0x39D0]  }
0xe5: {  	v14 =	vadd.f32 $0.0e+00, v14;
	v52 =	vld [tilespmem:$0x3DC0]  }
0xe6: {  	v13 =	vld [tilespmem:$0x3C50]  }
0xe7: {  	v56 =	vld [tilespmem:$0x3D40];
	v14 =	vadd.f32 v15, v14  }
0xe8: {  	v2 =	vadd.f32 v5, v2;
	v5 =	vld [tilespmem:$0x1FDD0]  }
0xe9: {  	v60 =	vld [tilespmem:$0x3CC0];
	v14 =	vadd.f32 v16, v14  }
0xea: {  	v25 =	vld [tilespmem:$0x34D0]  }
0xeb: {  	v20 =	vld [tilespmem:$0x1FE30];
	v14 =	vadd.f32 v19, v14  }
0xec: {  	v28 =	vld [tilespmem:$0x3650]  }
0xed: {  	v14 =	vadd.f32 v24, v14;
	v1 =	vadd.f32 v5, v1;
	v5 =	vld [tilespmem:$0x1FDE0]  }
0xee: {  	v33 =	vld [tilespmem:$0x37D0]  }
0xef: {  	v14 =	vadd.f32 v25, v14;
	v7 =	vadd.f32 v7, v1;
	v1 =	vld [tilespmem:$0x1FE10]  }
0xf0: {  	v38 =	vld [tilespmem:$0x1FE40]  }
0xf1: {  	v43 =	vld [tilespmem:$0x1FE80];
	v14 =	vadd.f32 v26, v14  }
0xf2: {  	v6 =	vadd.f32 v5, v3;
	v3 =	vld [tilespmem:$0x1FDF0]  }
0xf3: {  	v48 =	vld [tilespmem:$0x1FED0];
	v14 =	vadd.f32 v27, v14  }
0xf4: {  	v51 =	vld [tilespmem:$0x3270];
	v6 =	vadd.f32 v1, v6  }
0xf5: {  	v14 =	vadd.f32 v28, v14;
	v28 =	vld [tilespmem:$0x3970]  }
0xf6: {  	v9 =	vadd.f32 v38, v6;
	v6 =	vld [tilespmem:$0x1FE50]  }
0xf7: {  	v55 =	vld [tilespmem:$0x1FF30];
	v14 =	vadd.f32 v29, v14;
	v2 =	vadd.f32 v3, v2  }
0xf8: {  	v29 =	vld [tilespmem:$0x39E0]  }
0xf9: {  	v59 =	vld [tilespmem:$0x1FF40];
	v14 =	vadd.f32 v31, v14;
	v2 =	vadd.f32 v18, v2  }
0xfa: {  	v31 =	vld [tilespmem:$0x39F0]  }
0xfb: {  	v14 =	vadd.f32 v33, v14;
	v41 =	vadd.f32 v6, v2;
	v2 =	vld [tilespmem:$0x1FE60]  }
0xfc: {  	v4 =	vadd.f32 v44, v4;
	v63 =	vld [tilespmem:$0x3370]  }
0xfd: {  	v57 =	vadd.f32 $0.0e+00, v55;
	v55 =	vld [tilespmem:$0x33F0];
	v14 =	vadd.f32 v34, v14  }
0xfe: {  	v33 =	vld [tilespmem:$0x3A60];
	v7 =	vadd.f32 v20, v7  }
0xff: {  	v14 =	vadd.f32 v36, v14;
	v38 =	vadd.f32 v48, v4;
	v4 =	vld [tilespmem:$0x1FEE0]  }
0x100: {  	v7 =	vadd.f32 v2, v7;
	v2 =	vld [tilespmem:$0x1FE70]  }
0x101: {  	v12 =	vadd.f32 v12, v14;
	v5 =	vld [tilespmem:$0x3AD0]  }
0x102: {  	v20 =	vadd.f32 v45, v7;
	v7 =	vld [tilespmem:$0x1FEB0]  }
0x103: {  	v11 =	vadd.f32 v11, v12;
	v3 =	vld [tilespmem:$0x3B50]  }
0x104: {  	v44 =	vadd.f32 v62, v57;
	v20 =	vadd.f32 v4, v20;
	v4 =	vld [tilespmem:$0x1FEF0]  }
0x105: {  	v62 =	vld [tilespmem:$0x34F0];
	v8 =	vadd.f32 v8, v11;
	v42 =	vadd.f32 v2, v9  }
0x106: {  	v1 =	vld [tilespmem:$0x3BD0]  }
0x107: {  	v34 =	vld [tilespmem:$0x1FFA0];
	v5 =	vadd.f32 v5, v8;
	v18 =	vadd.f32 v7, v42  }
0x108: {  	v48 =	vld [tilespmem:$0x36F0]  }
0x109: {  	v3 =	vadd.f32 v3, v5;
	v18 =	vadd.f32 v4, v18;
	v4 =	vld [tilespmem:$0x1FF00]  }
0x10a: {  	v38 =	vadd.f32 v53, v38;
	v53 =	vld [tilespmem:$0x33E0];
	v17 =	vadd.f32 v43, v41  }
0x10b: {  	v43 =	vld [tilespmem:$0x32E0];
	v1 =	vadd.f32 v1, v3  }
0x10c: {  	v6 =	vld [tilespmem:$0x3D50];
	v17 =	vadd.f32 v46, v17  }
0x10d: {  	v41 =	vadd.f32 $0.0e+00, v50;
	v50 =	vld [tilespmem:$0x3760];
	v1 =	vadd.f32 v13, v1  }
0x10e: {  	v4 =	vadd.f32 v4, v17;
	v17 =	vadd.f32 v54, v18;
	v54 =	vld [tilespmem:$0x1FF60]  }
0x10f: {  	v46 =	vld [tilespmem:$0x36E0]  }
0x110: {  	v41 =	vadd.f32 v43, v41;
	v43 =	vld [tilespmem:$0x35F0];
	v1 =	vadd.f32 v10, v1  }
0x111: {  	v45 =	vld [tilespmem:$0x3670];
	v42 =	vadd.f32 $0.0e+00, v51  }
0x112: {  	v1 =	vadd.f32 v6, v1;
	v6 =	vld [tilespmem:$0x3E60]  }
0x113: {  	v57 =	vadd.f32 v58, v42;
	v58 =	vld [tilespmem:$0x3460];
	v44 =	vadd.f32 v54, v44  }
0x114: {  	v18 =	vadd.f32 v59, v38;
	v38 =	vadd.f32 v61, v41;
	v59 =	vld [tilespmem:$0x3470]  }
0x115: {  	v16 =	vadd.f32 v63, v57;
	v61 =	vld [tilespmem:$0x34E0];
	v40 =	vadd.f32 v40, v44  }
0x116: {  	v2 =	vld [tilespmem:$0x3DD0];
	v15 =	vadd.f32 v53, v38  }
0x117: {  	v63 =	vld [tilespmem:$0x3560];
	v16 =	vadd.f32 v55, v16;
	v30 =	vadd.f32 v30, v40  }
0x118: {  	v15 =	vadd.f32 v58, v15;
	v40 =	vld [tilespmem:$0x3570]  }
0x119: {  	v42 =	vld [tilespmem:$0x35E0];
	v16 =	vadd.f32 v59, v16;
	v30 =	vadd.f32 v35, v30  }
0x11a: {  	v9 =	vld [tilespmem:$0x3E50];
	v15 =	vadd.f32 v61, v15  }
0x11b: {  	v16 =	vadd.f32 v62, v16;
	v44 =	vld [tilespmem:$0x3660];
	v30 =	vadd.f32 v37, v30  }
0x11c: {  	v51 =	vld [tilespmem:$0x3770];
	v15 =	vadd.f32 v63, v15  }
0x11d: {  	v57 =	vld [tilespmem:$0x3870];
	v16 =	vadd.f32 v40, v16;
	v23 =	vadd.f32 v23, v30  }
0x11e: {  	v55 =	vld [tilespmem:$0x3860];
	v15 =	vadd.f32 v42, v15  }
0x11f: {  	v41 =	vld [tilespmem:$0x3B60];
	v16 =	vadd.f32 v43, v16;
	v23 =	vadd.f32 v32, v23  }
0x120: {  	v53 =	vld [tilespmem:$0x37E0];
	v15 =	vadd.f32 v44, v15  }
0x121: {  	v54 =	vld [tilespmem:$0x37F0];
	v16 =	vadd.f32 v45, v16;
	v21 =	vadd.f32 v21, v23  }
0x122: {  	v59 =	vld [tilespmem:$0x1FF70];
	v15 =	vadd.f32 v46, v15  }
0x123: {  	v58 =	vld [tilespmem:$0x38E0];
	v16 =	vadd.f32 v48, v16;
	v21 =	vadd.f32 v22, v21  }
0x124: {  	v63 =	vld [tilespmem:$0x1FF80];
	v15 =	vadd.f32 v50, v15  }
0x125: {  	v61 =	vld [tilespmem:$0x38F0];
	v16 =	vadd.f32 v51, v16;
	v21 =	vadd.f32 v39, v21  }
0x126: {  	v30 =	vld [tilespmem:$0x1FF90];
	v15 =	vadd.f32 v53, v15  }
0x127: {  	v62 =	vld [tilespmem:$0x3960];
	v16 =	vadd.f32 v54, v16;
	v21 =	vadd.f32 v59, v21  }
0x128: {  	v38 =	vld [tilespmem:$0x1FFB0];
	v15 =	vadd.f32 v55, v15  }
0x129: {  	v42 =	vld [tilespmem:$0x1FFC0];
	v16 =	vadd.f32 v57, v16;
	v21 =	vadd.f32 v63, v21  }
0x12a: {  	v35 =	vld [tilespmem:$0x3A70];
	v15 =	vadd.f32 v58, v15  }
0x12b: {  	v44 =	vld [tilespmem:$0x3BE0];
	v32 =	vadd.f32 v61, v16;
	v21 =	vadd.f32 v30, v21  }
0x12c: {  	v37 =	vld [tilespmem:$0x3AE0];
	v15 =	vadd.f32 v62, v15  }
0x12d: {  	v45 =	vld [tilespmem:$0x1FFD0];
	v36 =	vadd.f32 v28, v32;
	v21 =	vadd.f32 v34, v21  }
0x12e: {  	v39 =	vld [tilespmem:$0x3AF0];
	v15 =	vadd.f32 v29, v15  }
0x12f: {  	v43 =	vld [tilespmem:$0x3B70];
	v40 =	vadd.f32 v31, v36;
	v21 =	vadd.f32 v38, v21  }
0x130: {  	v48 =	vld [tilespmem:$0x1FFE0];
	v15 =	vadd.f32 v33, v15  }
0x131: {  	v46 =	vld [tilespmem:$0x3BF0];
	v8 =	vadd.f32 v35, v40;
	v21 =	vadd.f32 v42, v21  }
0x132: {  	v51 =	vld [tilespmem:$0x1FFF0];
	v14 =	vadd.f32 v37, v15  }
0x133: {  	v5 =	vadd.f32 v39, v8;
	v8 =	vld [tilespmem:$0x3C60];
	v21 =	vadd.f32 v45, v21  }
0x134: {  	v50 =	vld [tilespmem:$0x3C70];
	v12 =	vadd.f32 v41, v14  }
0x135: {  	v3 =	vadd.f32 v43, v5;
	v5 =	vld [tilespmem:$0x3CE0];
	v19 =	vadd.f32 v48, v21  }
0x136: {  	v53 =	vld [tilespmem:$0x3CF0];
	v11 =	vadd.f32 v44, v12  }
0x137: {  	v54 =	vld [tilespmem:$0x3D60];
	v3 =	vadd.f32 v46, v3;
	v16 =	vadd.f32 v51, v19  }
0x138: {  	v57 =	vld [tilespmem:$0x3D70];
	v8 =	vadd.f32 v8, v11  }
0x139: {  	v58 =	vld [tilespmem:$0x3DE0];
	v3 =	vadd.f32 v50, v3;
	v55 =	vadd.f32 v60, v16  }
0x13a: {  	v5 =	vadd.f32 v5, v8;
	v8 =	vld [tilespmem:$0x3DF0]  }
0x13b: {  	v7 =	vld [tilespmem:$0x3ED0];
	v3 =	vadd.f32 v53, v3;
	v59 =	vadd.f32 v56, v55  }
0x13c: {  	v1 =	vadd.f32 v2, v1;
	v61 =	vld [tilespmem:$0x3E70];
	v5 =	vadd.f32 v54, v5  }
0x13d: {  	v2 =	vadd.f32 v57, v3;
	v3 =	vld [tilespmem:$0x3EE0];
	v60 =	vadd.f32 v52, v59  }
0x13e: {  	[tilespmem:$0x4200] =	vst v20;
	v1 =	vadd.f32 v9, v1;
	v63 =	vld [tilespmem:$0x3EF0];
	v5 =	vadd.f32 v58, v5  }
0x13f: {  	[tilespmem:$0x4210] =	vst v4;
	v2 =	vadd.f32 v8, v2;
	v62 =	vadd.f32 v49, v60  }
0x140: {  	v1 =	vadd.f32 v7, v1;
	[tilespmem:$0x4220] =	vst v17;
	v5 =	vadd.f32 v6, v5  }
0x141: {  	[tilespmem:$0x4230] =	vst v18;
	v2 =	vadd.f32 v61, v2;
	v4 =	vadd.f32 v47, v62  }
0x142: {  	[tilespmem:$0x4250] =	vst v1;
	v3 =	vadd.f32 v3, v5  }
0x143: {  	v1 =	vadd.f32 v63, v2;
	[tilespmem:$0x4240] =	vst v4  }
0x144: {  	[tilespmem:$0x4260] =	vst v3  }
0x145: {  	s6 =	simm.s32 $0x0;
	[tilespmem:$0x4270] =	vst v1  }
0x146: {  	v1 =	vld [tilespmem:s6+$0x3200]  }
0x147: {  	v6 =	vld [tilespmem:s6+$0x3210]  }
0x148: {  	v5 =	vld [tilespmem:s6+$0x3220]  }
0x149: {  	v4 =	vld [tilespmem:s6+$0x3230]  }
0x14a: {  	v3 =	vld [tilespmem:s6+$0x3240]  }
0x14b: {  	v2 =	vld [tilespmem:s6+$0x3250];
	v7 =	vadd.f32 v1, v1  }
0x14c: {  	s17 =	simm.s32 $0x200;
	v6 =	vadd.f32 v6, v6;
	v1 =	vld [tilespmem:s6+$0x3260]  }
.LBB2_2:
0x14d: {  	p0 =	sne.s32 s17, $0x3200;
	v7 =	vsub.f32 $1.000000000e+00, v7;
	v5 =	vadd.f32 v5, v5;
	v8 =	vld [tilespmem:s6+$0x3270]  }
0x14e: {  	v6 =	vsub.f32 $1.000000000e+00, v6;
	v4 =	vadd.f32 v4, v4  }
0x14f: {  	s26 =	sshra.s32 s17, $0x2;
	[tilespmem:s6+$0x3200] =	vst v7;
	v5 =	vsub.f32 $1.000000000e+00, v5;
	v3 =	vadd.f32 v3, v3  }
0x150: {  	v7 =	vld [tilespmem:s26+$0x3200];
	[tilespmem:s6+$0x3210] =	vst v6;
	v4 =	vsub.f32 $1.000000000e+00, v4;
	v2 =	vadd.f32 v2, v2  }
0x151: {  	v6 =	vld [tilespmem:s26+$0x3210];
	[tilespmem:s6+$0x3220] =	vst v5;
	v3 =	vsub.f32 $1.000000000e+00, v3;
	v1 =	vadd.f32 v1, v1  }
.Ltmp0:
0x152: {  	v5 =	vld [tilespmem:s26+$0x3220];
	[tilespmem:s6+$0x3230] =	vst v4;
	v2 =	vsub.f32 $1.000000000e+00, v2;
	v8 =	vadd.f32 v8, v8;
	(pc) =	sbr.rel @p0 .LBB2_2-.Ltmp0, $4  }
0x153: {  	v4 =	vld [tilespmem:s26+$0x3230];
	[tilespmem:s6+$0x3240] =	vst v3;
	v1 =	vsub.f32 $1.000000000e+00, v1  }
0x154: {  	v3 =	vld [tilespmem:s26+$0x3240];
	[tilespmem:s6+$0x3250] =	vst v2;
	v8 =	vsub.f32 $1.000000000e+00, v8  }
0x155: {  	v7 =	vadd.f32 v7, v7;
	v2 =	vld [tilespmem:s26+$0x3250];
	[tilespmem:s6+$0x3260] =	vst v1  }
0x156: {  	s17 =	sadd.s32 $0x200, s17;
	v6 =	vadd.f32 v6, v6;
	v1 =	vld [tilespmem:s26+$0x3260];
	[tilespmem:s6+$0x3270] =	vst v8;
	s6 =	smov.u32 s26  }
0x157: {  	v7 =	vsub.f32 $1.000000000e+00, v7;
	v5 =	vadd.f32 v5, v5;
	v8 =	vld [tilespmem:s6+$0x3270]  }
0x158: {  	v6 =	vsub.f32 $1.000000000e+00, v6;
	v4 =	vadd.f32 v4, v4  }
0x159: {  	[tilespmem:s6+$0x3200] =	vst v7;
	v5 =	vsub.f32 $1.000000000e+00, v5;
	v3 =	vadd.f32 v3, v3  }
0x15a: {  	[tilespmem:s6+$0x3210] =	vst v6;
	v4 =	vsub.f32 $1.000000000e+00, v4;
	v2 =	vadd.f32 v2, v2  }
0x15b: {  	[tilespmem:s6+$0x3220] =	vst v5;
	v3 =	vsub.f32 $1.000000000e+00, v3;
	v1 =	vadd.f32 v1, v1  }
0x15c: {  	[tilespmem:s6+$0x3230] =	vst v4;
	v2 =	vsub.f32 $1.000000000e+00, v2;
	v63 =	vadd.f32 v8, v8  }
0x15d: {  	[tilespmem:s6+$0x3240] =	vst v3;
	v1 =	vsub.f32 $1.000000000e+00, v1  }
0x15e: {  	[tilespmem:s6+$0x3250] =	vst v2;
	v2 =	vsub.f32 $1.000000000e+00, v63  }
0x15f: {  	[tilespmem:s6+$0x3260] =	vst v1  }
0x160: {  	s17 =	simm.s32 $0x0;
	[tilespmem:s6+$0x3270] =	vst v2  }
0x161: {  	v1 =	vld [tilespmem:s17+$0x4280];
	_ =	sdelay $0x4  }
0x162: {  	s26 =	simm.s32 $0x10;
	v1 =	vmul.f32 $1.000000000e+02, v1  }
0x163: {  	v2 =	vld [tilespmem:s26+$0x4280]  }
0x164: {  	v1 =	vtrunc.f32 v1  }
0x165: {  	v1 =	vcvt.f32.s32 v1;
	_ =	sdelay $0x1  }
0x166: {  	[dreg:$0x14] =	wrdreg s0;
	s1 =	simm.s32 $0x0;
	s6 =	simm.s32 $0x80;
	vm0 =	vgt.s32 v1, $0x0  }
.LBB2_4:
0x167: {  	s29 =	sshra.s32 s6, $0x2;
	p0 =	sne.s32 s6, $0x19FC0;
	s6 =	sadd.s32 $0x40, s6;
	v3 =	vmul.f32 $1.000000000e+02, v2;
	v1 =	vnsel vm0, $0x0, v1  }
.Ltmp1:
0x168: {  	v2 =	vld [tilespmem:s29+$0x4280];
	v1 =	vmin.u32 v1, $0x63;
	(pc) =	sbr.rel @p0 .LBB2_4-.Ltmp1, $3  }
0x169: {  	v3 =	vtrunc.f32 v3;
	v4 =	vadd.s32 v0, v1  }
0x16a: {  	v1 =	vcvt.f32.s32 v3;
	[tilespmem:s17+$0xAA80] =	vst v4;
	s17 =	smov.u32 s26;
	s26 =	smov.u32 s29;
	_ =	sdelay $0x1  }
0x16b: {  	vm0 =	vgt.s32 v1, $0x0  }
0x16c: {  	v2 =	vmul.f32 $1.000000000e+02, v2;
	_ =	sdelay $0x1  }
0x16d: {  	v2 =	vtrunc.f32 v2  }
0x16e: {  	v2 =	vcvt.f32.s32 v2;
	_ =	sdelay $0x1  }
0x16f: {  	v1 =	vnsel vm0, $0x0, v1;
	vm15 =	vgt.s32 v2, $0x0  }
0x170: {  	v1 =	vmin.u32 v1, $0x63;
	v2 =	vnsel vm15, $0x0, v2  }
0x171: {  	v1 =	vadd.s32 v0, v1;
	v2 =	vmin.u32 v2, $0x63  }
0x172: {  	[tilespmem:s17+$0xAA80] =	vst v1;
	v1 =	vadd.s32 v0, v2  }
0x173: {  	[tilespmem:s26+$0xAA80] =	vst v1  }
.LBB2_6:
0x174: {  	s6 =	smul.u32 $0x1A0, s1;
	_ =	sdelay $0x1  }
0x175: {  	s17 =	rddreg [dreg:$0x4];
	s6 =	sshra.s32 s6, $0x2  }
0x176: {  	s26 =	simm.s32 $0x68;
	s28 =	simm.s32 $0x11280;
	s6 =	sadd.s32 $0xAA80, s6  }
0x177: {  	[tilespmem:s28], [sflag:$0x1] =	stream.indirect.gather [spmem:s17], $0x80, s6, s26, $0xb8;
	[tilespmem:$0x14880] =	vst v63  }
0x178: {  	[dreg:$0x15] =	wrdreg s1;
	s26 =	simm.s32 $0x1  }
0x179: {  	_ =	swait.ge [sflag:s26], $0x3400  }
0x17a: {  	[sflag:s26] =	ssyncset.done $0x0  }
0x17b: {  	[sflag:s26] =	ssyncadd.s32 $0xFFFFCC00  }
0x17c: {  	v1 =	vld [tilespmem:$0x4200]  }
0x17d: {  	v2 =	vld [tilespmem:$0x4210]  }
0x17e: {  	v3 =	vld [tilespmem:$0x4220]  }
0x17f: {  	v4 =	vld [tilespmem:$0x4230]  }
0x180: {  	v5 =	vld [tilespmem:$0x4240]  }
0x181: {  	[tilespmem:$0x14680] =	vst v1;
	v1 =	vld [tilespmem:$0x4250]  }
0x182: {  	[tilespmem:$0x14690] =	vst v2;
	v2 =	vld [tilespmem:$0x4260]  }
0x183: {  	v54 =	vld [tilespmem:$0x4200];
	[tilespmem:$0x146A0] =	vst v3  }
0x184: {  	v55 =	vld [tilespmem:$0x4210];
	[tilespmem:$0x146B0] =	vst v4  }
0x185: {  	v3 =	vld [tilespmem:$0x4270];
	[tilespmem:$0x146C0] =	vst v5  }
0x186: {  	[tilespmem:$0x146D0] =	vst v1;
	v1 =	vld [tilespmem:$0x4220]  }
0x187: {  	[tilespmem:$0x146E0] =	vst v2;
	v2 =	vld [tilespmem:$0x4230]  }
0x188: {  	v56 =	vld [tilespmem:$0x4250];
	[tilespmem:$0x14700] =	vst v54  }
0x189: {  	v57 =	vld [tilespmem:$0x4260];
	[tilespmem:$0x14710] =	vst v55  }
0x18a: {  	[tilespmem:$0x146F0] =	vst v3;
	v3 =	vld [tilespmem:$0x4240]  }
0x18b: {  	[tilespmem:$0x14720] =	vst v1;
	v1 =	vld [tilespmem:$0x4270]  }
0x18c: {  	[tilespmem:$0x14730] =	vst v2;
	v2 =	vld [tilespmem:$0x4200]  }
0x18d: {  	v58 =	vld [tilespmem:$0x4220];
	[tilespmem:$0x14750] =	vst v56  }
0x18e: {  	v59 =	vld [tilespmem:$0x4230];
	[tilespmem:$0x14760] =	vst v57  }
0x18f: {  	[tilespmem:$0x14740] =	vst v3;
	v3 =	vld [tilespmem:$0x4210]  }
0x190: {  	[tilespmem:$0x14770] =	vst v1;
	v1 =	vld [tilespmem:$0x4240]  }
0x191: {  	[tilespmem:$0x14780] =	vst v2;
	v2 =	vld [tilespmem:$0x4250]  }
0x192: {  	v60 =	vld [tilespmem:$0x4270];
	[tilespmem:$0x147A0] =	vst v58  }
0x193: {  	v61 =	vld [tilespmem:$0x4200];
	[tilespmem:$0x147B0] =	vst v59  }
0x194: {  	[tilespmem:$0x14790] =	vst v3;
	v3 =	vld [tilespmem:$0x4260]  }
0x195: {  	[tilespmem:$0x147C0] =	vst v1;
	v1 =	vld [tilespmem:$0x4210]  }
0x196: {  	[tilespmem:$0x147D0] =	vst v2;
	v2 =	vld [tilespmem:$0x4220]  }
0x197: {  	v62 =	vld [tilespmem:$0x4240];
	[tilespmem:$0x147F0] =	vst v60  }
0x198: {  	v63 =	vld [tilespmem:$0x4250];
	[tilespmem:$0x14800] =	vst v61  }
0x199: {  	[tilespmem:$0x147E0] =	vst v3;
	v3 =	vld [tilespmem:$0x4230]  }
0x19a: {  	[tilespmem:$0x14810] =	vst v1;
	v1 =	vld [tilespmem:$0x4260]  }
0x19b: {  	[tilespmem:$0x14820] =	vst v2;
	v2 =	vld [tilespmem:$0x4270]  }
0x19c: {  	[tilespmem:$0x14840] =	vst v62  }
0x19d: {  	[tilespmem:$0x14850] =	vst v63  }
0x19e: {  	[tilespmem:$0x14830] =	vst v3  }
0x19f: {  	[tilespmem:$0x14860] =	vst v1  }
0x1a0: {  	s26 =	simm.s32 $0x0;
	[tilespmem:$0x14870] =	vst v2  }
0x1a1: {  	v1 =	vld [tilespmem:s26+$0x11280]  }
0x1a2: {  	v2 =	vld [tilespmem:s26+$0x3200];
	_ =	sdelay $0x4  }
0x1a3: {  	v1 =	vmul.f32 v2, v1  }
0x1a4: {  	s29 =	simm.s32 $0x14680  }
0x1a5: {  	[tilespmem:s29+$0x0] =	vst.add.f32.msk $0xffff, v1  }
0x1a6: {  	v1 =	vld [tilespmem:s26+$0x11290]  }
0x1a7: {  	v2 =	vld [tilespmem:s26+$0x3210];
	_ =	sdelay $0x4  }
0x1a8: {  	v1 =	vmul.f32 v2, v1  }
0x1a9: {  	s0 =	rddreg [dreg:$0x6]  }
0x1aa: {  	[tilespmem:s0+$0x0] =	vst.add.f32.msk $0xffff, v1  }
0x1ab: {  	v1 =	vld [tilespmem:s26+$0x112A0]  }
0x1ac: {  	v2 =	vld [tilespmem:s26+$0x3220];
	_ =	sdelay $0x4  }
0x1ad: {  	v1 =	vmul.f32 v2, v1  }
0x1ae: {  	s1 =	rddreg [dreg:$0x7]  }
0x1af: {  	[tilespmem:s1+$0x0] =	vst.add.f32.msk $0xffff, v1  }
0x1b0: {  	v1 =	vld [tilespmem:s26+$0x112B0]  }
0x1b1: {  	v2 =	vld [tilespmem:s26+$0x3230];
	_ =	sdelay $0x4  }
0x1b2: {  	v1 =	vmul.f32 v2, v1  }
0x1b3: {  	s2 =	rddreg [dreg:$0x8]  }
0x1b4: {  	[tilespmem:s2+$0x0] =	vst.add.f32.msk $0xffff, v1  }
0x1b5: {  	v1 =	vld [tilespmem:s26+$0x112C0]  }
0x1b6: {  	v2 =	vld [tilespmem:s26+$0x3240];
	_ =	sdelay $0x4  }
0x1b7: {  	v1 =	vmul.f32 v2, v1  }
0x1b8: {  	s17 =	rddreg [dreg:$0x9]  }
0x1b9: {  	[tilespmem:s17+$0x0] =	vst.add.f32.msk $0xffff, v1  }
0x1ba: {  	v1 =	vld [tilespmem:s26+$0x112D0]  }
0x1bb: {  	v2 =	vld [tilespmem:s26+$0x3250];
	_ =	sdelay $0x4  }
0x1bc: {  	v1 =	vmul.f32 v2, v1;
	_ =	sdelay $0x1  }
0x1bd: {  	[tilespmem:s30+$0x0] =	vst.add.f32.msk $0xffff, v1  }
0x1be: {  	v1 =	vld [tilespmem:s26+$0x112E0]  }
0x1bf: {  	v2 =	vld [tilespmem:s26+$0x3260];
	_ =	sdelay $0x4  }
0x1c0: {  	v1 =	vmul.f32 v2, v1;
	_ =	sdelay $0x1  }
0x1c1: {  	[tilespmem:s31+$0x0] =	vst.add.f32.msk $0xffff, v1  }
0x1c2: {  	v1 =	vld [tilespmem:s26+$0x112F0]  }
0x1c3: {  	v2 =	vld [tilespmem:s26+$0x3270];
	_ =	sdelay $0x4  }
0x1c4: {  	v1 =	vmul.f32 v2, v1  }
0x1c5: {  	s0 =	simm.s32 $0x146F0  }
0x1c6: {  	[tilespmem:s0+$0x0] =	vst.add.f32.msk $0xffff, v1  }
0x1c7: {  	v1 =	vld [tilespmem:s26+$0x11F80]  }
0x1c8: {  	v2 =	vld [tilespmem:s26+$0x3200];
	_ =	sdelay $0x4  }
0x1c9: {  	v1 =	vmul.f32 v2, v1;
	_ =	sdelay $0x1  }
0x1ca: {  	[tilespmem:s4+$0x0] =	vst.add.f32.msk $0xffff, v1  }
0x1cb: {  	v1 =	vld [tilespmem:s26+$0x11F90]  }
0x1cc: {  	v2 =	vld [tilespmem:s26+$0x3210];
	_ =	sdelay $0x4  }
0x1cd: {  	v1 =	vmul.f32 v2, v1;
	_ =	sdelay $0x1  }
0x1ce: {  	[tilespmem:s12+$0x0] =	vst.add.f32.msk $0xffff, v1  }
0x1cf: {  	v1 =	vld [tilespmem:s26+$0x11FA0]  }
0x1d0: {  	v2 =	vld [tilespmem:s26+$0x3220];
	_ =	sdelay $0x4  }
0x1d1: {  	v1 =	vmul.f32 v2, v1;
	_ =	sdelay $0x1  }
0x1d2: {  	[tilespmem:s13+$0x0] =	vst.add.f32.msk $0xffff, v1  }
0x1d3: {  	v1 =	vld [tilespmem:s26+$0x11FB0]  }
0x1d4: {  	v2 =	vld [tilespmem:s26+$0x3230];
	_ =	sdelay $0x4  }
0x1d5: {  	v1 =	vmul.f32 v2, v1;
	_ =	sdelay $0x1  }
0x1d6: {  	[tilespmem:s14+$0x0] =	vst.add.f32.msk $0xffff, v1  }
0x1d7: {  	v1 =	vld [tilespmem:s26+$0x11FC0]  }
0x1d8: {  	v2 =	vld [tilespmem:s26+$0x3240];
	_ =	sdelay $0x4  }
0x1d9: {  	v1 =	vmul.f32 v2, v1;
	_ =	sdelay $0x1  }
0x1da: {  	[tilespmem:s18+$0x0] =	vst.add.f32.msk $0xffff, v1  }
0x1db: {  	v1 =	vld [tilespmem:s26+$0x11FD0]  }
0x1dc: {  	v2 =	vld [tilespmem:s26+$0x3250];
	_ =	sdelay $0x4  }
0x1dd: {  	v1 =	vmul.f32 v2, v1;
	_ =	sdelay $0x1  }
0x1de: {  	[tilespmem:s19+$0x0] =	vst.add.f32.msk $0xffff, v1  }
0x1df: {  	v1 =	vld [tilespmem:s26+$0x11FE0]  }
0x1e0: {  	v2 =	vld [tilespmem:s26+$0x3260];
	_ =	sdelay $0x4  }
0x1e1: {  	v1 =	vmul.f32 v2, v1;
	_ =	sdelay $0x1  }
0x1e2: {  	[tilespmem:s20+$0x0] =	vst.add.f32.msk $0xffff, v1  }
0x1e3: {  	v1 =	vld [tilespmem:s26+$0x11FF0]  }
0x1e4: {  	v2 =	vld [tilespmem:s26+$0x3270];
	_ =	sdelay $0x4  }
0x1e5: {  	v1 =	vmul.f32 v2, v1;
	_ =	sdelay $0x1  }
0x1e6: {  	[tilespmem:s22+$0x0] =	vst.add.f32.msk $0xffff, v1  }
0x1e7: {  	v1 =	vld [tilespmem:s26+$0x12C80]  }
0x1e8: {  	v2 =	vld [tilespmem:s26+$0x3200];
	_ =	sdelay $0x4  }
0x1e9: {  	v1 =	vmul.f32 v2, v1;
	_ =	sdelay $0x1  }
0x1ea: {  	[tilespmem:s23+$0x0] =	vst.add.f32.msk $0xffff, v1  }
0x1eb: {  	v1 =	vld [tilespmem:s26+$0x12C90]  }
0x1ec: {  	v2 =	vld [tilespmem:s26+$0x3210];
	_ =	sdelay $0x4  }
0x1ed: {  	v1 =	vmul.f32 v2, v1;
	_ =	sdelay $0x1  }
0x1ee: {  	[tilespmem:s5+$0x0] =	vst.add.f32.msk $0xffff, v1  }
0x1ef: {  	v1 =	vld [tilespmem:s26+$0x12CA0]  }
0x1f0: {  	v2 =	vld [tilespmem:s26+$0x3220];
	_ =	sdelay $0x4  }
0x1f1: {  	v1 =	vmul.f32 v2, v1;
	_ =	sdelay $0x1  }
0x1f2: {  	[tilespmem:s10+$0x0] =	vst.add.f32.msk $0xffff, v1  }
0x1f3: {  	v1 =	vld [tilespmem:s26+$0x12CB0]  }
0x1f4: {  	v2 =	vld [tilespmem:s26+$0x3230];
	_ =	sdelay $0x4  }
0x1f5: {  	v1 =	vmul.f32 v2, v1;
	_ =	sdelay $0x1  }
0x1f6: {  	[tilespmem:s11+$0x0] =	vst.add.f32.msk $0xffff, v1  }
0x1f7: {  	v1 =	vld [tilespmem:s26+$0x12CC0]  }
0x1f8: {  	v2 =	vld [tilespmem:s26+$0x3240];
	_ =	sdelay $0x4  }
0x1f9: {  	v1 =	vmul.f32 v2, v1;
	_ =	sdelay $0x1  }
0x1fa: {  	[tilespmem:s15+$0x0] =	vst.add.f32.msk $0xffff, v1  }
0x1fb: {  	v1 =	vld [tilespmem:s26+$0x12CD0]  }
0x1fc: {  	v2 =	vld [tilespmem:s26+$0x3250];
	_ =	sdelay $0x4  }
0x1fd: {  	v1 =	vmul.f32 v2, v1;
	_ =	sdelay $0x1  }
0x1fe: {  	[tilespmem:s16+$0x0] =	vst.add.f32.msk $0xffff, v1  }
0x1ff: {  	v1 =	vld [tilespmem:s26+$0x12CE0]  }
0x200: {  	v2 =	vld [tilespmem:s26+$0x3260];
	_ =	sdelay $0x4  }
0x201: {  	v1 =	vmul.f32 v2, v1;
	_ =	sdelay $0x1  }
0x202: {  	[tilespmem:s21+$0x0] =	vst.add.f32.msk $0xffff, v1  }
0x203: {  	v1 =	vld [tilespmem:s26+$0x12CF0]  }
0x204: {  	v2 =	vld [tilespmem:s26+$0x3270];
	_ =	sdelay $0x4  }
0x205: {  	v1 =	vmul.f32 v2, v1;
	_ =	sdelay $0x1  }
0x206: {  	[tilespmem:s7+$0x0] =	vst.add.f32.msk $0xffff, v1  }
0x207: {  	v1 =	vld [tilespmem:s26+$0x13980]  }
0x208: {  	v2 =	vld [tilespmem:s26+$0x3200];
	_ =	sdelay $0x4  }
0x209: {  	v1 =	vmul.f32 v2, v1;
	_ =	sdelay $0x1  }
0x20a: {  	[tilespmem:s9+$0x0] =	vst.add.f32.msk $0xffff, v1  }
0x20b: {  	v1 =	vld [tilespmem:s26+$0x13990]  }
0x20c: {  	v2 =	vld [tilespmem:s26+$0x3210];
	_ =	sdelay $0x4  }
0x20d: {  	v1 =	vmul.f32 v2, v1;
	_ =	sdelay $0x1  }
0x20e: {  	[tilespmem:s8+$0x0] =	vst.add.f32.msk $0xffff, v1  }
0x20f: {  	v1 =	vld [tilespmem:s26+$0x139A0]  }
0x210: {  	v2 =	vld [tilespmem:s26+$0x3220];
	_ =	sdelay $0x4  }
0x211: {  	v1 =	vmul.f32 v2, v1  }
0x212: {  	s1 =	simm.s32 $0x14820  }
0x213: {  	[tilespmem:s1+$0x0] =	vst.add.f32.msk $0xffff, v1  }
0x214: {  	v1 =	vld [tilespmem:s26+$0x139B0]  }
0x215: {  	v2 =	vld [tilespmem:s26+$0x3230];
	_ =	sdelay $0x4  }
0x216: {  	v1 =	vmul.f32 v2, v1  }
0x217: {  	s2 =	simm.s32 $0x14830  }
0x218: {  	[tilespmem:s2+$0x0] =	vst.add.f32.msk $0xffff, v1  }
0x219: {  	v1 =	vld [tilespmem:s26+$0x139C0]  }
0x21a: {  	s28 =	simm.s32 $0x14870;
	s17 =	simm.s32 $0x200;
	v2 =	vld [tilespmem:s26+$0x3240]  }
.LBB2_7:
0x21b: {  	_ =	sdelay $0x3  }
0x21c: {  	v1 =	vmul.f32 v2, v1;
	_ =	sdelay $0x1  }
0x21d: {  	[tilespmem:s24+$0x0] =	vst.add.f32.msk $0xffff, v1  }
0x21e: {  	v1 =	vld [tilespmem:s26+$0x139D0]  }
0x21f: {  	v2 =	vld [tilespmem:s26+$0x3250];
	_ =	sdelay $0x4  }
0x220: {  	v1 =	vmul.f32 v2, v1;
	_ =	sdelay $0x1  }
0x221: {  	[tilespmem:s25+$0x0] =	vst.add.f32.msk $0xffff, v1  }
0x222: {  	v1 =	vld [tilespmem:s26+$0x139E0]  }
0x223: {  	v2 =	vld [tilespmem:s26+$0x3260];
	_ =	sdelay $0x4  }
0x224: {  	v1 =	vmul.f32 v2, v1;
	_ =	sdelay $0x1  }
0x225: {  	[tilespmem:s3+$0x0] =	vst.add.f32.msk $0xffff, v1  }
0x226: {  	v1 =	vld [tilespmem:s26+$0x139F0]  }
0x227: {  	v2 =	vld [tilespmem:s26+$0x3270];
	_ =	sdelay $0x4  }
0x228: {  	v1 =	vmul.f32 v2, v1  }
0x229: {  	s6 =	smov.u32 s17  }
0x22a: {  	s26 =	sshra.s32 s6, $0x2;
	[tilespmem:s28+$0x0] =	vst.add.f32.msk $0xffff, v1  }
0x22b: {  	v1 =	vld [tilespmem:s26+$0x11280]  }
0x22c: {  	v2 =	vld [tilespmem:s26+$0x3200];
	_ =	sdelay $0x4  }
0x22d: {  	v1 =	vmul.f32 v2, v1;
	_ =	sdelay $0x1  }
0x22e: {  	[tilespmem:s29+$0x0] =	vst.add.f32.msk $0xffff, v1  }
0x22f: {  	v1 =	vld [tilespmem:s26+$0x11290]  }
0x230: {  	v2 =	vld [tilespmem:s26+$0x3210];
	_ =	sdelay $0x4  }
0x231: {  	v1 =	vmul.f32 v2, v1  }
0x232: {  	s6 =	rddreg [dreg:$0x6]  }
0x233: {  	[tilespmem:s6+$0x0] =	vst.add.f32.msk $0xffff, v1  }
0x234: {  	v1 =	vld [tilespmem:s26+$0x112A0]  }
0x235: {  	v2 =	vld [tilespmem:s26+$0x3220];
	_ =	sdelay $0x4  }
0x236: {  	v1 =	vmul.f32 v2, v1  }
0x237: {  	s6 =	rddreg [dreg:$0x7]  }
0x238: {  	[tilespmem:s6+$0x0] =	vst.add.f32.msk $0xffff, v1  }
0x239: {  	v1 =	vld [tilespmem:s26+$0x112B0]  }
0x23a: {  	v2 =	vld [tilespmem:s26+$0x3230];
	_ =	sdelay $0x4  }
0x23b: {  	v1 =	vmul.f32 v2, v1  }
0x23c: {  	s6 =	rddreg [dreg:$0x8]  }
0x23d: {  	[tilespmem:s6+$0x0] =	vst.add.f32.msk $0xffff, v1  }
0x23e: {  	v1 =	vld [tilespmem:s26+$0x112C0]  }
0x23f: {  	v2 =	vld [tilespmem:s26+$0x3240];
	_ =	sdelay $0x4  }
0x240: {  	v1 =	vmul.f32 v2, v1  }
0x241: {  	s6 =	rddreg [dreg:$0x9]  }
0x242: {  	[tilespmem:s6+$0x0] =	vst.add.f32.msk $0xffff, v1  }
0x243: {  	v1 =	vld [tilespmem:s26+$0x112D0]  }
0x244: {  	v2 =	vld [tilespmem:s26+$0x3250];
	_ =	sdelay $0x4  }
0x245: {  	v1 =	vmul.f32 v2, v1;
	_ =	sdelay $0x1  }
0x246: {  	[tilespmem:s30+$0x0] =	vst.add.f32.msk $0xffff, v1  }
0x247: {  	v1 =	vld [tilespmem:s26+$0x112E0]  }
0x248: {  	v2 =	vld [tilespmem:s26+$0x3260];
	_ =	sdelay $0x4  }
0x249: {  	v1 =	vmul.f32 v2, v1;
	_ =	sdelay $0x1  }
0x24a: {  	[tilespmem:s31+$0x0] =	vst.add.f32.msk $0xffff, v1  }
0x24b: {  	v1 =	vld [tilespmem:s26+$0x112F0]  }
0x24c: {  	v2 =	vld [tilespmem:s26+$0x3270];
	_ =	sdelay $0x4  }
0x24d: {  	v1 =	vmul.f32 v2, v1;
	_ =	sdelay $0x1  }
0x24e: {  	[tilespmem:s0+$0x0] =	vst.add.f32.msk $0xffff, v1  }
0x24f: {  	v1 =	vld [tilespmem:s26+$0x11F80]  }
0x250: {  	v2 =	vld [tilespmem:s26+$0x3200];
	_ =	sdelay $0x4  }
0x251: {  	v1 =	vmul.f32 v2, v1;
	_ =	sdelay $0x1  }
0x252: {  	[tilespmem:s4+$0x0] =	vst.add.f32.msk $0xffff, v1  }
0x253: {  	v1 =	vld [tilespmem:s26+$0x11F90]  }
0x254: {  	v2 =	vld [tilespmem:s26+$0x3210];
	_ =	sdelay $0x4  }
0x255: {  	v1 =	vmul.f32 v2, v1;
	_ =	sdelay $0x1  }
0x256: {  	[tilespmem:s12+$0x0] =	vst.add.f32.msk $0xffff, v1  }
0x257: {  	v1 =	vld [tilespmem:s26+$0x11FA0]  }
0x258: {  	v2 =	vld [tilespmem:s26+$0x3220];
	_ =	sdelay $0x4  }
0x259: {  	v1 =	vmul.f32 v2, v1;
	_ =	sdelay $0x1  }
0x25a: {  	[tilespmem:s13+$0x0] =	vst.add.f32.msk $0xffff, v1  }
0x25b: {  	v1 =	vld [tilespmem:s26+$0x11FB0]  }
0x25c: {  	v2 =	vld [tilespmem:s26+$0x3230];
	_ =	sdelay $0x4  }
0x25d: {  	v1 =	vmul.f32 v2, v1;
	_ =	sdelay $0x1  }
0x25e: {  	[tilespmem:s14+$0x0] =	vst.add.f32.msk $0xffff, v1  }
0x25f: {  	v1 =	vld [tilespmem:s26+$0x11FC0]  }
0x260: {  	v2 =	vld [tilespmem:s26+$0x3240];
	_ =	sdelay $0x4  }
0x261: {  	v1 =	vmul.f32 v2, v1;
	_ =	sdelay $0x1  }
0x262: {  	[tilespmem:s18+$0x0] =	vst.add.f32.msk $0xffff, v1  }
0x263: {  	v1 =	vld [tilespmem:s26+$0x11FD0]  }
0x264: {  	v2 =	vld [tilespmem:s26+$0x3250];
	_ =	sdelay $0x4  }
0x265: {  	v1 =	vmul.f32 v2, v1;
	_ =	sdelay $0x1  }
0x266: {  	[tilespmem:s19+$0x0] =	vst.add.f32.msk $0xffff, v1  }
0x267: {  	v1 =	vld [tilespmem:s26+$0x11FE0]  }
0x268: {  	v2 =	vld [tilespmem:s26+$0x3260];
	_ =	sdelay $0x4  }
0x269: {  	v1 =	vmul.f32 v2, v1;
	_ =	sdelay $0x1  }
0x26a: {  	[tilespmem:s20+$0x0] =	vst.add.f32.msk $0xffff, v1  }
0x26b: {  	v1 =	vld [tilespmem:s26+$0x11FF0]  }
0x26c: {  	v2 =	vld [tilespmem:s26+$0x3270];
	_ =	sdelay $0x4  }
0x26d: {  	v1 =	vmul.f32 v2, v1;
	_ =	sdelay $0x1  }
0x26e: {  	[tilespmem:s22+$0x0] =	vst.add.f32.msk $0xffff, v1  }
0x26f: {  	v1 =	vld [tilespmem:s26+$0x12C80]  }
0x270: {  	v2 =	vld [tilespmem:s26+$0x3200];
	_ =	sdelay $0x4  }
0x271: {  	v1 =	vmul.f32 v2, v1;
	_ =	sdelay $0x1  }
0x272: {  	[tilespmem:s23+$0x0] =	vst.add.f32.msk $0xffff, v1  }
0x273: {  	v1 =	vld [tilespmem:s26+$0x12C90]  }
0x274: {  	v2 =	vld [tilespmem:s26+$0x3210];
	_ =	sdelay $0x4  }
0x275: {  	v1 =	vmul.f32 v2, v1;
	_ =	sdelay $0x1  }
0x276: {  	[tilespmem:s5+$0x0] =	vst.add.f32.msk $0xffff, v1  }
0x277: {  	v1 =	vld [tilespmem:s26+$0x12CA0]  }
0x278: {  	v2 =	vld [tilespmem:s26+$0x3220];
	_ =	sdelay $0x4  }
0x279: {  	v1 =	vmul.f32 v2, v1;
	_ =	sdelay $0x1  }
0x27a: {  	[tilespmem:s10+$0x0] =	vst.add.f32.msk $0xffff, v1  }
0x27b: {  	v1 =	vld [tilespmem:s26+$0x12CB0]  }
0x27c: {  	v2 =	vld [tilespmem:s26+$0x3230];
	_ =	sdelay $0x4  }
0x27d: {  	v1 =	vmul.f32 v2, v1;
	_ =	sdelay $0x1  }
0x27e: {  	[tilespmem:s11+$0x0] =	vst.add.f32.msk $0xffff, v1  }
0x27f: {  	v1 =	vld [tilespmem:s26+$0x12CC0]  }
0x280: {  	v2 =	vld [tilespmem:s26+$0x3240];
	_ =	sdelay $0x4  }
0x281: {  	v1 =	vmul.f32 v2, v1;
	_ =	sdelay $0x1  }
0x282: {  	[tilespmem:s15+$0x0] =	vst.add.f32.msk $0xffff, v1  }
0x283: {  	v1 =	vld [tilespmem:s26+$0x12CD0]  }
0x284: {  	v2 =	vld [tilespmem:s26+$0x3250];
	_ =	sdelay $0x4  }
0x285: {  	v1 =	vmul.f32 v2, v1;
	_ =	sdelay $0x1  }
0x286: {  	[tilespmem:s16+$0x0] =	vst.add.f32.msk $0xffff, v1  }
0x287: {  	v1 =	vld [tilespmem:s26+$0x12CE0]  }
0x288: {  	v2 =	vld [tilespmem:s26+$0x3260];
	_ =	sdelay $0x4  }
0x289: {  	v1 =	vmul.f32 v2, v1;
	_ =	sdelay $0x1  }
0x28a: {  	[tilespmem:s21+$0x0] =	vst.add.f32.msk $0xffff, v1  }
0x28b: {  	v1 =	vld [tilespmem:s26+$0x12CF0]  }
0x28c: {  	v2 =	vld [tilespmem:s26+$0x3270];
	_ =	sdelay $0x4  }
0x28d: {  	v1 =	vmul.f32 v2, v1;
	_ =	sdelay $0x1  }
0x28e: {  	[tilespmem:s7+$0x0] =	vst.add.f32.msk $0xffff, v1  }
0x28f: {  	v1 =	vld [tilespmem:s26+$0x13980]  }
0x290: {  	v2 =	vld [tilespmem:s26+$0x3200];
	_ =	sdelay $0x4  }
0x291: {  	v1 =	vmul.f32 v2, v1;
	_ =	sdelay $0x1  }
0x292: {  	[tilespmem:s9+$0x0] =	vst.add.f32.msk $0xffff, v1  }
0x293: {  	v1 =	vld [tilespmem:s26+$0x13990]  }
0x294: {  	v2 =	vld [tilespmem:s26+$0x3210];
	_ =	sdelay $0x4  }
0x295: {  	v1 =	vmul.f32 v2, v1;
	_ =	sdelay $0x1  }
0x296: {  	[tilespmem:s8+$0x0] =	vst.add.f32.msk $0xffff, v1  }
0x297: {  	v1 =	vld [tilespmem:s26+$0x139A0]  }
0x298: {  	v2 =	vld [tilespmem:s26+$0x3220];
	_ =	sdelay $0x4  }
0x299: {  	v1 =	vmul.f32 v2, v1;
	_ =	sdelay $0x1  }
0x29a: {  	[tilespmem:s1+$0x0] =	vst.add.f32.msk $0xffff, v1  }
0x29b: {  	v1 =	vld [tilespmem:s26+$0x139B0]  }
0x29c: {  	v2 =	vld [tilespmem:s26+$0x3230];
	_ =	sdelay $0x3  }
0x29d: {  	p0 =	sne.s32 s17, $0x3200  }
.Ltmp2:
0x29e: {  	v1 =	vmul.f32 v2, v1;
	(pc) =	sbr.rel @p0 .LBB2_7-.Ltmp2, $4  }
0x29f: {  	_ = 	snop  }
0x2a0: {  	[tilespmem:s2+$0x0] =	vst.add.f32.msk $0xffff, v1  }
0x2a1: {  	v1 =	vld [tilespmem:s26+$0x139C0]  }
0x2a2: {  	s17 =	sadd.s32 $0x200, s17;
	v2 =	vld [tilespmem:s26+$0x3240]  }
0x2a3: {  	_ =	sdelay $0x3  }
0x2a4: {  	v1 =	vmul.f32 v2, v1;
	_ =	sdelay $0x1  }
0x2a5: {  	[tilespmem:s24+$0x0] =	vst.add.f32.msk $0xffff, v1  }
0x2a6: {  	v1 =	vld [tilespmem:s26+$0x139D0]  }
0x2a7: {  	v2 =	vld [tilespmem:s26+$0x3250];
	_ =	sdelay $0x4  }
0x2a8: {  	v1 =	vmul.f32 v2, v1;
	_ =	sdelay $0x1  }
0x2a9: {  	[tilespmem:s25+$0x0] =	vst.add.f32.msk $0xffff, v1  }
0x2aa: {  	v1 =	vld [tilespmem:s26+$0x139E0]  }
0x2ab: {  	v2 =	vld [tilespmem:s26+$0x3260];
	_ =	sdelay $0x4  }
0x2ac: {  	v1 =	vmul.f32 v2, v1;
	_ =	sdelay $0x1  }
0x2ad: {  	[tilespmem:s3+$0x0] =	vst.add.f32.msk $0xffff, v1  }
0x2ae: {  	v1 =	vld [tilespmem:s26+$0x139F0]  }
0x2af: {  	v2 =	vld [tilespmem:s26+$0x3270]  }
0x2b0: {  	s1 =	rddreg [dreg:$0x15]  }
0x2b1: {  	s6 =	sshll.u32 s1, $0x9;
	s17 =	sshll.u32 s1, $0xE  }
0x2b2: {  	s6 =	sand.u32 $0x200, s6;
	s17 =	sand.u32 $0x3F8000, s17  }
0x2b3: {  	s6 =	sor.u32 s17, s6;
	s26 =	rddreg [dreg:$0xb]  }
0x2b4: {  	s6 =	sor.u32 s26, s6;
	v1 =	vmul.f32 v2, v1  }
0x2b5: {  	s0 =	rddreg [dreg:$0x3];
	s1 =	sadd.s32 $0x1, s1;
	s6 =	sshrl.u32 s6, $0x3  }
0x2b6: {  	p0 =	sne.s32 s1, $0x100;
	s6 =	sadd.s32 s0, s6;
	[tilespmem:s28+$0x0] =	vst.add.f32.msk $0xffff, v1;
	s28 =	simm.s32 $0x0  }
0x2b7: {  	[hbm4b:s6+s28] =	stream.linear.scatter [tilespmem:s29], [sflag:$0x2], $0x200, $0x38;
	[tilespmem:$0x14880] =	vst v63  }
.Ltmp3:
0x2b8: {  	_ = 	snop;
	(pc) =	sbr.rel @p0 .LBB2_6-.Ltmp3, $4  }
0x2b9: {  	s29 =	simm.s32 $0x2  }
0x2ba: {  	_ =	swait.ge [sflag:s29], $0x200  }
0x2bb: {  	[sflag:s29] =	ssyncset.done $0x0  }
0x2bc: {  	[sflag:s29] =	ssyncadd.s32 $0xFFFFFE00  }
0x2bd: {  	s0 =	rddreg [dreg:$0x14]  }
0x2be: {  	s6 =	rddreg [dreg:$0xf];
	s0 =	sadd.s32 $0x1, s0  }
0x2bf: {  	p0 =	sne.s32 s0, s6  }
.Ltmp4:
0x2c0: {  	_ = 	snop;
	(pc) =	sbr.rel @p0 .LBB2_1-.Ltmp4, $1  }
0x2c1: {  	_ =	sdelay $0x3  }
0x2c2: {  	_ =	sfence.sel $0x180000  }
0x2c3: {  	[bflag:$0x0] =	sbarrier.arrive $0xFFFF  }
0x2c4: {  	_ =	strace $0x90000047  }
0x2c5: {  	s0 =	stileid.u32;
	[bflag:$0x2] =	sbarrier.arrive $0xFFFF  }
0x2c6: {  	p0 =	sne.s32 s0, $0x0;
	s0 =	rddreg [dreg:$0x5]  }
0x2c7: {  	s0 =	sadd.s32 @!p0 $0x100000, s0  }
0x2c8: {  	[sflag:s0] =	ssyncadd.tile.s32 @!p0 $0x1;
	_ =	shalt  }
.Lfunc_end2:
_tile_overlayer_lowered:
.L_overlay_start_2:
0x2c9: {  	(tag) =	ssettag $0x2  }
0x2ca: {  	s0 =	rddreg [dreg:$0x0];
	s2 =	stileid.u32  }
0x2cb: {  	s1 =	rddreg [dreg:$0x1];
	p0 =	sne.s32 s2, $0x0  }
0x2cc: {  	s3 =	rddreg [dreg:$0x2];
	[bflag:$0x3] =	sbarrier.arrive $0xFFFF;
	s2 =	simm.s32 @!p0 $0x1C02  }
0x2cd: {  	[timem:s3], [sflag:s2] =	dma.local @!p0 [hbm:s0], s1  }
0x2ce: {  	s0 =	simm.s32 @!p0 $0x2  }
0x2cf: {  	_ =	swait.ge @!p0 [sflag:s0], s1  }
0x2d0: {  	s1 =	ssub.s32 @!p0 $0x0, s1;
	[sflag:s0] =	ssyncset.done @!p0 $0x0  }
0x2d1: {  	[sflag:s0] =	ssyncadd.s32 @!p0 s1  }
0x2d2: {  	[bflag:$0x3] =	sbarrier.arrive $0xFFFF  }
0x2d3: {  	_ =	shalt  }

</sc_bundles>
